<compile_context>
chip_gen: v7x
topology: tpu7x:2x2x1
jax: 0.10.2.dev20260603
libtpu: 0.0.44.dev20260713+nightly
codegen_flags: <defaults>
</compile_context>

<pallas_src>
import functools

import jax
import jax.numpy as jnp
from jax import lax
from jax.experimental import pallas as pl
from jax.experimental.pallas import tpu as pltpu
from jax.experimental.pallas import tpu_sc as plsc

N = 10000
E = 320000
D = 128

NC = 2
NS = 16
NW = NC * NS
EPT = E // NW
CH = 80
NB = 5
BC = 25
RPT = 624


def _mm_body(x_ref, w_ref, o_ref):
    o_ref[...] = jnp.dot(x_ref[...], w_ref[...],
                         preferred_element_type=jnp.float32)


def _matmul(x, W):
    return pl.pallas_call(
        _mm_body,
        grid=(10,),
        in_specs=[
            pl.BlockSpec((N // 10, D), lambda i: (i, 0)),
            pl.BlockSpec((D, D), lambda i: (0, 0)),
        ],
        out_specs=pl.BlockSpec((N // 10, D), lambda i: (i, 0)),
        out_shape=jax.ShapeDtypeStruct((N, D), jnp.float32),
    )(x, W)


_sc_mesh = plsc.VectorSubcoreMesh(core_axis_name="c", subcore_axis_name="s")


@functools.partial(
    pl.kernel,
    out_type=jax.ShapeDtypeStruct((NC, N, D), jnp.float32),
    mesh=_sc_mesh,
    scratch_types=[
        pltpu.VMEM((BC, CH), jnp.int32),
        pltpu.VMEM((BC, CH), jnp.int32),
        pltpu.VMEM((BC, CH), jnp.float32),
        pltpu.VMEM((CH, D), jnp.float32),
        pltpu.VMEM_SHARED((N, D), jnp.float32),
        pltpu.SemaphoreType.DMA,
    ],
)
def _sc_spmm(h_hbm, src_hbm, dst_hbm, w_hbm, out_hbm,
             src_v, dst_v, w_v, rows_v, agg_sh, sem):
    cid = lax.axis_index("c")
    sid = lax.axis_index("s")
    wid = cid * NS + sid

    zeros16 = jnp.zeros((16,), jnp.float32)

    def _z(i, _):
        r = i // (D // 16)
        v = i % (D // 16)
        rows_v[r, pl.ds(v * 16, 16)] = zeros16
        return 0

    lax.fori_loop(0, CH * (D // 16), _z, 0)
    for j in range(8):
        pltpu.sync_copy(rows_v, agg_sh.at[pl.ds(sid * RPT + j * CH, CH)])
    plsc.subcore_barrier()

    def _block(b, _):
        pltpu.sync_copy(src_hbm.at[wid, b], src_v)
        pltpu.sync_copy(dst_hbm.at[wid, b], dst_v)
        pltpu.sync_copy(w_hbm.at[wid, b], w_v)

        def _chunk(i, _):
            pltpu.async_copy(h_hbm.at[src_v.at[i]], rows_v, sem).wait()

            def _group(g, _):
                wv = w_v[i, pl.ds(g * 16, 16)]
                for j in range(16):
                    w = wv[j]
                    for v in range(D // 16):
                        e = g * 16 + j
                        rows_v[e, pl.ds(v * 16, 16)] = (
                            rows_v[e, pl.ds(v * 16, 16)] * w)
                return 0

            lax.fori_loop(0, CH // 16, _group, 0)
            pltpu.sync_copy(rows_v, agg_sh.at[dst_v.at[i]], add=True)
            return 0

        lax.fori_loop(0, BC, _chunk, 0)
        return 0

    lax.fori_loop(0, NB, _block, 0)
    plsc.subcore_barrier()

    pltpu.sync_copy(agg_sh.at[pl.ds(sid * RPT, RPT)],
                    out_hbm.at[cid, pl.ds(sid * RPT, RPT)])

    @pl.when(sid == NS - 1)
    def _tail():
        pltpu.sync_copy(agg_sh.at[pl.ds(NS * RPT, N - NS * RPT)],
                        out_hbm.at[cid, pl.ds(NS * RPT, N - NS * RPT)])


def _comb_body(a_ref, b_ref, o_ref):
    o_ref[...] = jnp.maximum(a_ref[...] + b_ref[...], 0.0)


def _combine(p0, p1):
    return pl.pallas_call(
        _comb_body,
        grid=(10,),
        in_specs=[
            pl.BlockSpec((N // 10, D), lambda i: (i, 0)),
            pl.BlockSpec((N // 10, D), lambda i: (i, 0)),
        ],
        out_specs=pl.BlockSpec((N // 10, D), lambda i: (i, 0)),
        out_shape=jax.ShapeDtypeStruct((N, D), jnp.float32),
    )(p0, p1)


def kernel(x, edge_index, edge_weight, W):
    h = _matmul(x, W)
    src = edge_index[0].astype(jnp.int32).reshape(NW, NB, BC, CH)
    dst = edge_index[1].astype(jnp.int32).reshape(NW, NB, BC, CH)
    w = edge_weight.reshape(NW, NB, BC, CH)
    partials = _sc_spmm(h, src, dst, w)
    return _combine(partials[0], partials[1])

# --- scband reference (transcript-rebuilt; emitter-appended) ---
"""Pipeline reference for scband-graph-conv-sparse-31671088840935 (READ-ONLY COPY).

The authoritative reference and input builder live on the scoring server;
editing this copy changes nothing except your own understanding.
"""

import jax, jax.numpy as jnp
import numpy as np

N_NODES = 10000
N_EDGES = 320000
D_IN = 128
D_OUT = 128


def glorot_init(key, input_dim, output_dim):
    init_range = np.sqrt(6.0 / (input_dim + output_dim))
    return jax.random.uniform(key, (input_dim, output_dim), dtype=jnp.float32,
                              minval=-init_range, maxval=init_range)


def setup_inputs(seed: int = 0) -> dict:
    key = jax.random.key(seed)
    k1, k2, k3, k4 = jax.random.split(key, 4)
    x = jax.random.normal(k1, (N_NODES, D_IN), dtype=jnp.float32)
    edge_index = jax.random.randint(k2, (2, N_EDGES), 0, N_NODES)
    edge_weight = jax.random.uniform(k3, (N_EDGES,), dtype=jnp.float32)
    W = glorot_init(k4, D_IN, D_OUT)
    return {"x": x, "edge_index": edge_index, "edge_weight": edge_weight, "W": W}


def reference(x, edge_index, edge_weight, W):
    # x = torch.mm(x, self.weight)
    h = jnp.dot(x, W)
    # x = torch.mm(self.adj, x)  -- sparse adj @ h as gather + weighted scatter-add
    src = edge_index[0]
    dst = edge_index[1]
    msgs = jnp.take(h, src, axis=0) * edge_weight[:, None]
    agg = jax.ops.segment_sum(msgs, dst, num_segments=N_NODES)
    # outputs = self.activation(x)  (F.relu)
    return jax.nn.relu(agg)

if __name__ == "__main__":
    import jax
    _d = setup_inputs()
    print(jax.jit(kernel)(*tuple(_d.values())))

</pallas_src>

<mosaic_0001>
#map = affine_map<(d0, d1) -> (0, 0)>
#map1 = affine_map<(d0, d1) -> (0, 0, 0, 0)>
#map2 = affine_map<(d0, d1) -> (0, 0, 0)>
module attributes {stable_mosaic.version = 14 : i64} {
  func.func @_sc_spmm(%arg0: i32, %arg1: i32, %arg2: memref<10000x128xf32, #tpu.memory_space<hbm>>, %arg3: memref<32x5x25x80xi32, #tpu.memory_space<hbm>>, %arg4: memref<32x5x25x80xi32, #tpu.memory_space<hbm>>, %arg5: memref<32x5x25x80xf32, #tpu.memory_space<hbm>>, %arg6: memref<2x10000x128xf32, #tpu.memory_space<hbm>>, %arg7: memref<25x80xi32, #tpu.memory_space<vmem>>, %arg8: memref<25x80xi32, #tpu.memory_space<vmem>>, %arg9: memref<25x80xf32, #tpu.memory_space<vmem>>, %arg10: memref<80x128xf32, #tpu.memory_space<vmem>>, %arg11: memref<10000x128xf32, #tpu.memory_space<vmem_shared>>, %arg12: memref<!tpu.dma_semaphore, #tpu.memory_space<semaphore_mem>>) attributes {dimension_semantics = [#tpu.dimension_semantics<core_parallel>, #tpu.dimension_semantics<subcore_parallel>], iteration_bounds = array<i64: 2, 16>, scalar_prefetch = 0 : i64, scratch_operands = 6 : i64, tpu.core_type = #tpu.core_type<sc_vector_subcore>, window_params = [{transform_indices = #map}, {transform_indices = #map1}, {transform_indices = #map1}, {transform_indices = #map1}, {transform_indices = #map2}]} {
    %mul3A = arith.constant 16 : i32
    %mul3A_0 = arith.muli %arg0, %mul3A : i32
    %add3A = arith.addi %mul3A_0, %arg1 : i32
    %broadcast_in_dim3A = arith.constant 0.000000e+00 : f32
    %broadcast_in_dim3A_1 = vector.broadcast %broadcast_in_dim3A : f32 to vector<16xf32>
    %scan3A = arith.constant 0 : i32
    %scan3A_2 = arith.constant 0 : i32
    %scan3A_3 = arith.constant 640 : i32
    %scan3A_4 = arith.addi %scan3A_2, %scan3A_3 : i32
    %scan3A_5 = arith.constant 1 : i32
    %scan3A_6 = scf.for %scan3A_54 = %scan3A_2 to %scan3A_4 step %scan3A_5 iter_args(%scan3A_55 = %scan3A) -> (i32)  : i32 {
      %jit3A = arith.constant 8 : i32
      %div3A = arith.divsi %scan3A_54, %jit3A : i32
      %sign3A = arith.constant 0 : i32
      %sign3A_56 = arith.cmpi sgt, %scan3A_54, %sign3A : i32
      %sign3A_57 = arith.extui %sign3A_56 : i1 to i32
      %sign3A_58 = arith.constant 0 : i32
      %sign3A_59 = arith.cmpi slt, %scan3A_54, %sign3A_58 : i32
      %sign3A_60 = arith.extui %sign3A_59 : i1 to i32
      %sign3A_61 = arith.subi %sign3A_57, %sign3A_60 : i32
      %sign3A_62 = arith.constant 0 : i32
      %sign3A_63 = arith.cmpi sgt, %jit3A, %sign3A_62 : i32
      %sign3A_64 = arith.extui %sign3A_63 : i1 to i32
      %sign3A_65 = arith.constant 0 : i32
      %sign3A_66 = arith.cmpi slt, %jit3A, %sign3A_65 : i32
      %sign3A_67 = arith.extui %sign3A_66 : i1 to i32
      %sign3A_68 = arith.subi %sign3A_64, %sign3A_67 : i32
      %ne3A = arith.cmpi ne, %sign3A_61, %sign3A_68 : i32
      %rem3A = arith.remsi %scan3A_54, %jit3A : i32
      %ne3A_69 = arith.constant 0 : i32
      %ne3A_70 = arith.cmpi ne, %rem3A, %ne3A_69 : i32
      %and3A = arith.andi %ne3A, %ne3A_70 : i1
      %sub3A = arith.constant 1 : i32
      %sub3A_71 = arith.subi %div3A, %sub3A : i32
      %select_n3A = arith.select %and3A, %sub3A_71, %div3A : i32
      %jit3A_72 = arith.constant 8 : i32
      %eq3A_73 = arith.constant 0 : i32
      %eq3A_74 = arith.cmpi eq, %jit3A_72, %eq3A_73 : i32
      %jit3A_75 = arith.constant 1 : i32
      %select_n3A_76 = arith.select %eq3A_74, %jit3A_75, %jit3A_72 : i32
      %rem3A_77 = arith.remsi %scan3A_54, %select_n3A_76 : i32
      %ne3A_78 = arith.constant 0 : i32
      %ne3A_79 = arith.cmpi ne, %rem3A_77, %ne3A_78 : i32
      %lt3A = arith.constant 0 : i32
      %lt3A_80 = arith.cmpi slt, %rem3A_77, %lt3A : i32
      %lt3A_81 = arith.constant 0 : i32
      %lt3A_82 = arith.cmpi slt, %select_n3A_76, %lt3A_81 : i32
      %ne3A_83 = arith.xori %lt3A_80, %lt3A_82 : i1
      %and3A_84 = arith.andi %ne3A_83, %ne3A_79 : i1
      %add3A_85 = arith.addi %rem3A_77, %select_n3A_76 : i32
      %select_n3A_86 = arith.select %and3A_84, %add3A_85, %rem3A_77 : i32
      %mul3A_87 = arith.constant 16 : i32
      %mul3A_88 = arith.muli %select_n3A_86, %mul3A_87 : i32
      %swap3A = arith.index_cast %select_n3A : i32 to index
      %swap3A_89 = arith.index_cast %mul3A_88 : i32 to index
      %swap3A_90 = tpu.vector_load %arg10[%swap3A, %swap3A_89] {strides = array<i32>} : memref<80x128xf32, #tpu.memory_space<vmem>>, vector<1x16xf32>,
      %swap3A_91 = vector.shape_cast %swap3A_90 : vector<1x16xf32> to vector<16xf32>
      %swap3A_92 = vector.shape_cast %broadcast_in_dim3A_1 : vector<16xf32> to vector<1x16xf32>
      tpu.vector_store %arg10[%swap3A, %swap3A_89], %swap3A_92 {strides = array<i32>} : memref<80x128xf32, #tpu.memory_space<vmem>>, vector<1x16xf32>,
      %scan3A_93 = arith.constant 0 : i32
      scf.yield %scan3A_93 : i32
    }
    %scan3A_7 = arith.constant 640 : i32
    %mul3A_8 = arith.constant 624 : i32
    %mul3A_9 = arith.muli %arg1, %mul3A_8 : i32
    %add3A_10 = arith.constant 0 : i32
    %add3A_11 = arith.addi %mul3A_9, %add3A_10 : i32
    "tpu.region"() ({
      %run_scoped3A = tpu.sem_alloc : memref<!tpu.dma_semaphore, #tpu.memory_space<semaphore_mem>>
      %dma_start3A = arith.constant 0 : i32
      %dma_start3A_54 = tpu.memref_slice %arg11[%add3A_11, %dma_start3A] : memref<10000x128xf32, #tpu.memory_space<vmem_shared>> -> memref<80x128xf32, #tpu.memory_space<vmem_shared>>
      %dma_start3A_55 = arith.constant 0 : i32
      %dma_start3A_56 = tpu.memref_slice %arg11[%add3A_11, %dma_start3A_55] : memref<10000x128xf32, #tpu.memory_space<vmem_shared>> -> memref<80x128xf32, #tpu.memory_space<vmem_shared>>
      tpu.enqueue_dma source(%arg10 : memref<80x128xf32, #tpu.memory_space<vmem>>) target(%dma_start3A_56 : memref<80x128xf32, #tpu.memory_space<vmem_shared>>) target_semaphore(%run_scoped3A : memref<!tpu.dma_semaphore, #tpu.memory_space<semaphore_mem>>)
      %dma_wait3A = arith.constant 0 : i32
      %dma_wait3A_57 = tpu.memref_slice %arg11[%add3A_11, %dma_wait3A] : memref<10000x128xf32, #tpu.memory_space<vmem_shared>> -> memref<80x128xf32, #tpu.memory_space<vmem_shared>>
      %dma_wait3A_58 = arith.constant 0 : i32
      %dma_wait3A_59 = tpu.memref_slice %arg11[%add3A_11, %dma_wait3A_58] : memref<10000x128xf32, #tpu.memory_space<vmem_shared>> -> memref<80x128xf32, #tpu.memory_space<vmem_shared>>
      tpu.wait_dma2 semaphore(%run_scoped3A : memref<!tpu.dma_semaphore, #tpu.memory_space<semaphore_mem>>) src(%arg10 : memref<80x128xf32, #tpu.memory_space<vmem>>) dst(%dma_wait3A_59 : memref<80x128xf32, #tpu.memory_space<vmem_shared>>)
      tpu.yield
    }) : () -> ()
    %mul3A_12 = arith.constant 624 : i32
    %mul3A_13 = arith.muli %arg1, %mul3A_12 : i32
    %add3A_14 = arith.constant 80 : i32
    %add3A_15 = arith.addi %mul3A_13, %add3A_14 : i32
    "tpu.region"() ({
      %run_scoped3A = tpu.sem_alloc : memref<!tpu.dma_semaphore, #tpu.memory_space<semaphore_mem>>
      %dma_start3A = arith.constant 0 : i32
      %dma_start3A_54 = tpu.memref_slice %arg11[%add3A_15, %dma_start3A] : memref<10000x128xf32, #tpu.memory_space<vmem_shared>> -> memref<80x128xf32, #tpu.memory_space<vmem_shared>>
      %dma_start3A_55 = arith.constant 0 : i32
      %dma_start3A_56 = tpu.memref_slice %arg11[%add3A_15, %dma_start3A_55] : memref<10000x128xf32, #tpu.memory_space<vmem_shared>> -> memref<80x128xf32, #tpu.memory_space<vmem_shared>>
      tpu.enqueue_dma source(%arg10 : memref<80x128xf32, #tpu.memory_space<vmem>>) target(%dma_start3A_56 : memref<80x128xf32, #tpu.memory_space<vmem_shared>>) target_semaphore(%run_scoped3A : memref<!tpu.dma_semaphore, #tpu.memory_space<semaphore_mem>>)
      %dma_wait3A = arith.constant 0 : i32
      %dma_wait3A_57 = tpu.memref_slice %arg11[%add3A_15, %dma_wait3A] : memref<10000x128xf32, #tpu.memory_space<vmem_shared>> -> memref<80x128xf32, #tpu.memory_space<vmem_shared>>
      %dma_wait3A_58 = arith.constant 0 : i32
      %dma_wait3A_59 = tpu.memref_slice %arg11[%add3A_15, %dma_wait3A_58] : memref<10000x128xf32, #tpu.memory_space<vmem_shared>> -> memref<80x128xf32, #tpu.memory_space<vmem_shared>>
      tpu.wait_dma2 semaphore(%run_scoped3A : memref<!tpu.dma_semaphore, #tpu.memory_space<semaphore_mem>>) src(%arg10 : memref<80x128xf32, #tpu.memory_space<vmem>>) dst(%dma_wait3A_59 : memref<80x128xf32, #tpu.memory_space<vmem_shared>>)
      tpu.yield
    }) : () -> ()
    %mul3A_16 = arith.constant 624 : i32
    %mul3A_17 = arith.muli %arg1, %mul3A_16 : i32
    %add3A_18 = arith.constant 160 : i32
    %add3A_19 = arith.addi %mul3A_17, %add3A_18 : i32
    "tpu.region"() ({
      %run_scoped3A = tpu.sem_alloc : memref<!tpu.dma_semaphore, #tpu.memory_space<semaphore_mem>>
      %dma_start3A = arith.constant 0 : i32
      %dma_start3A_54 = tpu.memref_slice %arg11[%add3A_19, %dma_start3A] : memref<10000x128xf32, #tpu.memory_space<vmem_shared>> -> memref<80x128xf32, #tpu.memory_space<vmem_shared>>
      %dma_start3A_55 = arith.constant 0 : i32
      %dma_start3A_56 = tpu.memref_slice %arg11[%add3A_19, %dma_start3A_55] : memref<10000x128xf32, #tpu.memory_space<vmem_shared>> -> memref<80x128xf32, #tpu.memory_space<vmem_shared>>
      tpu.enqueue_dma source(%arg10 : memref<80x128xf32, #tpu.memory_space<vmem>>) target(%dma_start3A_56 : memref<80x128xf32, #tpu.memory_space<vmem_shared>>) target_semaphore(%run_scoped3A : memref<!tpu.dma_semaphore, #tpu.memory_space<semaphore_mem>>)
      %dma_wait3A = arith.constant 0 : i32
      %dma_wait3A_57 = tpu.memref_slice %arg11[%add3A_19, %dma_wait3A] : memref<10000x128xf32, #tpu.memory_space<vmem_shared>> -> memref<80x128xf32, #tpu.memory_space<vmem_shared>>
      %dma_wait3A_58 = arith.constant 0 : i32
      %dma_wait3A_59 = tpu.memref_slice %arg11[%add3A_19, %dma_wait3A_58] : memref<10000x128xf32, #tpu.memory_space<vmem_shared>> -> memref<80x128xf32, #tpu.memory_space<vmem_shared>>
      tpu.wait_dma2 semaphore(%run_scoped3A : memref<!tpu.dma_semaphore, #tpu.memory_space<semaphore_mem>>) src(%arg10 : memref<80x128xf32, #tpu.memory_space<vmem>>) dst(%dma_wait3A_59 : memref<80x128xf32, #tpu.memory_space<vmem_shared>>)
      tpu.yield
    }) : () -> ()
    %mul3A_20 = arith.constant 624 : i32
    %mul3A_21 = arith.muli %arg1, %mul3A_20 : i32
    %add3A_22 = arith.constant 240 : i32
    %add3A_23 = arith.addi %mul3A_21, %add3A_22 : i32
    "tpu.region"() ({
      %run_scoped3A = tpu.sem_alloc : memref<!tpu.dma_semaphore, #tpu.memory_space<semaphore_mem>>
      %dma_start3A = arith.constant 0 : i32
      %dma_start3A_54 = tpu.memref_slice %arg11[%add3A_23, %dma_start3A] : memref<10000x128xf32, #tpu.memory_space<vmem_shared>> -> memref<80x128xf32, #tpu.memory_space<vmem_shared>>
      %dma_start3A_55 = arith.constant 0 : i32
      %dma_start3A_56 = tpu.memref_slice %arg11[%add3A_23, %dma_start3A_55] : memref<10000x128xf32, #tpu.memory_space<vmem_shared>> -> memref<80x128xf32, #tpu.memory_space<vmem_shared>>
      tpu.enqueue_dma source(%arg10 : memref<80x128xf32, #tpu.memory_space<vmem>>) target(%dma_start3A_56 : memref<80x128xf32, #tpu.memory_space<vmem_shared>>) target_semaphore(%run_scoped3A : memref<!tpu.dma_semaphore, #tpu.memory_space<semaphore_mem>>)
      %dma_wait3A = arith.constant 0 : i32
      %dma_wait3A_57 = tpu.memref_slice %arg11[%add3A_23, %dma_wait3A] : memref<10000x128xf32, #tpu.memory_space<vmem_shared>> -> memref<80x128xf32, #tpu.memory_space<vmem_shared>>
      %dma_wait3A_58 = arith.constant 0 : i32
      %dma_wait3A_59 = tpu.memref_slice %arg11[%add3A_23, %dma_wait3A_58] : memref<10000x128xf32, #tpu.memory_space<vmem_shared>> -> memref<80x128xf32, #tpu.memory_space<vmem_shared>>
      tpu.wait_dma2 semaphore(%run_scoped3A : memref<!tpu.dma_semaphore, #tpu.memory_space<semaphore_mem>>) src(%arg10 : memref<80x128xf32, #tpu.memory_space<vmem>>) dst(%dma_wait3A_59 : memref<80x128xf32, #tpu.memory_space<vmem_shared>>)
      tpu.yield
    }) : () -> ()
    %mul3A_24 = arith.constant 624 : i32
    %mul3A_25 = arith.muli %arg1, %mul3A_24 : i32
    %add3A_26 = arith.constant 320 : i32
    %add3A_27 = arith.addi %mul3A_25, %add3A_26 : i32
    "tpu.region"() ({
      %run_scoped3A = tpu.sem_alloc : memref<!tpu.dma_semaphore, #tpu.memory_space<semaphore_mem>>
      %dma_start3A = arith.constant 0 : i32
      %dma_start3A_54 = tpu.memref_slice %arg11[%add3A_27, %dma_start3A] : memref<10000x128xf32, #tpu.memory_space<vmem_shared>> -> memref<80x128xf32, #tpu.memory_space<vmem_shared>>
      %dma_start3A_55 = arith.constant 0 : i32
      %dma_start3A_56 = tpu.memref_slice %arg11[%add3A_27, %dma_start3A_55] : memref<10000x128xf32, #tpu.memory_space<vmem_shared>> -> memref<80x128xf32, #tpu.memory_space<vmem_shared>>
      tpu.enqueue_dma source(%arg10 : memref<80x128xf32, #tpu.memory_space<vmem>>) target(%dma_start3A_56 : memref<80x128xf32, #tpu.memory_space<vmem_shared>>) target_semaphore(%run_scoped3A : memref<!tpu.dma_semaphore, #tpu.memory_space<semaphore_mem>>)
      %dma_wait3A = arith.constant 0 : i32
      %dma_wait3A_57 = tpu.memref_slice %arg11[%add3A_27, %dma_wait3A] : memref<10000x128xf32, #tpu.memory_space<vmem_shared>> -> memref<80x128xf32, #tpu.memory_space<vmem_shared>>
      %dma_wait3A_58 = arith.constant 0 : i32
      %dma_wait3A_59 = tpu.memref_slice %arg11[%add3A_27, %dma_wait3A_58] : memref<10000x128xf32, #tpu.memory_space<vmem_shared>> -> memref<80x128xf32, #tpu.memory_space<vmem_shared>>
      tpu.wait_dma2 semaphore(%run_scoped3A : memref<!tpu.dma_semaphore, #tpu.memory_space<semaphore_mem>>) src(%arg10 : memref<80x128xf32, #tpu.memory_space<vmem>>) dst(%dma_wait3A_59 : memref<80x128xf32, #tpu.memory_space<vmem_shared>>)
      tpu.yield
    }) : () -> ()
    %mul3A_28 = arith.constant 624 : i32
    %mul3A_29 = arith.muli %arg1, %mul3A_28 : i32
    %add3A_30 = arith.constant 400 : i32
    %add3A_31 = arith.addi %mul3A_29, %add3A_30 : i32
    "tpu.region"() ({
      %run_scoped3A = tpu.sem_alloc : memref<!tpu.dma_semaphore, #tpu.memory_space<semaphore_mem>>
      %dma_start3A = arith.constant 0 : i32
      %dma_start3A_54 = tpu.memref_slice %arg11[%add3A_31, %dma_start3A] : memref<10000x128xf32, #tpu.memory_space<vmem_shared>> -> memref<80x128xf32, #tpu.memory_space<vmem_shared>>
      %dma_start3A_55 = arith.constant 0 : i32
      %dma_start3A_56 = tpu.memref_slice %arg11[%add3A_31, %dma_start3A_55] : memref<10000x128xf32, #tpu.memory_space<vmem_shared>> -> memref<80x128xf32, #tpu.memory_space<vmem_shared>>
      tpu.enqueue_dma source(%arg10 : memref<80x128xf32, #tpu.memory_space<vmem>>) target(%dma_start3A_56 : memref<80x128xf32, #tpu.memory_space<vmem_shared>>) target_semaphore(%run_scoped3A : memref<!tpu.dma_semaphore, #tpu.memory_space<semaphore_mem>>)
      %dma_wait3A = arith.constant 0 : i32
      %dma_wait3A_57 = tpu.memref_slice %arg11[%add3A_31, %dma_wait3A] : memref<10000x128xf32, #tpu.memory_space<vmem_shared>> -> memref<80x128xf32, #tpu.memory_space<vmem_shared>>
      %dma_wait3A_58 = arith.constant 0 : i32
      %dma_wait3A_59 = tpu.memref_slice %arg11[%add3A_31, %dma_wait3A_58] : memref<10000x128xf32, #tpu.memory_space<vmem_shared>> -> memref<80x128xf32, #tpu.memory_space<vmem_shared>>
      tpu.wait_dma2 semaphore(%run_scoped3A : memref<!tpu.dma_semaphore, #tpu.memory_space<semaphore_mem>>) src(%arg10 : memref<80x128xf32, #tpu.memory_space<vmem>>) dst(%dma_wait3A_59 : memref<80x128xf32, #tpu.memory_space<vmem_shared>>)
      tpu.yield
    }) : () -> ()
    %mul3A_32 = arith.constant 624 : i32
    %mul3A_33 = arith.muli %arg1, %mul3A_32 : i32
    %add3A_34 = arith.constant 480 : i32
    %add3A_35 = arith.addi %mul3A_33, %add3A_34 : i32
    "tpu.region"() ({
      %run_scoped3A = tpu.sem_alloc : memref<!tpu.dma_semaphore, #tpu.memory_space<semaphore_mem>>
      %dma_start3A = arith.constant 0 : i32
      %dma_start3A_54 = tpu.memref_slice %arg11[%add3A_35, %dma_start3A] : memref<10000x128xf32, #tpu.memory_space<vmem_shared>> -> memref<80x128xf32, #tpu.memory_space<vmem_shared>>
      %dma_start3A_55 = arith.constant 0 : i32
      %dma_start3A_56 = tpu.memref_slice %arg11[%add3A_35, %dma_start3A_55] : memref<10000x128xf32, #tpu.memory_space<vmem_shared>> -> memref<80x128xf32, #tpu.memory_space<vmem_shared>>
      tpu.enqueue_dma source(%arg10 : memref<80x128xf32, #tpu.memory_space<vmem>>) target(%dma_start3A_56 : memref<80x128xf32, #tpu.memory_space<vmem_shared>>) target_semaphore(%run_scoped3A : memref<!tpu.dma_semaphore, #tpu.memory_space<semaphore_mem>>)
      %dma_wait3A = arith.constant 0 : i32
      %dma_wait3A_57 = tpu.memref_slice %arg11[%add3A_35, %dma_wait3A] : memref<10000x128xf32, #tpu.memory_space<vmem_shared>> -> memref<80x128xf32, #tpu.memory_space<vmem_shared>>
      %dma_wait3A_58 = arith.constant 0 : i32
      %dma_wait3A_59 = tpu.memref_slice %arg11[%add3A_35, %dma_wait3A_58] : memref<10000x128xf32, #tpu.memory_space<vmem_shared>> -> memref<80x128xf32, #tpu.memory_space<vmem_shared>>
      tpu.wait_dma2 semaphore(%run_scoped3A : memref<!tpu.dma_semaphore, #tpu.memory_space<semaphore_mem>>) src(%arg10 : memref<80x128xf32, #tpu.memory_space<vmem>>) dst(%dma_wait3A_59 : memref<80x128xf32, #tpu.memory_space<vmem_shared>>)
      tpu.yield
    }) : () -> ()
    %mul3A_36 = arith.constant 624 : i32
    %mul3A_37 = arith.muli %arg1, %mul3A_36 : i32
    %add3A_38 = arith.constant 560 : i32
    %add3A_39 = arith.addi %mul3A_37, %add3A_38 : i32
    "tpu.region"() ({
      %run_scoped3A = tpu.sem_alloc : memref<!tpu.dma_semaphore, #tpu.memory_space<semaphore_mem>>
      %dma_start3A = arith.constant 0 : i32
      %dma_start3A_54 = tpu.memref_slice %arg11[%add3A_39, %dma_start3A] : memref<10000x128xf32, #tpu.memory_space<vmem_shared>> -> memref<80x128xf32, #tpu.memory_space<vmem_shared>>
      %dma_start3A_55 = arith.constant 0 : i32
      %dma_start3A_56 = tpu.memref_slice %arg11[%add3A_39, %dma_start3A_55] : memref<10000x128xf32, #tpu.memory_space<vmem_shared>> -> memref<80x128xf32, #tpu.memory_space<vmem_shared>>
      tpu.enqueue_dma source(%arg10 : memref<80x128xf32, #tpu.memory_space<vmem>>) target(%dma_start3A_56 : memref<80x128xf32, #tpu.memory_space<vmem_shared>>) target_semaphore(%run_scoped3A : memref<!tpu.dma_semaphore, #tpu.memory_space<semaphore_mem>>)
      %dma_wait3A = arith.constant 0 : i32
      %dma_wait3A_57 = tpu.memref_slice %arg11[%add3A_39, %dma_wait3A] : memref<10000x128xf32, #tpu.memory_space<vmem_shared>> -> memref<80x128xf32, #tpu.memory_space<vmem_shared>>
      %dma_wait3A_58 = arith.constant 0 : i32
      %dma_wait3A_59 = tpu.memref_slice %arg11[%add3A_39, %dma_wait3A_58] : memref<10000x128xf32, #tpu.memory_space<vmem_shared>> -> memref<80x128xf32, #tpu.memory_space<vmem_shared>>
      tpu.wait_dma2 semaphore(%run_scoped3A : memref<!tpu.dma_semaphore, #tpu.memory_space<semaphore_mem>>) src(%arg10 : memref<80x128xf32, #tpu.memory_space<vmem>>) dst(%dma_wait3A_59 : memref<80x128xf32, #tpu.memory_space<vmem_shared>>)
      tpu.yield
    }) : () -> ()
    %barrier3A = arith.constant 0 : index
    tpu.barrier barrier_id(%barrier3A)
    %scan3A_40 = arith.constant 0 : i32
    %scan3A_41 = arith.constant 0 : i32
    %scan3A_42 = arith.constant 5 : i32
    %scan3A_43 = arith.addi %scan3A_41, %scan3A_42 : i32
    %scan3A_44 = arith.constant 1 : i32
    %scan3A_45 = scf.for %scan3A_54 = %scan3A_41 to %scan3A_43 step %scan3A_44 iter_args(%scan3A_55 = %scan3A_40) -> (i32)  : i32 {
      "tpu.region"() ({
        %run_scoped3A = tpu.sem_alloc : memref<!tpu.dma_semaphore, #tpu.memory_space<semaphore_mem>>
        %dma_start3A = arith.constant 0 : i32
        %dma_start3A_64 = arith.constant 0 : i32
        %dma_start3A_65 = tpu.memref_slice %arg3[%add3A, %scan3A_54, %dma_start3A, %dma_start3A_64] : memref<32x5x25x80xi32, #tpu.memory_space<hbm>> -> memref<1x1x25x80xi32, #tpu.memory_space<hbm>>
        %dma_start3A_66 = tpu.memref_squeeze %dma_start3A_65 : memref<1x1x25x80xi32, #tpu.memory_space<hbm>> -> memref<25x80xi32, #tpu.memory_space<hbm>>
        %dma_start3A_67 = arith.constant 0 : i32
        %dma_start3A_68 = arith.constant 0 : i32
        %dma_start3A_69 = tpu.memref_slice %arg3[%add3A, %scan3A_54, %dma_start3A_67, %dma_start3A_68] : memref<32x5x25x80xi32, #tpu.memory_space<hbm>> -> memref<1x1x25x80xi32, #tpu.memory_space<hbm>>
        %dma_start3A_70 = tpu.memref_squeeze %dma_start3A_69 : memref<1x1x25x80xi32, #tpu.memory_space<hbm>> -> memref<25x80xi32, #tpu.memory_space<hbm>>
        tpu.enqueue_dma source(%dma_start3A_70 : memref<25x80xi32, #tpu.memory_space<hbm>>) target(%arg7 : memref<25x80xi32, #tpu.memory_space<vmem>>) target_semaphore(%run_scoped3A : memref<!tpu.dma_semaphore, #tpu.memory_space<semaphore_mem>>)
        %dma_wait3A = arith.constant 0 : i32
        %dma_wait3A_71 = arith.constant 0 : i32
        %dma_wait3A_72 = tpu.memref_slice %arg3[%add3A, %scan3A_54, %dma_wait3A, %dma_wait3A_71] : memref<32x5x25x80xi32, #tpu.memory_space<hbm>> -> memref<1x1x25x80xi32, #tpu.memory_space<hbm>>
        %dma_wait3A_73 = tpu.memref_squeeze %dma_wait3A_72 : memref<1x1x25x80xi32, #tpu.memory_space<hbm>> -> memref<25x80xi32, #tpu.memory_space<hbm>>
        %dma_wait3A_74 = arith.constant 0 : i32
        %dma_wait3A_75 = arith.constant 0 : i32
        %dma_wait3A_76 = tpu.memref_slice %arg3[%add3A, %scan3A_54, %dma_wait3A_74, %dma_wait3A_75] : memref<32x5x25x80xi32, #tpu.memory_space<hbm>> -> memref<1x1x25x80xi32, #tpu.memory_space<hbm>>
        %dma_wait3A_77 = tpu.memref_squeeze %dma_wait3A_76 : memref<1x1x25x80xi32, #tpu.memory_space<hbm>> -> memref<25x80xi32, #tpu.memory_space<hbm>>
        tpu.wait_dma2 semaphore(%run_scoped3A : memref<!tpu.dma_semaphore, #tpu.memory_space<semaphore_mem>>) src(%dma_wait3A_77 : memref<25x80xi32, #tpu.memory_space<hbm>>) dst(%arg7 : memref<25x80xi32, #tpu.memory_space<vmem>>)
        tpu.yield
      }) : () -> ()
      "tpu.region"() ({
        %run_scoped3A = tpu.sem_alloc : memref<!tpu.dma_semaphore, #tpu.memory_space<semaphore_mem>>
        %dma_start3A = arith.constant 0 : i32
        %dma_start3A_64 = arith.constant 0 : i32
        %dma_start3A_65 = tpu.memref_slice %arg4[%add3A, %scan3A_54, %dma_start3A, %dma_start3A_64] : memref<32x5x25x80xi32, #tpu.memory_space<hbm>> -> memref<1x1x25x80xi32, #tpu.memory_space<hbm>>
        %dma_start3A_66 = tpu.memref_squeeze %dma_start3A_65 : memref<1x1x25x80xi32, #tpu.memory_space<hbm>> -> memref<25x80xi32, #tpu.memory_space<hbm>>
        %dma_start3A_67 = arith.constant 0 : i32
        %dma_start3A_68 = arith.constant 0 : i32
        %dma_start3A_69 = tpu.memref_slice %arg4[%add3A, %scan3A_54, %dma_start3A_67, %dma_start3A_68] : memref<32x5x25x80xi32, #tpu.memory_space<hbm>> -> memref<1x1x25x80xi32, #tpu.memory_space<hbm>>
        %dma_start3A_70 = tpu.memref_squeeze %dma_start3A_69 : memref<1x1x25x80xi32, #tpu.memory_space<hbm>> -> memref<25x80xi32, #tpu.memory_space<hbm>>
        tpu.enqueue_dma source(%dma_start3A_70 : memref<25x80xi32, #tpu.memory_space<hbm>>) target(%arg8 : memref<25x80xi32, #tpu.memory_space<vmem>>) target_semaphore(%run_scoped3A : memref<!tpu.dma_semaphore, #tpu.memory_space<semaphore_mem>>)
        %dma_wait3A = arith.constant 0 : i32
        %dma_wait3A_71 = arith.constant 0 : i32
        %dma_wait3A_72 = tpu.memref_slice %arg4[%add3A, %scan3A_54, %dma_wait3A, %dma_wait3A_71] : memref<32x5x25x80xi32, #tpu.memory_space<hbm>> -> memref<1x1x25x80xi32, #tpu.memory_space<hbm>>
        %dma_wait3A_73 = tpu.memref_squeeze %dma_wait3A_72 : memref<1x1x25x80xi32, #tpu.memory_space<hbm>> -> memref<25x80xi32, #tpu.memory_space<hbm>>
        %dma_wait3A_74 = arith.constant 0 : i32
        %dma_wait3A_75 = arith.constant 0 : i32
        %dma_wait3A_76 = tpu.memref_slice %arg4[%add3A, %scan3A_54, %dma_wait3A_74, %dma_wait3A_75] : memref<32x5x25x80xi32, #tpu.memory_space<hbm>> -> memref<1x1x25x80xi32, #tpu.memory_space<hbm>>
        %dma_wait3A_77 = tpu.memref_squeeze %dma_wait3A_76 : memref<1x1x25x80xi32, #tpu.memory_space<hbm>> -> memref<25x80xi32, #tpu.memory_space<hbm>>
        tpu.wait_dma2 semaphore(%run_scoped3A : memref<!tpu.dma_semaphore, #tpu.memory_space<semaphore_mem>>) src(%dma_wait3A_77 : memref<25x80xi32, #tpu.memory_space<hbm>>) dst(%arg8 : memref<25x80xi32, #tpu.memory_space<vmem>>)
        tpu.yield
      }) : () -> ()
      "tpu.region"() ({
        %run_scoped3A = tpu.sem_alloc : memref<!tpu.dma_semaphore, #tpu.memory_space<semaphore_mem>>
        %dma_start3A = arith.constant 0 : i32
        %dma_start3A_64 = arith.constant 0 : i32
        %dma_start3A_65 = tpu.memref_slice %arg5[%add3A, %scan3A_54, %dma_start3A, %dma_start3A_64] : memref<32x5x25x80xf32, #tpu.memory_space<hbm>> -> memref<1x1x25x80xf32, #tpu.memory_space<hbm>>
        %dma_start3A_66 = tpu.memref_squeeze %dma_start3A_65 : memref<1x1x25x80xf32, #tpu.memory_space<hbm>> -> memref<25x80xf32, #tpu.memory_space<hbm>>
        %dma_start3A_67 = arith.constant 0 : i32
        %dma_start3A_68 = arith.constant 0 : i32
        %dma_start3A_69 = tpu.memref_slice %arg5[%add3A, %scan3A_54, %dma_start3A_67, %dma_start3A_68] : memref<32x5x25x80xf32, #tpu.memory_space<hbm>> -> memref<1x1x25x80xf32, #tpu.memory_space<hbm>>
        %dma_start3A_70 = tpu.memref_squeeze %dma_start3A_69 : memref<1x1x25x80xf32, #tpu.memory_space<hbm>> -> memref<25x80xf32, #tpu.memory_space<hbm>>
        tpu.enqueue_dma source(%dma_start3A_70 : memref<25x80xf32, #tpu.memory_space<hbm>>) target(%arg9 : memref<25x80xf32, #tpu.memory_space<vmem>>) target_semaphore(%run_scoped3A : memref<!tpu.dma_semaphore, #tpu.memory_space<semaphore_mem>>)
        %dma_wait3A = arith.constant 0 : i32
        %dma_wait3A_71 = arith.constant 0 : i32
        %dma_wait3A_72 = tpu.memref_slice %arg5[%add3A, %scan3A_54, %dma_wait3A, %dma_wait3A_71] : memref<32x5x25x80xf32, #tpu.memory_space<hbm>> -> memref<1x1x25x80xf32, #tpu.memory_space<hbm>>
        %dma_wait3A_73 = tpu.memref_squeeze %dma_wait3A_72 : memref<1x1x25x80xf32, #tpu.memory_space<hbm>> -> memref<25x80xf32, #tpu.memory_space<hbm>>
        %dma_wait3A_74 = arith.constant 0 : i32
        %dma_wait3A_75 = arith.constant 0 : i32
        %dma_wait3A_76 = tpu.memref_slice %arg5[%add3A, %scan3A_54, %dma_wait3A_74, %dma_wait3A_75] : memref<32x5x25x80xf32, #tpu.memory_space<hbm>> -> memref<1x1x25x80xf32, #tpu.memory_space<hbm>>
        %dma_wait3A_77 = tpu.memref_squeeze %dma_wait3A_76 : memref<1x1x25x80xf32, #tpu.memory_space<hbm>> -> memref<25x80xf32, #tpu.memory_space<hbm>>
        tpu.wait_dma2 semaphore(%run_scoped3A : memref<!tpu.dma_semaphore, #tpu.memory_space<semaphore_mem>>) src(%dma_wait3A_77 : memref<25x80xf32, #tpu.memory_space<hbm>>) dst(%arg9 : memref<25x80xf32, #tpu.memory_space<vmem>>)
        tpu.yield
      }) : () -> ()
      %scan3A_56 = arith.constant 0 : i32
      %scan3A_57 = arith.constant 0 : i32
      %scan3A_58 = arith.constant 25 : i32
      %scan3A_59 = arith.addi %scan3A_57, %scan3A_58 : i32
      %scan3A_60 = arith.constant 1 : i32
      %scan3A_61 = scf.for %scan3A_64 = %scan3A_57 to %scan3A_59 step %scan3A_60 iter_args(%scan3A_65 = %scan3A_56) -> (i32)  : i32 {
        %dma_start3A = arith.constant 0 : i32
        %dma_start3A_66 = tpu.memref_slice %arg7[%scan3A_64, %dma_start3A] : memref<25x80xi32, #tpu.memory_space<vmem>> -> memref<1x80xi32, #tpu.memory_space<vmem>>
        %dma_start3A_67 = tpu.memref_squeeze %dma_start3A_66 : memref<1x80xi32, #tpu.memory_space<vmem>> -> memref<80xi32, #tpu.memory_space<vmem>>
        %dma_start3A_68 = arith.constant 0 : i32
        %dma_start3A_69 = arith.constant 0 : i32
        %dma_start3A_70 = tpu.memref_slice %arg2[%dma_start3A_68, %dma_start3A_69] : memref<10000x128xf32, #tpu.memory_space<hbm>> -> memref<10000x128xf32, #tpu.memory_space<hbm>>
        tpu.enqueue_indirect_dma source(%dma_start3A_70 : memref<10000x128xf32, #tpu.memory_space<hbm>>) target(%arg10 : memref<80x128xf32, #tpu.memory_space<vmem>>) offsets(%dma_start3A_67 : memref<80xi32, #tpu.memory_space<vmem>>) semaphore(%arg12 : memref<!tpu.dma_semaphore, #tpu.memory_space<semaphore_mem>>)
        %dma_wait3A = arith.constant 0 : i32
        %dma_wait3A_71 = tpu.memref_slice %arg7[%scan3A_64, %dma_wait3A] : memref<25x80xi32, #tpu.memory_space<vmem>> -> memref<1x80xi32, #tpu.memory_space<vmem>>
        %dma_wait3A_72 = tpu.memref_squeeze %dma_wait3A_71 : memref<1x80xi32, #tpu.memory_space<vmem>> -> memref<80xi32, #tpu.memory_space<vmem>>
        %dma_wait3A_73 = arith.constant 0 : i32
        %dma_wait3A_74 = arith.constant 0 : i32
        %dma_wait3A_75 = tpu.memref_slice %arg2[%dma_wait3A_73, %dma_wait3A_74] : memref<10000x128xf32, #tpu.memory_space<hbm>> -> memref<10000x128xf32, #tpu.memory_space<hbm>>
        tpu.wait_indirect_dma semaphore(%arg12 : memref<!tpu.dma_semaphore, #tpu.memory_space<semaphore_mem>>) src(%dma_wait3A_75 : memref<10000x128xf32, #tpu.memory_space<hbm>>) dst(%arg10 : memref<80x128xf32, #tpu.memory_space<vmem>>)
        %scan3A_76 = arith.constant 0 : i32
        %scan3A_77 = arith.constant 0 : i32
        %scan3A_78 = arith.constant 5 : i32
        %scan3A_79 = arith.addi %scan3A_77, %scan3A_78 : i32
        %scan3A_80 = arith.constant 1 : i32
        %scan3A_81 = scf.for %scan3A_84 = %scan3A_77 to %scan3A_79 step %scan3A_80 iter_args(%scan3A_85 = %scan3A_76) -> (i32)  : i32 {
          %mul3A_86 = arith.constant 16 : i32
          %mul3A_87 = arith.muli %scan3A_84, %mul3A_86 : i32
          %get3A = arith.index_cast %scan3A_64 : i32 to index
          %get3A_88 = arith.index_cast %mul3A_87 : i32 to index
          %get3A_89 = tpu.vector_load %arg9[%get3A, %get3A_88] {strides = array<i32>} : memref<25x80xf32, #tpu.memory_space<vmem>>, vector<1x16xf32>,
          %get3A_90 = vector.shape_cast %get3A_89 : vector<1x16xf32> to vector<16xf32>
          %slice3A = vector.extract_strided_slice %get3A_90 {offsets = [0], sizes = [1], strides = [1]} : vector<16xf32> to vector<1xf32>
          %squeeze3A = vector.extract %slice3A[0] : f32 from vector<1xf32>
          %mul3A_91 = arith.constant 16 : i32
          %mul3A_92 = arith.muli %scan3A_84, %mul3A_91 : i32
          %add3A_93 = arith.constant 0 : i32
          %add3A_94 = arith.addi %mul3A_92, %add3A_93 : i32
          %get3A_95 = arith.index_cast %add3A_94 : i32 to index
          %get3A_96 = arith.constant 0 : index
          %get3A_97 = tpu.vector_load %arg10[%get3A_95, %get3A_96] {strides = array<i32>} : memref<80x128xf32, #tpu.memory_space<vmem>>, vector<1x16xf32>,
          %get3A_98 = vector.shape_cast %get3A_97 : vector<1x16xf32> to vector<16xf32>
          %mul3A_99 = vector.broadcast %squeeze3A : f32 to vector<16xf32>
          %mul3A_100 = arith.mulf %get3A_98, %mul3A_99 : vector<16xf32>
          %swap3A = arith.index_cast %add3A_94 : i32 to index
          %swap3A_101 = arith.constant 0 : index
          %swap3A_102 = tpu.vector_load %arg10[%swap3A, %swap3A_101] {strides = array<i32>} : memref<80x128xf32, #tpu.memory_space<vmem>>, vector<1x16xf32>,
          %swap3A_103 = vector.shape_cast %swap3A_102 : vector<1x16xf32> to vector<16xf32>
          %swap3A_104 = vector.shape_cast %mul3A_100 : vector<16xf32> to vector<1x16xf32>
          tpu.vector_store %arg10[%swap3A, %swap3A_101], %swap3A_104 {strides = array<i32>} : memref<80x128xf32, #tpu.memory_space<vmem>>, vector<1x16xf32>,
          %mul3A_105 = arith.constant 16 : i32
          %mul3A_106 = arith.muli %scan3A_84, %mul3A_105 : i32
          %add3A_107 = arith.constant 0 : i32
          %add3A_108 = arith.addi %mul3A_106, %add3A_107 : i32
          %get3A_109 = arith.index_cast %add3A_108 : i32 to index
          %get3A_110 = arith.constant 16 : index
          %get3A_111 = tpu.vector_load %arg10[%get3A_109, %get3A_110] {strides = array<i32>} : memref<80x128xf32, #tpu.memory_space<vmem>>, vector<1x16xf32>,
          %get3A_112 = vector.shape_cast %get3A_111 : vector<1x16xf32> to vector<16xf32>
          %mul3A_113 = vector.broadcast %squeeze3A : f32 to vector<16xf32>
          %mul3A_114 = arith.mulf %get3A_112, %mul3A_113 : vector<16xf32>
          %swap3A_115 = arith.index_cast %add3A_108 : i32 to index
          %swap3A_116 = arith.constant 16 : index
          %swap3A_117 = tpu.vector_load %arg10[%swap3A_115, %swap3A_116] {strides = array<i32>} : memref<80x128xf32, #tpu.memory_space<vmem>>, vector<1x16xf32>,
          %swap3A_118 = vector.shape_cast %swap3A_117 : vector<1x16xf32> to vector<16xf32>
          %swap3A_119 = vector.shape_cast %mul3A_114 : vector<16xf32> to vector<1x16xf32>
          tpu.vector_store %arg10[%swap3A_115, %swap3A_116], %swap3A_119 {strides = array<i32>} : memref<80x128xf32, #tpu.memory_space<vmem>>, vector<1x16xf32>,
          %mul3A_120 = arith.constant 16 : i32
          %mul3A_121 = arith.muli %scan3A_84, %mul3A_120 : i32
          %add3A_122 = arith.constant 0 : i32
          %add3A_123 = arith.addi %mul3A_121, %add3A_122 : i32
          %get3A_124 = arith.index_cast %add3A_123 : i32 to index
          %get3A_125 = arith.constant 32 : index
          %get3A_126 = tpu.vector_load %arg10[%get3A_124, %get3A_125] {strides = array<i32>} : memref<80x128xf32, #tpu.memory_space<vmem>>, vector<1x16xf32>,
          %get3A_127 = vector.shape_cast %get3A_126 : vector<1x16xf32> to vector<16xf32>
          %mul3A_128 = vector.broadcast %squeeze3A : f32 to vector<16xf32>
          %mul3A_129 = arith.mulf %get3A_127, %mul3A_128 : vector<16xf32>
          %swap3A_130 = arith.index_cast %add3A_123 : i32 to index
          %swap3A_131 = arith.constant 32 : index
          %swap3A_132 = tpu.vector_load %arg10[%swap3A_130, %swap3A_131] {strides = array<i32>} : memref<80x128xf32, #tpu.memory_space<vmem>>, vector<1x16xf32>,
          %swap3A_133 = vector.shape_cast %swap3A_132 : vector<1x16xf32> to vector<16xf32>
          %swap3A_134 = vector.shape_cast %mul3A_129 : vector<16xf32> to vector<1x16xf32>
          tpu.vector_store %arg10[%swap3A_130, %swap3A_131], %swap3A_134 {strides = array<i32>} : memref<80x128xf32, #tpu.memory_space<vmem>>, vector<1x16xf32>,
          %mul3A_135 = arith.constant 16 : i32
          %mul3A_136 = arith.muli %scan3A_84, %mul3A_135 : i32
          %add3A_137 = arith.constant 0 : i32
          %add3A_138 = arith.addi %mul3A_136, %add3A_137 : i32
          %get3A_139 = arith.index_cast %add3A_138 : i32 to index
          %get3A_140 = arith.constant 48 : index
          %get3A_141 = tpu.vector_load %arg10[%get3A_139, %get3A_140] {strides = array<i32>} : memref<80x128xf32, #tpu.memory_space<vmem>>, vector<1x16xf32>,
          %get3A_142 = vector.shape_cast %get3A_141 : vector<1x16xf32> to vector<16xf32>
          %mul3A_143 = vector.broadcast %squeeze3A : f32 to vector<16xf32>
          %mul3A_144 = arith.mulf %get3A_142, %mul3A_143 : vector<16xf32>
          %swap3A_145 = arith.index_cast %add3A_138 : i32 to index
          %swap3A_146 = arith.constant 48 : index
          %swap3A_147 = tpu.vector_load %arg10[%swap3A_145, %swap3A_146] {strides = array<i32>} : memref<80x128xf32, #tpu.memory_space<vmem>>, vector<1x16xf32>,
          %swap3A_148 = vector.shape_cast %swap3A_147 : vector<1x16xf32> to vector<16xf32>
          %swap3A_149 = vector.shape_cast %mul3A_144 : vector<16xf32> to vector<1x16xf32>
          tpu.vector_store %arg10[%swap3A_145, %swap3A_146], %swap3A_149 {strides = array<i32>} : memref<80x128xf32, #tpu.memory_space<vmem>>, vector<1x16xf32>,
          %mul3A_150 = arith.constant 16 : i32
          %mul3A_151 = arith.muli %scan3A_84, %mul3A_150 : i32
          %add3A_152 = arith.constant 0 : i32
          %add3A_153 = arith.addi %mul3A_151, %add3A_152 : i32
          %get3A_154 = arith.index_cast %add3A_153 : i32 to index
          %get3A_155 = arith.constant 64 : index
          %get3A_156 = tpu.vector_load %arg10[%get3A_154, %get3A_155] {strides = array<i32>} : memref<80x128xf32, #tpu.memory_space<vmem>>, vector<1x16xf32>,
          %get3A_157 = vector.shape_cast %get3A_156 : vector<1x16xf32> to vector<16xf32>
          %mul3A_158 = vector.broadcast %squeeze3A : f32 to vector<16xf32>
          %mul3A_159 = arith.mulf %get3A_157, %mul3A_158 : vector<16xf32>
          %swap3A_160 = arith.index_cast %add3A_153 : i32 to index
          %swap3A_161 = arith.constant 64 : index
          %swap3A_162 = tpu.vector_load %arg10[%swap3A_160, %swap3A_161] {strides = array<i32>} : memref<80x128xf32, #tpu.memory_space<vmem>>, vector<1x16xf32>,
          %swap3A_163 = vector.shape_cast %swap3A_162 : vector<1x16xf32> to vector<16xf32>
          %swap3A_164 = vector.shape_cast %mul3A_159 : vector<16xf32> to vector<1x16xf32>
          tpu.vector_store %arg10[%swap3A_160, %swap3A_161], %swap3A_164 {strides = array<i32>} : memref<80x128xf32, #tpu.memory_space<vmem>>, vector<1x16xf32>,
          %mul3A_165 = arith.constant 16 : i32
          %mul3A_166 = arith.muli %scan3A_84, %mul3A_165 : i32
          %add3A_167 = arith.constant 0 : i32
          %add3A_168 = arith.addi %mul3A_166, %add3A_167 : i32
          %get3A_169 = arith.index_cast %add3A_168 : i32 to index
          %get3A_170 = arith.constant 80 : index
          %get3A_171 = tpu.vector_load %arg10[%get3A_169, %get3A_170] {strides = array<i32>} : memref<80x128xf32, #tpu.memory_space<vmem>>, vector<1x16xf32>,
          %get3A_172 = vector.shape_cast %get3A_171 : vector<1x16xf32> to vector<16xf32>
          %mul3A_173 = vector.broadcast %squeeze3A : f32 to vector<16xf32>
          %mul3A_174 = arith.mulf %get3A_172, %mul3A_173 : vector<16xf32>
          %swap3A_175 = arith.index_cast %add3A_168 : i32 to index
          %swap3A_176 = arith.constant 80 : index
          %swap3A_177 = tpu.vector_load %arg10[%swap3A_175, %swap3A_176] {strides = array<i32>} : memref<80x128xf32, #tpu.memory_space<vmem>>, vector<1x16xf32>,
          %swap3A_178 = vector.shape_cast %swap3A_177 : vector<1x16xf32> to vector<16xf32>
          %swap3A_179 = vector.shape_cast %mul3A_174 : vector<16xf32> to vector<1x16xf32>
          tpu.vector_store %arg10[%swap3A_175, %swap3A_176], %swap3A_179 {strides = array<i32>} : memref<80x128xf32, #tpu.memory_space<vmem>>, vector<1x16xf32>,
          %mul3A_180 = arith.constant 16 : i32
          %mul3A_181 = arith.muli %scan3A_84, %mul3A_180 : i32
          %add3A_182 = arith.constant 0 : i32
          %add3A_183 = arith.addi %mul3A_181, %add3A_182 : i32
          %get3A_184 = arith.index_cast %add3A_183 : i32 to index
          %get3A_185 = arith.constant 96 : index
          %get3A_186 = tpu.vector_load %arg10[%get3A_184, %get3A_185] {strides = array<i32>} : memref<80x128xf32, #tpu.memory_space<vmem>>, vector<1x16xf32>,
          %get3A_187 = vector.shape_cast %get3A_186 : vector<1x16xf32> to vector<16xf32>
          %mul3A_188 = vector.broadcast %squeeze3A : f32 to vector<16xf32>
          %mul3A_189 = arith.mulf %get3A_187, %mul3A_188 : vector<16xf32>
          %swap3A_190 = arith.index_cast %add3A_183 : i32 to index
          %swap3A_191 = arith.constant 96 : index
          %swap3A_192 = tpu.vector_load %arg10[%swap3A_190, %swap3A_191] {strides = array<i32>} : memref<80x128xf32, #tpu.memory_space<vmem>>, vector<1x16xf32>,
          %swap3A_193 = vector.shape_cast %swap3A_192 : vector<1x16xf32> to vector<16xf32>
          %swap3A_194 = vector.shape_cast %mul3A_189 : vector<16xf32> to vector<1x16xf32>
          tpu.vector_store %arg10[%swap3A_190, %swap3A_191], %swap3A_194 {strides = array<i32>} : memref<80x128xf32, #tpu.memory_space<vmem>>, vector<1x16xf32>,
          %mul3A_195 = arith.constant 16 : i32
          %mul3A_196 = arith.muli %scan3A_84, %mul3A_195 : i32
          %add3A_197 = arith.constant 0 : i32
          %add3A_198 = arith.addi %mul3A_196, %add3A_197 : i32
          %get3A_199 = arith.index_cast %add3A_198 : i32 to index
          %get3A_200 = arith.constant 112 : index
          %get3A_201 = tpu.vector_load %arg10[%get3A_199, %get3A_200] {strides = array<i32>} : memref<80x128xf32, #tpu.memory_space<vmem>>, vector<1x16xf32>,
          %get3A_202 = vector.shape_cast %get3A_201 : vector<1x16xf32> to vector<16xf32>
          %mul3A_203 = vector.broadcast %squeeze3A : f32 to vector<16xf32>
          %mul3A_204 = arith.mulf %get3A_202, %mul3A_203 : vector<16xf32>
          %swap3A_205 = arith.index_cast %add3A_198 : i32 to index
          %swap3A_206 = arith.constant 112 : index
          %swap3A_207 = tpu.vector_load %arg10[%swap3A_205, %swap3A_206] {strides = array<i32>} : memref<80x128xf32, #tpu.memory_space<vmem>>, vector<1x16xf32>,
          %swap3A_208 = vector.shape_cast %swap3A_207 : vector<1x16xf32> to vector<16xf32>
          %swap3A_209 = vector.shape_cast %mul3A_204 : vector<16xf32> to vector<1x16xf32>
          tpu.vector_store %arg10[%swap3A_205, %swap3A_206], %swap3A_209 {strides = array<i32>} : memref<80x128xf32, #tpu.memory_space<vmem>>, vector<1x16xf32>,
          %slice3A_210 = vector.extract_strided_slice %get3A_90 {offsets = [1], sizes = [1], strides = [1]} : vector<16xf32> to vector<1xf32>
          %squeeze3A_211 = vector.extract %slice3A_210[0] : f32 from vector<1xf32>
          %mul3A_212 = arith.constant 16 : i32
          %mul3A_213 = arith.muli %scan3A_84, %mul3A_212 : i32
          %add3A_214 = arith.constant 1 : i32
          %add3A_215 = arith.addi %mul3A_213, %add3A_214 : i32
          %get3A_216 = arith.index_cast %add3A_215 : i32 to index
          %get3A_217 = arith.constant 0 : index
          %get3A_218 = tpu.vector_load %arg10[%get3A_216, %get3A_217] {strides = array<i32>} : memref<80x128xf32, #tpu.memory_space<vmem>>, vector<1x16xf32>,
          %get3A_219 = vector.shape_cast %get3A_218 : vector<1x16xf32> to vector<16xf32>
          %mul3A_220 = vector.broadcast %squeeze3A_211 : f32 to vector<16xf32>
          %mul3A_221 = arith.mulf %get3A_219, %mul3A_220 : vector<16xf32>
          %swap3A_222 = arith.index_cast %add3A_215 : i32 to index
          %swap3A_223 = arith.constant 0 : index
          %swap3A_224 = tpu.vector_load %arg10[%swap3A_222, %swap3A_223] {strides = array<i32>} : memref<80x128xf32, #tpu.memory_space<vmem>>, vector<1x16xf32>,
          %swap3A_225 = vector.shape_cast %swap3A_224 : vector<1x16xf32> to vector<16xf32>
          %swap3A_226 = vector.shape_cast %mul3A_221 : vector<16xf32> to vector<1x16xf32>
          tpu.vector_store %arg10[%swap3A_222, %swap3A_223], %swap3A_226 {strides = array<i32>} : memref<80x128xf32, #tpu.memory_space<vmem>>, vector<1x16xf32>,
          %mul3A_227 = arith.constant 16 : i32
          %mul3A_228 = arith.muli %scan3A_84, %mul3A_227 : i32
          %add3A_229 = arith.constant 1 : i32
          %add3A_230 = arith.addi %mul3A_228, %add3A_229 : i32
          %get3A_231 = arith.index_cast %add3A_230 : i32 to index
          %get3A_232 = arith.constant 16 : index
          %get3A_233 = tpu.vector_load %arg10[%get3A_231, %get3A_232] {strides = array<i32>} : memref<80x128xf32, #tpu.memory_space<vmem>>, vector<1x16xf32>,
          %get3A_234 = vector.shape_cast %get3A_233 : vector<1x16xf32> to vector<16xf32>
          %mul3A_235 = vector.broadcast %squeeze3A_211 : f32 to vector<16xf32>
          %mul3A_236 = arith.mulf %get3A_234, %mul3A_235 : vector<16xf32>
          %swap3A_237 = arith.index_cast %add3A_230 : i32 to index
          %swap3A_238 = arith.constant 16 : index
          %swap3A_239 = tpu.vector_load %arg10[%swap3A_237, %swap3A_238] {strides = array<i32>} : memref<80x128xf32, #tpu.memory_space<vmem>>, vector<1x16xf32>,
          %swap3A_240 = vector.shape_cast %swap3A_239 : vector<1x16xf32> to vector<16xf32>
          %swap3A_241 = vector.shape_cast %mul3A_236 : vector<16xf32> to vector<1x16xf32>
          tpu.vector_store %arg10[%swap3A_237, %swap3A_238], %swap3A_241 {strides = array<i32>} : memref<80x128xf32, #tpu.memory_space<vmem>>, vector<1x16xf32>,
          %mul3A_242 = arith.constant 16 : i32
          %mul3A_243 = arith.muli %scan3A_84, %mul3A_242 : i32
          %add3A_244 = arith.constant 1 : i32
          %add3A_245 = arith.addi %mul3A_243, %add3A_244 : i32
          %get3A_246 = arith.index_cast %add3A_245 : i32 to index
          %get3A_247 = arith.constant 32 : index
          %get3A_248 = tpu.vector_load %arg10[%get3A_246, %get3A_247] {strides = array<i32>} : memref<80x128xf32, #tpu.memory_space<vmem>>, vector<1x16xf32>,
          %get3A_249 = vector.shape_cast %get3A_248 : vector<1x16xf32> to vector<16xf32>
          %mul3A_250 = vector.broadcast %squeeze3A_211 : f32 to vector<16xf32>
          %mul3A_251 = arith.mulf %get3A_249, %mul3A_250 : vector<16xf32>
          %swap3A_252 = arith.index_cast %add3A_245 : i32 to index
          %swap3A_253 = arith.constant 32 : index
          %swap3A_254 = tpu.vector_load %arg10[%swap3A_252, %swap3A_253] {strides = array<i32>} : memref<80x128xf32, #tpu.memory_space<vmem>>, vector<1x16xf32>,
          %swap3A_255 = vector.shape_cast %swap3A_254 : vector<1x16xf32> to vector<16xf32>
          %swap3A_256 = vector.shape_cast %mul3A_251 : vector<16xf32> to vector<1x16xf32>
          tpu.vector_store %arg10[%swap3A_252, %swap3A_253], %swap3A_256 {strides = array<i32>} : memref<80x128xf32, #tpu.memory_space<vmem>>, vector<1x16xf32>,
          %mul3A_257 = arith.constant 16 : i32
          %mul3A_258 = arith.muli %scan3A_84, %mul3A_257 : i32
          %add3A_259 = arith.constant 1 : i32
          %add3A_260 = arith.addi %mul3A_258, %add3A_259 : i32
          %get3A_261 = arith.index_cast %add3A_260 : i32 to index
          %get3A_262 = arith.constant 48 : index
          %get3A_263 = tpu.vector_load %arg10[%get3A_261, %get3A_262] {strides = array<i32>} : memref<80x128xf32, #tpu.memory_space<vmem>>, vector<1x16xf32>,
          %get3A_264 = vector.shape_cast %get3A_263 : vector<1x16xf32> to vector<16xf32>
          %mul3A_265 = vector.broadcast %squeeze3A_211 : f32 to vector<16xf32>
          %mul3A_266 = arith.mulf %get3A_264, %mul3A_265 : vector<16xf32>
          %swap3A_267 = arith.index_cast %add3A_260 : i32 to index
          %swap3A_268 = arith.constant 48 : index
          %swap3A_269 = tpu.vector_load %arg10[%swap3A_267, %swap3A_268] {strides = array<i32>} : memref<80x128xf32, #tpu.memory_space<vmem>>, vector<1x16xf32>,
          %swap3A_270 = vector.shape_cast %swap3A_269 : vector<1x16xf32> to vector<16xf32>
          %swap3A_271 = vector.shape_cast %mul3A_266 : vector<16xf32> to vector<1x16xf32>
          tpu.vector_store %arg10[%swap3A_267, %swap3A_268], %swap3A_271 {strides = array<i32>} : memref<80x128xf32, #tpu.memory_space<vmem>>, vector<1x16xf32>,
          %mul3A_272 = arith.constant 16 : i32
          %mul3A_273 = arith.muli %scan3A_84, %mul3A_272 : i32
          %add3A_274 = arith.constant 1 : i32
          %add3A_275 = arith.addi %mul3A_273, %add3A_274 : i32
          %get3A_276 = arith.index_cast %add3A_275 : i32 to index
          %get3A_277 = arith.constant 64 : index
          %get3A_278 = tpu.vector_load %arg10[%get3A_276, %get3A_277] {strides = array<i32>} : memref<80x128xf32, #tpu.memory_space<vmem>>, vector<1x16xf32>,
          %get3A_279 = vector.shape_cast %get3A_278 : vector<1x16xf32> to vector<16xf32>
          %mul3A_280 = vector.broadcast %squeeze3A_211 : f32 to vector<16xf32>
          %mul3A_281 = arith.mulf %get3A_279, %mul3A_280 : vector<16xf32>
          %swap3A_282 = arith.index_cast %add3A_275 : i32 to index
          %swap3A_283 = arith.constant 64 : index
          %swap3A_284 = tpu.vector_load %arg10[%swap3A_282, %swap3A_283] {strides = array<i32>} : memref<80x128xf32, #tpu.memory_space<vmem>>, vector<1x16xf32>,
          %swap3A_285 = vector.shape_cast %swap3A_284 : vector<1x16xf32> to vector<16xf32>
          %swap3A_286 = vector.shape_cast %mul3A_281 : vector<16xf32> to vector<1x16xf32>
          tpu.vector_store %arg10[%swap3A_282, %swap3A_283], %swap3A_286 {strides = array<i32>} : memref<80x128xf32, #tpu.memory_space<vmem>>, vector<1x16xf32>,
          %mul3A_287 = arith.constant 16 : i32
          %mul3A_288 = arith.muli %scan3A_84, %mul3A_287 : i32
          %add3A_289 = arith.constant 1 : i32
          %add3A_290 = arith.addi %mul3A_288, %add3A_289 : i32
          %get3A_291 = arith.index_cast %add3A_290 : i32 to index
          %get3A_292 = arith.constant 80 : index
          %get3A_293 = tpu.vector_load %arg10[%get3A_291, %get3A_292] {strides = array<i32>} : memref<80x128xf32, #tpu.memory_space<vmem>>, vector<1x16xf32>,
          %get3A_294 = vector.shape_cast %get3A_293 : vector<1x16xf32> to vector<16xf32>
          %mul3A_295 = vector.broadcast %squeeze3A_211 : f32 to vector<16xf32>
          %mul3A_296 = arith.mulf %get3A_294, %mul3A_295 : vector<16xf32>
          %swap3A_297 = arith.index_cast %add3A_290 : i32 to index
          %swap3A_298 = arith.constant 80 : index
          %swap3A_299 = tpu.vector_load %arg10[%swap3A_297, %swap3A_298] {strides = array<i32>} : memref<80x128xf32, #tpu.memory_space<vmem>>, vector<1x16xf32>,
          %swap3A_300 = vector.shape_cast %swap3A_299 : vector<1x16xf32> to vector<16xf32>
          %swap3A_301 = vector.shape_cast %mul3A_296 : vector<16xf32> to vector<1x16xf32>
          tpu.vector_store %arg10[%swap3A_297, %swap3A_298], %swap3A_301 {strides = array<i32>} : memref<80x128xf32, #tpu.memory_space<vmem>>, vector<1x16xf32>,
          %mul3A_302 = arith.constant 16 : i32
          %mul3A_303 = arith.muli %scan3A_84, %mul3A_302 : i32
          %add3A_304 = arith.constant 1 : i32
          %add3A_305 = arith.addi %mul3A_303, %add3A_304 : i32
          %get3A_306 = arith.index_cast %add3A_305 : i32 to index
          %get3A_307 = arith.constant 96 : index
          %get3A_308 = tpu.vector_load %arg10[%get3A_306, %get3A_307] {strides = array<i32>} : memref<80x128xf32, #tpu.memory_space<vmem>>, vector<1x16xf32>,
          %get3A_309 = vector.shape_cast %get3A_308 : vector<1x16xf32> to vector<16xf32>
          %mul3A_310 = vector.broadcast %squeeze3A_211 : f32 to vector<16xf32>
          %mul3A_311 = arith.mulf %get3A_309, %mul3A_310 : vector<16xf32>
          %swap3A_312 = arith.index_cast %add3A_305 : i32 to index
          %swap3A_313 = arith.constant 96 : index
          %swap3A_314 = tpu.vector_load %arg10[%swap3A_312, %swap3A_313] {strides = array<i32>} : memref<80x128xf32, #tpu.memory_space<vmem>>, vector<1x16xf32>,
          %swap3A_315 = vector.shape_cast %swap3A_314 : vector<1x16xf32> to vector<16xf32>
          %swap3A_316 = vector.shape_cast %mul3A_311 : vector<16xf32> to vector<1x16xf32>
          tpu.vector_store %arg10[%swap3A_312, %swap3A_313], %swap3A_316 {strides = array<i32>} : memref<80x128xf32, #tpu.memory_space<vmem>>, vector<1x16xf32>,
          %mul3A_317 = arith.constant 16 : i32
          %mul3A_318 = arith.muli %scan3A_84, %mul3A_317 : i32
          %add3A_319 = arith.constant 1 : i32
          %add3A_320 = arith.addi %mul3A_318, %add3A_319 : i32
          %get3A_321 = arith.index_cast %add3A_320 : i32 to index
          %get3A_322 = arith.constant 112 : index
          %get3A_323 = tpu.vector_load %arg10[%get3A_321, %get3A_322] {strides = array<i32>} : memref<80x128xf32, #tpu.memory_space<vmem>>, vector<1x16xf32>,
          %get3A_324 = vector.shape_cast %get3A_323 : vector<1x16xf32> to vector<16xf32>
          %mul3A_325 = vector.broadcast %squeeze3A_211 : f32 to vector<16xf32>
          %mul3A_326 = arith.mulf %get3A_324, %mul3A_325 : vector<16xf32>
          %swap3A_327 = arith.index_cast %add3A_320 : i32 to index
          %swap3A_328 = arith.constant 112 : index
          %swap3A_329 = tpu.vector_load %arg10[%swap3A_327, %swap3A_328] {strides = array<i32>} : memref<80x128xf32, #tpu.memory_space<vmem>>, vector<1x16xf32>,
          %swap3A_330 = vector.shape_cast %swap3A_329 : vector<1x16xf32> to vector<16xf32>
          %swap3A_331 = vector.shape_cast %mul3A_326 : vector<16xf32> to vector<1x16xf32>
          tpu.vector_store %arg10[%swap3A_327, %swap3A_328], %swap3A_331 {strides = array<i32>} : memref<80x128xf32, #tpu.memory_space<vmem>>, vector<1x16xf32>,
          %slice3A_332 = vector.extract_strided_slice %get3A_90 {offsets = [2], sizes = [1], strides = [1]} : vector<16xf32> to vector<1xf32>
          %squeeze3A_333 = vector.extract %slice3A_332[0] : f32 from vector<1xf32>
          %mul3A_334 = arith.constant 16 : i32
          %mul3A_335 = arith.muli %scan3A_84, %mul3A_334 : i32
          %add3A_336 = arith.constant 2 : i32
          %add3A_337 = arith.addi %mul3A_335, %add3A_336 : i32
          %get3A_338 = arith.index_cast %add3A_337 : i32 to index
          %get3A_339 = arith.constant 0 : index
          %get3A_340 = tpu.vector_load %arg10[%get3A_338, %get3A_339] {strides = array<i32>} : memref<80x128xf32, #tpu.memory_space<vmem>>, vector<1x16xf32>,
          %get3A_341 = vector.shape_cast %get3A_340 : vector<1x16xf32> to vector<16xf32>
          %mul3A_342 = vector.broadcast %squeeze3A_333 : f32 to vector<16xf32>
          %mul3A_343 = arith.mulf %get3A_341, %mul3A_342 : vector<16xf32>
          %swap3A_344 = arith.index_cast %add3A_337 : i32 to index
          %swap3A_345 = arith.constant 0 : index
          %swap3A_346 = tpu.vector_load %arg10[%swap3A_344, %swap3A_345] {strides = array<i32>} : memref<80x128xf32, #tpu.memory_space<vmem>>, vector<1x16xf32>,
          %swap3A_347 = vector.shape_cast %swap3A_346 : vector<1x16xf32> to vector<16xf32>
          %swap3A_348 = vector.shape_cast %mul3A_343 : vector<16xf32> to vector<1x16xf32>
          tpu.vector_store %arg10[%swap3A_344, %swap3A_345], %swap3A_348 {strides = array<i32>} : memref<80x128xf32, #tpu.memory_space<vmem>>, vector<1x16xf32>,
          %mul3A_349 = arith.constant 16 : i32
          %mul3A_350 = arith.muli %scan3A_84, %mul3A_349 : i32
          %add3A_351 = arith.constant 2 : i32
          %add3A_352 = arith.addi %mul3A_350, %add3A_351 : i32
          %get3A_353 = arith.index_cast %add3A_352 : i32 to index
          %get3A_354 = arith.constant 16 : index
          %get3A_355 = tpu.vector_load %arg10[%get3A_353, %get3A_354] {strides = array<i32>} : memref<80x128xf32, #tpu.memory_space<vmem>>, vector<1x16xf32>,
          %get3A_356 = vector.shape_cast %get3A_355 : vector<1x16xf32> to vector<16xf32>
          %mul3A_357 = vector.broadcast %squeeze3A_333 : f32 to vector<16xf32>
          %mul3A_358 = arith.mulf %get3A_356, %mul3A_357 : vector<16xf32>
          %swap3A_359 = arith.index_cast %add3A_352 : i32 to index
          %swap3A_360 = arith.constant 16 : index
          %swap3A_361 = tpu.vector_load %arg10[%swap3A_359, %swap3A_360] {strides = array<i32>} : memref<80x128xf32, #tpu.memory_space<vmem>>, vector<1x16xf32>,
          %swap3A_362 = vector.shape_cast %swap3A_361 : vector<1x16xf32> to vector<16xf32>
          %swap3A_363 = vector.shape_cast %mul3A_358 : vector<16xf32> to vector<1x16xf32>
          tpu.vector_store %arg10[%swap3A_359, %swap3A_360], %swap3A_363 {strides = array<i32>} : memref<80x128xf32, #tpu.memory_space<vmem>>, vector<1x16xf32>,
          %mul3A_364 = arith.constant 16 : i32
          %mul3A_365 = arith.muli %scan3A_84, %mul3A_364 : i32
          %add3A_366 = arith.constant 2 : i32
          %add3A_367 = arith.addi %mul3A_365, %add3A_366 : i32
          %get3A_368 = arith.index_cast %add3A_367 : i32 to index
          %get3A_369 = arith.constant 32 : index
          %get3A_370 = tpu.vector_load %arg10[%get3A_368, %get3A_369] {strides = array<i32>} : memref<80x128xf32, #tpu.memory_space<vmem>>, vector<1x16xf32>,
          %get3A_371 = vector.shape_cast %get3A_370 : vector<1x16xf32> to vector<16xf32>
          %mul3A_372 = vector.broadcast %squeeze3A_333 : f32 to vector<16xf32>
          %mul3A_373 = arith.mulf %get3A_371, %mul3A_372 : vector<16xf32>
          %swap3A_374 = arith.index_cast %add3A_367 : i32 to index
          %swap3A_375 = arith.constant 32 : index
          %swap3A_376 = tpu.vector_load %arg10[%swap3A_374, %swap3A_375] {strides = array<i32>} : memref<80x128xf32, #tpu.memory_space<vmem>>, vector<1x16xf32>,
          %swap3A_377 = vector.shape_cast %swap3A_376 : vector<1x16xf32> to vector<16xf32>
          %swap3A_378 = vector.shape_cast %mul3A_373 : vector<16xf32> to vector<1x16xf32>
          tpu.vector_store %arg10[%swap3A_374, %swap3A_375], %swap3A_378 {strides = array<i32>} : memref<80x128xf32, #tpu.memory_space<vmem>>, vector<1x16xf32>,
          %mul3A_379 = arith.constant 16 : i32
          %mul3A_380 = arith.muli %scan3A_84, %mul3A_379 : i32
          %add3A_381 = arith.constant 2 : i32
          %add3A_382 = arith.addi %mul3A_380, %add3A_381 : i32
          %get3A_383 = arith.index_cast %add3A_382 : i32 to index
          %get3A_384 = arith.constant 48 : index
          %get3A_385 = tpu.vector_load %arg10[%get3A_383, %get3A_384] {strides = array<i32>} : memref<80x128xf32, #tpu.memory_space<vmem>>, vector<1x16xf32>,
          %get3A_386 = vector.shape_cast %get3A_385 : vector<1x16xf32> to vector<16xf32>
          %mul3A_387 = vector.broadcast %squeeze3A_333 : f32 to vector<16xf32>
          %mul3A_388 = arith.mulf %get3A_386, %mul3A_387 : vector<16xf32>
          %swap3A_389 = arith.index_cast %add3A_382 : i32 to index
          %swap3A_390 = arith.constant 48 : index
          %swap3A_391 = tpu.vector_load %arg10[%swap3A_389, %swap3A_390] {strides = array<i32>} : memref<80x128xf32, #tpu.memory_space<vmem>>, vector<1x16xf32>,
          %swap3A_392 = vector.shape_cast %swap3A_391 : vector<1x16xf32> to vector<16xf32>
          %swap3A_393 = vector.shape_cast %mul3A_388 : vector<16xf32> to vector<1x16xf32>
          tpu.vector_store %arg10[%swap3A_389, %swap3A_390], %swap3A_393 {strides = array<i32>} : memref<80x128xf32, #tpu.memory_space<vmem>>, vector<1x16xf32>,
          %mul3A_394 = arith.constant 16 : i32
          %mul3A_395 = arith.muli %scan3A_84, %mul3A_394 : i32
          %add3A_396 = arith.constant 2 : i32
          %add3A_397 = arith.addi %mul3A_395, %add3A_396 : i32
          %get3A_398 = arith.index_cast %add3A_397 : i32 to index
          %get3A_399 = arith.constant 64 : index
          %get3A_400 = tpu.vector_load %arg10[%get3A_398, %get3A_399] {strides = array<i32>} : memref<80x128xf32, #tpu.memory_space<vmem>>, vector<1x16xf32>,
          %get3A_401 = vector.shape_cast %get3A_400 : vector<1x16xf32> to vector<16xf32>
          %mul3A_402 = vector.broadcast %squeeze3A_333 : f32 to vector<16xf32>
          %mul3A_403 = arith.mulf %get3A_401, %mul3A_402 : vector<16xf32>
          %swap3A_404 = arith.index_cast %add3A_397 : i32 to index
          %swap3A_405 = arith.constant 64 : index
          %swap3A_406 = tpu.vector_load %arg10[%swap3A_404, %swap3A_405] {strides = array<i32>} : memref<80x128xf32, #tpu.memory_space<vmem>>, vector<1x16xf32>,
          %swap3A_407 = vector.shape_cast %swap3A_406 : vector<1x16xf32> to vector<16xf32>
          %swap3A_408 = vector.shape_cast %mul3A_403 : vector<16xf32> to vector<1x16xf32>
          tpu.vector_store %arg10[%swap3A_404, %swap3A_405], %swap3A_408 {strides = array<i32>} : memref<80x128xf32, #tpu.memory_space<vmem>>, vector<1x16xf32>,
          %mul3A_409 = arith.constant 16 : i32
          %mul3A_410 = arith.muli %scan3A_84, %mul3A_409 : i32
          %add3A_411 = arith.constant 2 : i32
          %add3A_412 = arith.addi %mul3A_410, %add3A_411 : i32
          %get3A_413 = arith.index_cast %add3A_412 : i32 to index
          %get3A_414 = arith.constant 80 : index
          %get3A_415 = tpu.vector_load %arg10[%get3A_413, %get3A_414] {strides = array<i32>} : memref<80x128xf32, #tpu.memory_space<vmem>>, vector<1x16xf32>,
          %get3A_416 = vector.shape_cast %get3A_415 : vector<1x16xf32> to vector<16xf32>
          %mul3A_417 = vector.broadcast %squeeze3A_333 : f32 to vector<16xf32>
          %mul3A_418 = arith.mulf %get3A_416, %mul3A_417 : vector<16xf32>
          %swap3A_419 = arith.index_cast %add3A_412 : i32 to index
          %swap3A_420 = arith.constant 80 : index
          %swap3A_421 = tpu.vector_load %arg10[%swap3A_419, %swap3A_420] {strides = array<i32>} : memref<80x128xf32, #tpu.memory_space<vmem>>, vector<1x16xf32>,
          %swap3A_422 = vector.shape_cast %swap3A_421 : vector<1x16xf32> to vector<16xf32>
          %swap3A_423 = vector.shape_cast %mul3A_418 : vector<16xf32> to vector<1x16xf32>
          tpu.vector_store %arg10[%swap3A_419, %swap3A_420], %swap3A_423 {strides = array<i32>} : memref<80x128xf32, #tpu.memory_space<vmem>>, vector<1x16xf32>,
          %mul3A_424 = arith.constant 16 : i32
          %mul3A_425 = arith.muli %scan3A_84, %mul3A_424 : i32
          %add3A_426 = arith.constant 2 : i32
          %add3A_427 = arith.addi %mul3A_425, %add3A_426 : i32
          %get3A_428 = arith.index_cast %add3A_427 : i32 to index
          %get3A_429 = arith.constant 96 : index
          %get3A_430 = tpu.vector_load %arg10[%get3A_428, %get3A_429] {strides = array<i32>} : memref<80x128xf32, #tpu.memory_space<vmem>>, vector<1x16xf32>,
          %get3A_431 = vector.shape_cast %get3A_430 : vector<1x16xf32> to vector<16xf32>
          %mul3A_432 = vector.broadcast %squeeze3A_333 : f32 to vector<16xf32>
          %mul3A_433 = arith.mulf %get3A_431, %mul3A_432 : vector<16xf32>
          %swap3A_434 = arith.index_cast %add3A_427 : i32 to index
          %swap3A_435 = arith.constant 96 : index
          %swap3A_436 = tpu.vector_load %arg10[%swap3A_434, %swap3A_435] {strides = array<i32>} : memref<80x128xf32, #tpu.memory_space<vmem>>, vector<1x16xf32>,
          %swap3A_437 = vector.shape_cast %swap3A_436 : vector<1x16xf32> to vector<16xf32>
          %swap3A_438 = vector.shape_cast %mul3A_433 : vector<16xf32> to vector<1x16xf32>
          tpu.vector_store %arg10[%swap3A_434, %swap3A_435], %swap3A_438 {strides = array<i32>} : memref<80x128xf32, #tpu.memory_space<vmem>>, vector<1x16xf32>,
          %mul3A_439 = arith.constant 16 : i32
          %mul3A_440 = arith.muli %scan3A_84, %mul3A_439 : i32
          %add3A_441 = arith.constant 2 : i32
          %add3A_442 = arith.addi %mul3A_440, %add3A_441 : i32
          %get3A_443 = arith.index_cast %add3A_442 : i32 to index
          %get3A_444 = arith.constant 112 : index
          %get3A_445 = tpu.vector_load %arg10[%get3A_443, %get3A_444] {strides = array<i32>} : memref<80x128xf32, #tpu.memory_space<vmem>>, vector<1x16xf32>,
          %get3A_446 = vector.shape_cast %get3A_445 : vector<1x16xf32> to vector<16xf32>
          %mul3A_447 = vector.broadcast %squeeze3A_333 : f32 to vector<16xf32>
          %mul3A_448 = arith.mulf %get3A_446, %mul3A_447 : vector<16xf32>
          %swap3A_449 = arith.index_cast %add3A_442 : i32 to index
          %swap3A_450 = arith.constant 112 : index
          %swap3A_451 = tpu.vector_load %arg10[%swap3A_449, %swap3A_450] {strides = array<i32>} : memref<80x128xf32, #tpu.memory_space<vmem>>, vector<1x16xf32>,
          %swap3A_452 = vector.shape_cast %swap3A_451 : vector<1x16xf32> to vector<16xf32>
          %swap3A_453 = vector.shape_cast %mul3A_448 : vector<16xf32> to vector<1x16xf32>
          tpu.vector_store %arg10[%swap3A_449, %swap3A_450], %swap3A_453 {strides = array<i32>} : memref<80x128xf32, #tpu.memory_space<vmem>>, vector<1x16xf32>,
          %slice3A_454 = vector.extract_strided_slice %get3A_90 {offsets = [3], sizes = [1], strides = [1]} : vector<16xf32> to vector<1xf32>
          %squeeze3A_455 = vector.extract %slice3A_454[0] : f32 from vector<1xf32>
          %mul3A_456 = arith.constant 16 : i32
          %mul3A_457 = arith.muli %scan3A_84, %mul3A_456 : i32
          %add3A_458 = arith.constant 3 : i32
          %add3A_459 = arith.addi %mul3A_457, %add3A_458 : i32
          %get3A_460 = arith.index_cast %add3A_459 : i32 to index
          %get3A_461 = arith.constant 0 : index
          %get3A_462 = tpu.vector_load %arg10[%get3A_460, %get3A_461] {strides = array<i32>} : memref<80x128xf32, #tpu.memory_space<vmem>>, vector<1x16xf32>,
          %get3A_463 = vector.shape_cast %get3A_462 : vector<1x16xf32> to vector<16xf32>
          %mul3A_464 = vector.broadcast %squeeze3A_455 : f32 to vector<16xf32>
          %mul3A_465 = arith.mulf %get3A_463, %mul3A_464 : vector<16xf32>
          %swap3A_466 = arith.index_cast %add3A_459 : i32 to index
          %swap3A_467 = arith.constant 0 : index
          %swap3A_468 = tpu.vector_load %arg10[%swap3A_466, %swap3A_467] {strides = array<i32>} : memref<80x128xf32, #tpu.memory_space<vmem>>, vector<1x16xf32>,
          %swap3A_469 = vector.shape_cast %swap3A_468 : vector<1x16xf32> to vector<16xf32>
          %swap3A_470 = vector.shape_cast %mul3A_465 : vector<16xf32> to vector<1x16xf32>
          tpu.vector_store %arg10[%swap3A_466, %swap3A_467], %swap3A_470 {strides = array<i32>} : memref<80x128xf32, #tpu.memory_space<vmem>>, vector<1x16xf32>,
          %mul3A_471 = arith.constant 16 : i32
          %mul3A_472 = arith.muli %scan3A_84, %mul3A_471 : i32
          %add3A_473 = arith.constant 3 : i32
          %add3A_474 = arith.addi %mul3A_472, %add3A_473 : i32
          %get3A_475 = arith.index_cast %add3A_474 : i32 to index
          %get3A_476 = arith.constant 16 : index
          %get3A_477 = tpu.vector_load %arg10[%get3A_475, %get3A_476] {strides = array<i32>} : memref<80x128xf32, #tpu.memory_space<vmem>>, vector<1x16xf32>,
          %get3A_478 = vector.shape_cast %get3A_477 : vector<1x16xf32> to vector<16xf32>
          %mul3A_479 = vector.broadcast %squeeze3A_455 : f32 to vector<16xf32>
          %mul3A_480 = arith.mulf %get3A_478, %mul3A_479 : vector<16xf32>
          %swap3A_481 = arith.index_cast %add3A_474 : i32 to index
          %swap3A_482 = arith.constant 16 : index
          %swap3A_483 = tpu.vector_load %arg10[%swap3A_481, %swap3A_482] {strides = array<i32>} : memref<80x128xf32, #tpu.memory_space<vmem>>, vector<1x16xf32>,
          %swap3A_484 = vector.shape_cast %swap3A_483 : vector<1x16xf32> to vector<16xf32>
          %swap3A_485 = vector.shape_cast %mul3A_480 : vector<16xf32> to vector<1x16xf32>
          tpu.vector_store %arg10[%swap3A_481, %swap3A_482], %swap3A_485 {strides = array<i32>} : memref<80x128xf32, #tpu.memory_space<vmem>>, vector<1x16xf32>,
          %mul3A_486 = arith.constant 16 : i32
          %mul3A_487 = arith.muli %scan3A_84, %mul3A_486 : i32
          %add3A_488 = arith.constant 3 : i32
          %add3A_489 = arith.addi %mul3A_487, %add3A_488 : i32
          %get3A_490 = arith.index_cast %add3A_489 : i32 to index
          %get3A_491 = arith.constant 32 : index
          %get3A_492 = tpu.vector_load %arg10[%get3A_490, %get3A_491] {strides = array<i32>} : memref<80x128xf32, #tpu.memory_space<vmem>>, vector<1x16xf32>,
          %get3A_493 = vector.shape_cast %get3A_492 : vector<1x16xf32> to vector<16xf32>
          %mul3A_494 = vector.broadcast %squeeze3A_455 : f32 to vector<16xf32>
          %mul3A_495 = arith.mulf %get3A_493, %mul3A_494 : vector<16xf32>
          %swap3A_496 = arith.index_cast %add3A_489 : i32 to index
          %swap3A_497 = arith.constant 32 : index
          %swap3A_498 = tpu.vector_load %arg10[%swap3A_496, %swap3A_497] {strides = array<i32>} : memref<80x128xf32, #tpu.memory_space<vmem>>, vector<1x16xf32>,
          %swap3A_499 = vector.shape_cast %swap3A_498 : vector<1x16xf32> to vector<16xf32>
          %swap3A_500 = vector.shape_cast %mul3A_495 : vector<16xf32> to vector<1x16xf32>
          tpu.vector_store %arg10[%swap3A_496, %swap3A_497], %swap3A_500 {strides = array<i32>} : memref<80x128xf32, #tpu.memory_space<vmem>>, vector<1x16xf32>,
          %mul3A_501 = arith.constant 16 : i32
          %mul3A_502 = arith.muli %scan3A_84, %mul3A_501 : i32
          %add3A_503 = arith.constant 3 : i32
          %add3A_504 = arith.addi %mul3A_502, %add3A_503 : i32
          %get3A_505 = arith.index_cast %add3A_504 : i32 to index
          %get3A_506 = arith.constant 48 : index
          %get3A_507 = tpu.vector_load %arg10[%get3A_505, %get3A_506] {strides = array<i32>} : memref<80x128xf32, #tpu.memory_space<vmem>>, vector<1x16xf32>,
          %get3A_508 = vector.shape_cast %get3A_507 : vector<1x16xf32> to vector<16xf32>
          %mul3A_509 = vector.broadcast %squeeze3A_455 : f32 to vector<16xf32>
          %mul3A_510 = arith.mulf %get3A_508, %mul3A_509 : vector<16xf32>
          %swap3A_511 = arith.index_cast %add3A_504 : i32 to index
          %swap3A_512 = arith.constant 48 : index
          %swap3A_513 = tpu.vector_load %arg10[%swap3A_511, %swap3A_512] {strides = array<i32>} : memref<80x128xf32, #tpu.memory_space<vmem>>, vector<1x16xf32>,
          %swap3A_514 = vector.shape_cast %swap3A_513 : vector<1x16xf32> to vector<16xf32>
          %swap3A_515 = vector.shape_cast %mul3A_510 : vector<16xf32> to vector<1x16xf32>
          tpu.vector_store %arg10[%swap3A_511, %swap3A_512], %swap3A_515 {strides = array<i32>} : memref<80x128xf32, #tpu.memory_space<vmem>>, vector<1x16xf32>,
          %mul3A_516 = arith.constant 16 : i32
          %mul3A_517 = arith.muli %scan3A_84, %mul3A_516 : i32
          %add3A_518 = arith.constant 3 : i32
          %add3A_519 = arith.addi %mul3A_517, %add3A_518 : i32
          %get3A_520 = arith.index_cast %add3A_519 : i32 to index
          %get3A_521 = arith.constant 64 : index
          %get3A_522 = tpu.vector_load %arg10[%get3A_520, %get3A_521] {strides = array<i32>} : memref<80x128xf32, #tpu.memory_space<vmem>>, vector<1x16xf32>,
          %get3A_523 = vector.shape_cast %get3A_522 : vector<1x16xf32> to vector<16xf32>
          %mul3A_524 = vector.broadcast %squeeze3A_455 : f32 to vector<16xf32>
          %mul3A_525 = arith.mulf %get3A_523, %mul3A_524 : vector<16xf32>
          %swap3A_526 = arith.index_cast %add3A_519 : i32 to index
          %swap3A_527 = arith.constant 64 : index
          %swap3A_528 = tpu.vector_load %arg10[%swap3A_526, %swap3A_527] {strides = array<i32>} : memref<80x128xf32, #tpu.memory_space<vmem>>, vector<1x16xf32>,
          %swap3A_529 = vector.shape_cast %swap3A_528 : vector<1x16xf32> to vector<16xf32>
          %swap3A_530 = vector.shape_cast %mul3A_525 : vector<16xf32> to vector<1x16xf32>
          tpu.vector_store %arg10[%swap3A_526, %swap3A_527], %swap3A_530 {strides = array<i32>} : memref<80x128xf32, #tpu.memory_space<vmem>>, vector<1x16xf32>,
          %mul3A_531 = arith.constant 16 : i32
          %mul3A_532 = arith.muli %scan3A_84, %mul3A_531 : i32
          %add3A_533 = arith.constant 3 : i32
          %add3A_534 = arith.addi %mul3A_532, %add3A_533 : i32
          %get3A_535 = arith.index_cast %add3A_534 : i32 to index
          %get3A_536 = arith.constant 80 : index
          %get3A_537 = tpu.vector_load %arg10[%get3A_535, %get3A_536] {strides = array<i32>} : memref<80x128xf32, #tpu.memory_space<vmem>>, vector<1x16xf32>,
          %get3A_538 = vector.shape_cast %get3A_537 : vector<1x16xf32> to vector<16xf32>
          %mul3A_539 = vector.broadcast %squeeze3A_455 : f32 to vector<16xf32>
          %mul3A_540 = arith.mulf %get3A_538, %mul3A_539 : vector<16xf32>
          %swap3A_541 = arith.index_cast %add3A_534 : i32 to index
          %swap3A_542 = arith.constant 80 : index
          %swap3A_543 = tpu.vector_load %arg10[%swap3A_541, %swap3A_542] {strides = array<i32>} : memref<80x128xf32, #tpu.memory_space<vmem>>, vector<1x16xf32>,
          %swap3A_544 = vector.shape_cast %swap3A_543 : vector<1x16xf32> to vector<16xf32>
          %swap3A_545 = vector.shape_cast %mul3A_540 : vector<16xf32> to vector<1x16xf32>
          tpu.vector_store %arg10[%swap3A_541, %swap3A_542], %swap3A_545 {strides = array<i32>} : memref<80x128xf32, #tpu.memory_space<vmem>>, vector<1x16xf32>,
          %mul3A_546 = arith.constant 16 : i32
          %mul3A_547 = arith.muli %scan3A_84, %mul3A_546 : i32
          %add3A_548 = arith.constant 3 : i32
          %add3A_549 = arith.addi %mul3A_547, %add3A_548 : i32
          %get3A_550 = arith.index_cast %add3A_549 : i32 to index
          %get3A_551 = arith.constant 96 : index
          %get3A_552 = tpu.vector_load %arg10[%get3A_550, %get3A_551] {strides = array<i32>} : memref<80x128xf32, #tpu.memory_space<vmem>>, vector<1x16xf32>,
          %get3A_553 = vector.shape_cast %get3A_552 : vector<1x16xf32> to vector<16xf32>
          %mul3A_554 = vector.broadcast %squeeze3A_455 : f32 to vector<16xf32>
          %mul3A_555 = arith.mulf %get3A_553, %mul3A_554 : vector<16xf32>
          %swap3A_556 = arith.index_cast %add3A_549 : i32 to index
          %swap3A_557 = arith.constant 96 : index
          %swap3A_558 = tpu.vector_load %arg10[%swap3A_556, %swap3A_557] {strides = array<i32>} : memref<80x128xf32, #tpu.memory_space<vmem>>, vector<1x16xf32>,
          %swap3A_559 = vector.shape_cast %swap3A_558 : vector<1x16xf32> to vector<16xf32>
          %swap3A_560 = vector.shape_cast %mul3A_555 : vector<16xf32> to vector<1x16xf32>
          tpu.vector_store %arg10[%swap3A_556, %swap3A_557], %swap3A_560 {strides = array<i32>} : memref<80x128xf32, #tpu.memory_space<vmem>>, vector<1x16xf32>,
          %mul3A_561 = arith.constant 16 : i32
          %mul3A_562 = arith.muli %scan3A_84, %mul3A_561 : i32
          %add3A_563 = arith.constant 3 : i32
          %add3A_564 = arith.addi %mul3A_562, %add3A_563 : i32
          %get3A_565 = arith.index_cast %add3A_564 : i32 to index
          %get3A_566 = arith.constant 112 : index
          %get3A_567 = tpu.vector_load %arg10[%get3A_565, %get3A_566] {strides = array<i32>} : memref<80x128xf32, #tpu.memory_space<vmem>>, vector<1x16xf32>,
          %get3A_568 = vector.shape_cast %get3A_567 : vector<1x16xf32> to vector<16xf32>
          %mul3A_569 = vector.broadcast %squeeze3A_455 : f32 to vector<16xf32>
          %mul3A_570 = arith.mulf %get3A_568, %mul3A_569 : vector<16xf32>
          %swap3A_571 = arith.index_cast %add3A_564 : i32 to index
          %swap3A_572 = arith.constant 112 : index
          %swap3A_573 = tpu.vector_load %arg10[%swap3A_571, %swap3A_572] {strides = array<i32>} : memref<80x128xf32, #tpu.memory_space<vmem>>, vector<1x16xf32>,
          %swap3A_574 = vector.shape_cast %swap3A_573 : vector<1x16xf32> to vector<16xf32>
          %swap3A_575 = vector.shape_cast %mul3A_570 : vector<16xf32> to vector<1x16xf32>
          tpu.vector_store %arg10[%swap3A_571, %swap3A_572], %swap3A_575 {strides = array<i32>} : memref<80x128xf32, #tpu.memory_space<vmem>>, vector<1x16xf32>,
          %slice3A_576 = vector.extract_strided_slice %get3A_90 {offsets = [4], sizes = [1], strides = [1]} : vector<16xf32> to vector<1xf32>
          %squeeze3A_577 = vector.extract %slice3A_576[0] : f32 from vector<1xf32>
          %mul3A_578 = arith.constant 16 : i32
          %mul3A_579 = arith.muli %scan3A_84, %mul3A_578 : i32
          %add3A_580 = arith.constant 4 : i32
          %add3A_581 = arith.addi %mul3A_579, %add3A_580 : i32
          %get3A_582 = arith.index_cast %add3A_581 : i32 to index
          %get3A_583 = arith.constant 0 : index
          %get3A_584 = tpu.vector_load %arg10[%get3A_582, %get3A_583] {strides = array<i32>} : memref<80x128xf32, #tpu.memory_space<vmem>>, vector<1x16xf32>,
          %get3A_585 = vector.shape_cast %get3A_584 : vector<1x16xf32> to vector<16xf32>
          %mul3A_586 = vector.broadcast %squeeze3A_577 : f32 to vector<16xf32>
          %mul3A_587 = arith.mulf %get3A_585, %mul3A_586 : vector<16xf32>
          %swap3A_588 = arith.index_cast %add3A_581 : i32 to index
          %swap3A_589 = arith.constant 0 : index
          %swap3A_590 = tpu.vector_load %arg10[%swap3A_588, %swap3A_589] {strides = array<i32>} : memref<80x128xf32, #tpu.memory_space<vmem>>, vector<1x16xf32>,
          %swap3A_591 = vector.shape_cast %swap3A_590 : vector<1x16xf32> to vector<16xf32>
          %swap3A_592 = vector.shape_cast %mul3A_587 : vector<16xf32> to vector<1x16xf32>
          tpu.vector_store %arg10[%swap3A_588, %swap3A_589], %swap3A_592 {strides = array<i32>} : memref<80x128xf32, #tpu.memory_space<vmem>>, vector<1x16xf32>,
          %mul3A_593 = arith.constant 16 : i32
          %mul3A_594 = arith.muli %scan3A_84, %mul3A_593 : i32
          %add3A_595 = arith.constant 4 : i32
          %add3A_596 = arith.addi %mul3A_594, %add3A_595 : i32
          %get3A_597 = arith.index_cast %add3A_596 : i32 to index
          %get3A_598 = arith.constant 16 : index
          %get3A_599 = tpu.vector_load %arg10[%get3A_597, %get3A_598] {strides = array<i32>} : memref<80x128xf32, #tpu.memory_space<vmem>>, vector<1x16xf32>,
          %get3A_600 = vector.shape_cast %get3A_599 : vector<1x16xf32> to vector<16xf32>
          %mul3A_601 = vector.broadcast %squeeze3A_577 : f32 to vector<16xf32>
          %mul3A_602 = arith.mulf %get3A_600, %mul3A_601 : vector<16xf32>
          %swap3A_603 = arith.index_cast %add3A_596 : i32 to index
          %swap3A_604 = arith.constant 16 : index
          %swap3A_605 = tpu.vector_load %arg10[%swap3A_603, %swap3A_604] {strides = array<i32>} : memref<80x128xf32, #tpu.memory_space<vmem>>, vector<1x16xf32>,
          %swap3A_606 = vector.shape_cast %swap3A_605 : vector<1x16xf32> to vector<16xf32>
          %swap3A_607 = vector.shape_cast %mul3A_602 : vector<16xf32> to vector<1x16xf32>
          tpu.vector_store %arg10[%swap3A_603, %swap3A_604], %swap3A_607 {strides = array<i32>} : memref<80x128xf32, #tpu.memory_space<vmem>>, vector<1x16xf32>,
          %mul3A_608 = arith.constant 16 : i32
          %mul3A_609 = arith.muli %scan3A_84, %mul3A_608 : i32
          %add3A_610 = arith.constant 4 : i32
          %add3A_611 = arith.addi %mul3A_609, %add3A_610 : i32
          %get3A_612 = arith.index_cast %add3A_611 : i32 to index
          %get3A_613 = arith.constant 32 : index
          %get3A_614 = tpu.vector_load %arg10[%get3A_612, %get3A_613] {strides = array<i32>} : memref<80x128xf32, #tpu.memory_space<vmem>>, vector<1x16xf32>,
          %get3A_615 = vector.shape_cast %get3A_614 : vector<1x16xf32> to vector<16xf32>
          %mul3A_616 = vector.broadcast %squeeze3A_577 : f32 to vector<16xf32>
          %mul3A_617 = arith.mulf %get3A_615, %mul3A_616 : vector<16xf32>
          %swap3A_618 = arith.index_cast %add3A_611 : i32 to index
          %swap3A_619 = arith.constant 32 : index
          %swap3A_620 = tpu.vector_load %arg10[%swap3A_618, %swap3A_619] {strides = array<i32>} : memref<80x128xf32, #tpu.memory_space<vmem>>, vector<1x16xf32>,
          %swap3A_621 = vector.shape_cast %swap3A_620 : vector<1x16xf32> to vector<16xf32>
          %swap3A_622 = vector.shape_cast %mul3A_617 : vector<16xf32> to vector<1x16xf32>
          tpu.vector_store %arg10[%swap3A_618, %swap3A_619], %swap3A_622 {strides = array<i32>} : memref<80x128xf32, #tpu.memory_space<vmem>>, vector<1x16xf32>,
          %mul3A_623 = arith.constant 16 : i32
          %mul3A_624 = arith.muli %scan3A_84, %mul3A_623 : i32
          %add3A_625 = arith.constant 4 : i32
          %add3A_626 = arith.addi %mul3A_624, %add3A_625 : i32
          %get3A_627 = arith.index_cast %add3A_626 : i32 to index
          %get3A_628 = arith.constant 48 : index
          %get3A_629 = tpu.vector_load %arg10[%get3A_627, %get3A_628] {strides = array<i32>} : memref<80x128xf32, #tpu.memory_space<vmem>>, vector<1x16xf32>,
          %get3A_630 = vector.shape_cast %get3A_629 : vector<1x16xf32> to vector<16xf32>
          %mul3A_631 = vector.broadcast %squeeze3A_577 : f32 to vector<16xf32>
          %mul3A_632 = arith.mulf %get3A_630, %mul3A_631 : vector<16xf32>
          %swap3A_633 = arith.index_cast %add3A_626 : i32 to index
          %swap3A_634 = arith.constant 48 : index
          %swap3A_635 = tpu.vector_load %arg10[%swap3A_633, %swap3A_634] {strides = array<i32>} : memref<80x128xf32, #tpu.memory_space<vmem>>, vector<1x16xf32>,
          %swap3A_636 = vector.shape_cast %swap3A_635 : vector<1x16xf32> to vector<16xf32>
          %swap3A_637 = vector.shape_cast %mul3A_632 : vector<16xf32> to vector<1x16xf32>
          tpu.vector_store %arg10[%swap3A_633, %swap3A_634], %swap3A_637 {strides = array<i32>} : memref<80x128xf32, #tpu.memory_space<vmem>>, vector<1x16xf32>,
          %mul3A_638 = arith.constant 16 : i32
          %mul3A_639 = arith.muli %scan3A_84, %mul3A_638 : i32
          %add3A_640 = arith.constant 4 : i32
          %add3A_641 = arith.addi %mul3A_639, %add3A_640 : i32
          %get3A_642 = arith.index_cast %add3A_641 : i32 to index
          %get3A_643 = arith.constant 64 : index
          %get3A_644 = tpu.vector_load %arg10[%get3A_642, %get3A_643] {strides = array<i32>} : memref<80x128xf32, #tpu.memory_space<vmem>>, vector<1x16xf32>,
          %get3A_645 = vector.shape_cast %get3A_644 : vector<1x16xf32> to vector<16xf32>
          %mul3A_646 = vector.broadcast %squeeze3A_577 : f32 to vector<16xf32>
          %mul3A_647 = arith.mulf %get3A_645, %mul3A_646 : vector<16xf32>
          %swap3A_648 = arith.index_cast %add3A_641 : i32 to index
          %swap3A_649 = arith.constant 64 : index
          %swap3A_650 = tpu.vector_load %arg10[%swap3A_648, %swap3A_649] {strides = array<i32>} : memref<80x128xf32, #tpu.memory_space<vmem>>, vector<1x16xf32>,
          %swap3A_651 = vector.shape_cast %swap3A_650 : vector<1x16xf32> to vector<16xf32>
          %swap3A_652 = vector.shape_cast %mul3A_647 : vector<16xf32> to vector<1x16xf32>
          tpu.vector_store %arg10[%swap3A_648, %swap3A_649], %swap3A_652 {strides = array<i32>} : memref<80x128xf32, #tpu.memory_space<vmem>>, vector<1x16xf32>,
          %mul3A_653 = arith.constant 16 : i32
          %mul3A_654 = arith.muli %scan3A_84, %mul3A_653 : i32
          %add3A_655 = arith.constant 4 : i32
          %add3A_656 = arith.addi %mul3A_654, %add3A_655 : i32
          %get3A_657 = arith.index_cast %add3A_656 : i32 to index
          %get3A_658 = arith.constant 80 : index
          %get3A_659 = tpu.vector_load %arg10[%get3A_657, %get3A_658] {strides = array<i32>} : memref<80x128xf32, #tpu.memory_space<vmem>>, vector<1x16xf32>,
          %get3A_660 = vector.shape_cast %get3A_659 : vector<1x16xf32> to vector<16xf32>
          %mul3A_661 = vector.broadcast %squeeze3A_577 : f32 to vector<16xf32>
          %mul3A_662 = arith.mulf %get3A_660, %mul3A_661 : vector<16xf32>
          %swap3A_663 = arith.index_cast %add3A_656 : i32 to index
          %swap3A_664 = arith.constant 80 : index
          %swap3A_665 = tpu.vector_load %arg10[%swap3A_663, %swap3A_664] {strides = array<i32>} : memref<80x128xf32, #tpu.memory_space<vmem>>, vector<1x16xf32>,
          %swap3A_666 = vector.shape_cast %swap3A_665 : vector<1x16xf32> to vector<16xf32>
          %swap3A_667 = vector.shape_cast %mul3A_662 : vector<16xf32> to vector<1x16xf32>
          tpu.vector_store %arg10[%swap3A_663, %swap3A_664], %swap3A_667 {strides = array<i32>} : memref<80x128xf32, #tpu.memory_space<vmem>>, vector<1x16xf32>,
          %mul3A_668 = arith.constant 16 : i32
          %mul3A_669 = arith.muli %scan3A_84, %mul3A_668 : i32
          %add3A_670 = arith.constant 4 : i32
          %add3A_671 = arith.addi %mul3A_669, %add3A_670 : i32
          %get3A_672 = arith.index_cast %add3A_671 : i32 to index
          %get3A_673 = arith.constant 96 : index
          %get3A_674 = tpu.vector_load %arg10[%get3A_672, %get3A_673] {strides = array<i32>} : memref<80x128xf32, #tpu.memory_space<vmem>>, vector<1x16xf32>,
          %get3A_675 = vector.shape_cast %get3A_674 : vector<1x16xf32> to vector<16xf32>
          %mul3A_676 = vector.broadcast %squeeze3A_577 : f32 to vector<16xf32>
          %mul3A_677 = arith.mulf %get3A_675, %mul3A_676 : vector<16xf32>
          %swap3A_678 = arith.index_cast %add3A_671 : i32 to index
          %swap3A_679 = arith.constant 96 : index
          %swap3A_680 = tpu.vector_load %arg10[%swap3A_678, %swap3A_679] {strides = array<i32>} : memref<80x128xf32, #tpu.memory_space<vmem>>, vector<1x16xf32>,
          %swap3A_681 = vector.shape_cast %swap3A_680 : vector<1x16xf32> to vector<16xf32>
          %swap3A_682 = vector.shape_cast %mul3A_677 : vector<16xf32> to vector<1x16xf32>
          tpu.vector_store %arg10[%swap3A_678, %swap3A_679], %swap3A_682 {strides = array<i32>} : memref<80x128xf32, #tpu.memory_space<vmem>>, vector<1x16xf32>,
          %mul3A_683 = arith.constant 16 : i32
          %mul3A_684 = arith.muli %scan3A_84, %mul3A_683 : i32
          %add3A_685 = arith.constant 4 : i32
          %add3A_686 = arith.addi %mul3A_684, %add3A_685 : i32
          %get3A_687 = arith.index_cast %add3A_686 : i32 to index
          %get3A_688 = arith.constant 112 : index
          %get3A_689 = tpu.vector_load %arg10[%get3A_687, %get3A_688] {strides = array<i32>} : memref<80x128xf32, #tpu.memory_space<vmem>>, vector<1x16xf32>,
          %get3A_690 = vector.shape_cast %get3A_689 : vector<1x16xf32> to vector<16xf32>
          %mul3A_691 = vector.broadcast %squeeze3A_577 : f32 to vector<16xf32>
          %mul3A_692 = arith.mulf %get3A_690, %mul3A_691 : vector<16xf32>
          %swap3A_693 = arith.index_cast %add3A_686 : i32 to index
          %swap3A_694 = arith.constant 112 : index
          %swap3A_695 = tpu.vector_load %arg10[%swap3A_693, %swap3A_694] {strides = array<i32>} : memref<80x128xf32, #tpu.memory_space<vmem>>, vector<1x16xf32>,
          %swap3A_696 = vector.shape_cast %swap3A_695 : vector<1x16xf32> to vector<16xf32>
          %swap3A_697 = vector.shape_cast %mul3A_692 : vector<16xf32> to vector<1x16xf32>
          tpu.vector_store %arg10[%swap3A_693, %swap3A_694], %swap3A_697 {strides = array<i32>} : memref<80x128xf32, #tpu.memory_space<vmem>>, vector<1x16xf32>,
          %slice3A_698 = vector.extract_strided_slice %get3A_90 {offsets = [5], sizes = [1], strides = [1]} : vector<16xf32> to vector<1xf32>
          %squeeze3A_699 = vector.extract %slice3A_698[0] : f32 from vector<1xf32>
          %mul3A_700 = arith.constant 16 : i32
          %mul3A_701 = arith.muli %scan3A_84, %mul3A_700 : i32
          %add3A_702 = arith.constant 5 : i32
          %add3A_703 = arith.addi %mul3A_701, %add3A_702 : i32
          %get3A_704 = arith.index_cast %add3A_703 : i32 to index
          %get3A_705 = arith.constant 0 : index
          %get3A_706 = tpu.vector_load %arg10[%get3A_704, %get3A_705] {strides = array<i32>} : memref<80x128xf32, #tpu.memory_space<vmem>>, vector<1x16xf32>,
          %get3A_707 = vector.shape_cast %get3A_706 : vector<1x16xf32> to vector<16xf32>
          %mul3A_708 = vector.broadcast %squeeze3A_699 : f32 to vector<16xf32>
          %mul3A_709 = arith.mulf %get3A_707, %mul3A_708 : vector<16xf32>
          %swap3A_710 = arith.index_cast %add3A_703 : i32 to index
          %swap3A_711 = arith.constant 0 : index
          %swap3A_712 = tpu.vector_load %arg10[%swap3A_710, %swap3A_711] {strides = array<i32>} : memref<80x128xf32, #tpu.memory_space<vmem>>, vector<1x16xf32>,
          %swap3A_713 = vector.shape_cast %swap3A_712 : vector<1x16xf32> to vector<16xf32>
          %swap3A_714 = vector.shape_cast %mul3A_709 : vector<16xf32> to vector<1x16xf32>
          tpu.vector_store %arg10[%swap3A_710, %swap3A_711], %swap3A_714 {strides = array<i32>} : memref<80x128xf32, #tpu.memory_space<vmem>>, vector<1x16xf32>,
          %mul3A_715 = arith.constant 16 : i32
          %mul3A_716 = arith.muli %scan3A_84, %mul3A_715 : i32
          %add3A_717 = arith.constant 5 : i32
          %add3A_718 = arith.addi %mul3A_716, %add3A_717 : i32
          %get3A_719 = arith.index_cast %add3A_718 : i32 to index
          %get3A_720 = arith.constant 16 : index
          %get3A_721 = tpu.vector_load %arg10[%get3A_719, %get3A_720] {strides = array<i32>} : memref<80x128xf32, #tpu.memory_space<vmem>>, vector<1x16xf32>,
          %get3A_722 = vector.shape_cast %get3A_721 : vector<1x16xf32> to vector<16xf32>
          %mul3A_723 = vector.broadcast %squeeze3A_699 : f32 to vector<16xf32>
          %mul3A_724 = arith.mulf %get3A_722, %mul3A_723 : vector<16xf32>
          %swap3A_725 = arith.index_cast %add3A_718 : i32 to index
          %swap3A_726 = arith.constant 16 : index
          %swap3A_727 = tpu.vector_load %arg10[%swap3A_725, %swap3A_726] {strides = array<i32>} : memref<80x128xf32, #tpu.memory_space<vmem>>, vector<1x16xf32>,
          %swap3A_728 = vector.shape_cast %swap3A_727 : vector<1x16xf32> to vector<16xf32>
          %swap3A_729 = vector.shape_cast %mul3A_724 : vector<16xf32> to vector<1x16xf32>
          tpu.vector_store %arg10[%swap3A_725, %swap3A_726], %swap3A_729 {strides = array<i32>} : memref<80x128xf32, #tpu.memory_space<vmem>>, vector<1x16xf32>,
          %mul3A_730 = arith.constant 16 : i32
          %mul3A_731 = arith.muli %scan3A_84, %mul3A_730 : i32
          %add3A_732 = arith.constant 5 : i32
          %add3A_733 = arith.addi %mul3A_731, %add3A_732 : i32
          %get3A_734 = arith.index_cast %add3A_733 : i32 to index
          %get3A_735 = arith.constant 32 : index
          %get3A_736 = tpu.vector_load %arg10[%get3A_734, %get3A_735] {strides = array<i32>} : memref<80x128xf32, #tpu.memory_space<vmem>>, vector<1x16xf32>,
          %get3A_737 = vector.shape_cast %get3A_736 : vector<1x16xf32> to vector<16xf32>
          %mul3A_738 = vector.broadcast %squeeze3A_699 : f32 to vector<16xf32>
          %mul3A_739 = arith.mulf %get3A_737, %mul3A_738 : vector<16xf32>
          %swap3A_740 = arith.index_cast %add3A_733 : i32 to index
          %swap3A_741 = arith.constant 32 : index
          %swap3A_742 = tpu.vector_load %arg10[%swap3A_740, %swap3A_741] {strides = array<i32>} : memref<80x128xf32, #tpu.memory_space<vmem>>, vector<1x16xf32>,
          %swap3A_743 = vector.shape_cast %swap3A_742 : vector<1x16xf32> to vector<16xf32>
          %swap3A_744 = vector.shape_cast %mul3A_739 : vector<16xf32> to vector<1x16xf32>
          tpu.vector_store %arg10[%swap3A_740, %swap3A_741], %swap3A_744 {strides = array<i32>} : memref<80x128xf32, #tpu.memory_space<vmem>>, vector<1x16xf32>,
          %mul3A_745 = arith.constant 16 : i32
          %mul3A_746 = arith.muli %scan3A_84, %mul3A_745 : i32
          %add3A_747 = arith.constant 5 : i32
          %add3A_748 = arith.addi %mul3A_746, %add3A_747 : i32
          %get3A_749 = arith.index_cast %add3A_748 : i32 to index
          %get3A_750 = arith.constant 48 : index
          %get3A_751 = tpu.vector_load %arg10[%get3A_749, %get3A_750] {strides = array<i32>} : memref<80x128xf32, #tpu.memory_space<vmem>>, vector<1x16xf32>,
          %get3A_752 = vector.shape_cast %get3A_751 : vector<1x16xf32> to vector<16xf32>
          %mul3A_753 = vector.broadcast %squeeze3A_699 : f32 to vector<16xf32>
          %mul3A_754 = arith.mulf %get3A_752, %mul3A_753 : vector<16xf32>
          %swap3A_755 = arith.index_cast %add3A_748 : i32 to index
          %swap3A_756 = arith.constant 48 : index
          %swap3A_757 = tpu.vector_load %arg10[%swap3A_755, %swap3A_756] {strides = array<i32>} : memref<80x128xf32, #tpu.memory_space<vmem>>, vector<1x16xf32>,
          %swap3A_758 = vector.shape_cast %swap3A_757 : vector<1x16xf32> to vector<16xf32>
          %swap3A_759 = vector.shape_cast %mul3A_754 : vector<16xf32> to vector<1x16xf32>
          tpu.vector_store %arg10[%swap3A_755, %swap3A_756], %swap3A_759 {strides = array<i32>} : memref<80x128xf32, #tpu.memory_space<vmem>>, vector<1x16xf32>,
          %mul3A_760 = arith.constant 16 : i32
          %mul3A_761 = arith.muli %scan3A_84, %mul3A_760 : i32
          %add3A_762 = arith.constant 5 : i32
          %add3A_763 = arith.addi %mul3A_761, %add3A_762 : i32
          %get3A_764 = arith.index_cast %add3A_763 : i32 to index
          %get3A_765 = arith.constant 64 : index
          %get3A_766 = tpu.vector_load %arg10[%get3A_764, %get3A_765] {strides = array<i32>} : memref<80x128xf32, #tpu.memory_space<vmem>>, vector<1x16xf32>,
          %get3A_767 = vector.shape_cast %get3A_766 : vector<1x16xf32> to vector<16xf32>
          %mul3A_768 = vector.broadcast %squeeze3A_699 : f32 to vector<16xf32>
          %mul3A_769 = arith.mulf %get3A_767, %mul3A_768 : vector<16xf32>
          %swap3A_770 = arith.index_cast %add3A_763 : i32 to index
          %swap3A_771 = arith.constant 64 : index
          %swap3A_772 = tpu.vector_load %arg10[%swap3A_770, %swap3A_771] {strides = array<i32>} : memref<80x128xf32, #tpu.memory_space<vmem>>, vector<1x16xf32>,
          %swap3A_773 = vector.shape_cast %swap3A_772 : vector<1x16xf32> to vector<16xf32>
          %swap3A_774 = vector.shape_cast %mul3A_769 : vector<16xf32> to vector<1x16xf32>
          tpu.vector_store %arg10[%swap3A_770, %swap3A_771], %swap3A_774 {strides = array<i32>} : memref<80x128xf32, #tpu.memory_space<vmem>>, vector<1x16xf32>,
          %mul3A_775 = arith.constant 16 : i32
          %mul3A_776 = arith.muli %scan3A_84, %mul3A_775 : i32
          %add3A_777 = arith.constant 5 : i32
          %add3A_778 = arith.addi %mul3A_776, %add3A_777 : i32
          %get3A_779 = arith.index_cast %add3A_778 : i32 to index
          %get3A_780 = arith.constant 80 : index
          %get3A_781 = tpu.vector_load %arg10[%get3A_779, %get3A_780] {strides = array<i32>} : memref<80x128xf32, #tpu.memory_space<vmem>>, vector<1x16xf32>,
          %get3A_782 = vector.shape_cast %get3A_781 : vector<1x16xf32> to vector<16xf32>
          %mul3A_783 = vector.broadcast %squeeze3A_699 : f32 to vector<16xf32>
          %mul3A_784 = arith.mulf %get3A_782, %mul3A_783 : vector<16xf32>
          %swap3A_785 = arith.index_cast %add3A_778 : i32 to index
          %swap3A_786 = arith.constant 80 : index
          %swap3A_787 = tpu.vector_load %arg10[%swap3A_785, %swap3A_786] {strides = array<i32>} : memref<80x128xf32, #tpu.memory_space<vmem>>, vector<1x16xf32>,
          %swap3A_788 = vector.shape_cast %swap3A_787 : vector<1x16xf32> to vector<16xf32>
          %swap3A_789 = vector.shape_cast %mul3A_784 : vector<16xf32> to vector<1x16xf32>
          tpu.vector_store %arg10[%swap3A_785, %swap3A_786], %swap3A_789 {strides = array<i32>} : memref<80x128xf32, #tpu.memory_space<vmem>>, vector<1x16xf32>,
          %mul3A_790 = arith.constant 16 : i32
          %mul3A_791 = arith.muli %scan3A_84, %mul3A_790 : i32
          %add3A_792 = arith.constant 5 : i32
          %add3A_793 = arith.addi %mul3A_791, %add3A_792 : i32
          %get3A_794 = arith.index_cast %add3A_793 : i32 to index
          %get3A_795 = arith.constant 96 : index
          %get3A_796 = tpu.vector_load %arg10[%get3A_794, %get3A_795] {strides = array<i32>} : memref<80x128xf32, #tpu.memory_space<vmem>>, vector<1x16xf32>,
          %get3A_797 = vector.shape_cast %get3A_796 : vector<1x16xf32> to vector<16xf32>
          %mul3A_798 = vector.broadcast %squeeze3A_699 : f32 to vector<16xf32>
          %mul3A_799 = arith.mulf %get3A_797, %mul3A_798 : vector<16xf32>
          %swap3A_800 = arith.index_cast %add3A_793 : i32 to index
          %swap3A_801 = arith.constant 96 : index
          %swap3A_802 = tpu.vector_load %arg10[%swap3A_800, %swap3A_801] {strides = array<i32>} : memref<80x128xf32, #tpu.memory_space<vmem>>, vector<1x16xf32>,
          %swap3A_803 = vector.shape_cast %swap3A_802 : vector<1x16xf32> to vector<16xf32>
          %swap3A_804 = vector.shape_cast %mul3A_799 : vector<16xf32> to vector<1x16xf32>
          tpu.vector_store %arg10[%swap3A_800, %swap3A_801], %swap3A_804 {strides = array<i32>} : memref<80x128xf32, #tpu.memory_space<vmem>>, vector<1x16xf32>,
          %mul3A_805 = arith.constant 16 : i32
          %mul3A_806 = arith.muli %scan3A_84, %mul3A_805 : i32
          %add3A_807 = arith.constant 5 : i32
          %add3A_808 = arith.addi %mul3A_806, %add3A_807 : i32
          %get3A_809 = arith.index_cast %add3A_808 : i32 to index
          %get3A_810 = arith.constant 112 : index
          %get3A_811 = tpu.vector_load %arg10[%get3A_809, %get3A_810] {strides = array<i32>} : memref<80x128xf32, #tpu.memory_space<vmem>>, vector<1x16xf32>,
          %get3A_812 = vector.shape_cast %get3A_811 : vector<1x16xf32> to vector<16xf32>
          %mul3A_813 = vector.broadcast %squeeze3A_699 : f32 to vector<16xf32>
          %mul3A_814 = arith.mulf %get3A_812, %mul3A_813 : vector<16xf32>
          %swap3A_815 = arith.index_cast %add3A_808 : i32 to index
          %swap3A_816 = arith.constant 112 : index
          %swap3A_817 = tpu.vector_load %arg10[%swap3A_815, %swap3A_816] {strides = array<i32>} : memref<80x128xf32, #tpu.memory_space<vmem>>, vector<1x16xf32>,
          %swap3A_818 = vector.shape_cast %swap3A_817 : vector<1x16xf32> to vector<16xf32>
          %swap3A_819 = vector.shape_cast %mul3A_814 : vector<16xf32> to vector<1x16xf32>
          tpu.vector_store %arg10[%swap3A_815, %swap3A_816], %swap3A_819 {strides = array<i32>} : memref<80x128xf32, #tpu.memory_space<vmem>>, vector<1x16xf32>,
          %slice3A_820 = vector.extract_strided_slice %get3A_90 {offsets = [6], sizes = [1], strides = [1]} : vector<16xf32> to vector<1xf32>
          %squeeze3A_821 = vector.extract %slice3A_820[0] : f32 from vector<1xf32>
          %mul3A_822 = arith.constant 16 : i32
          %mul3A_823 = arith.muli %scan3A_84, %mul3A_822 : i32
          %add3A_824 = arith.constant 6 : i32
          %add3A_825 = arith.addi %mul3A_823, %add3A_824 : i32
          %get3A_826 = arith.index_cast %add3A_825 : i32 to index
          %get3A_827 = arith.constant 0 : index
          %get3A_828 = tpu.vector_load %arg10[%get3A_826, %get3A_827] {strides = array<i32>} : memref<80x128xf32, #tpu.memory_space<vmem>>, vector<1x16xf32>,
          %get3A_829 = vector.shape_cast %get3A_828 : vector<1x16xf32> to vector<16xf32>
          %mul3A_830 = vector.broadcast %squeeze3A_821 : f32 to vector<16xf32>
          %mul3A_831 = arith.mulf %get3A_829, %mul3A_830 : vector<16xf32>
          %swap3A_832 = arith.index_cast %add3A_825 : i32 to index
          %swap3A_833 = arith.constant 0 : index
          %swap3A_834 = tpu.vector_load %arg10[%swap3A_832, %swap3A_833] {strides = array<i32>} : memref<80x128xf32, #tpu.memory_space<vmem>>, vector<1x16xf32>,
          %swap3A_835 = vector.shape_cast %swap3A_834 : vector<1x16xf32> to vector<16xf32>
          %swap3A_836 = vector.shape_cast %mul3A_831 : vector<16xf32> to vector<1x16xf32>
          tpu.vector_store %arg10[%swap3A_832, %swap3A_833], %swap3A_836 {strides = array<i32>} : memref<80x128xf32, #tpu.memory_space<vmem>>, vector<1x16xf32>,
          %mul3A_837 = arith.constant 16 : i32
          %mul3A_838 = arith.muli %scan3A_84, %mul3A_837 : i32
          %add3A_839 = arith.constant 6 : i32
          %add3A_840 = arith.addi %mul3A_838, %add3A_839 : i32
          %get3A_841 = arith.index_cast %add3A_840 : i32 to index
          %get3A_842 = arith.constant 16 : index
          %get3A_843 = tpu.vector_load %arg10[%get3A_841, %get3A_842] {strides = array<i32>} : memref<80x128xf32, #tpu.memory_space<vmem>>, vector<1x16xf32>,
          %get3A_844 = vector.shape_cast %get3A_843 : vector<1x16xf32> to vector<16xf32>
          %mul3A_845 = vector.broadcast %squeeze3A_821 : f32 to vector<16xf32>
          %mul3A_846 = arith.mulf %get3A_844, %mul3A_845 : vector<16xf32>
          %swap3A_847 = arith.index_cast %add3A_840 : i32 to index
          %swap3A_848 = arith.constant 16 : index
          %swap3A_849 = tpu.vector_load %arg10[%swap3A_847, %swap3A_848] {strides = array<i32>} : memref<80x128xf32, #tpu.memory_space<vmem>>, vector<1x16xf32>,
          %swap3A_850 = vector.shape_cast %swap3A_849 : vector<1x16xf32> to vector<16xf32>
          %swap3A_851 = vector.shape_cast %mul3A_846 : vector<16xf32> to vector<1x16xf32>
          tpu.vector_store %arg10[%swap3A_847, %swap3A_848], %swap3A_851 {strides = array<i32>} : memref<80x128xf32, #tpu.memory_space<vmem>>, vector<1x16xf32>,
          %mul3A_852 = arith.constant 16 : i32
          %mul3A_853 = arith.muli %scan3A_84, %mul3A_852 : i32
          %add3A_854 = arith.constant 6 : i32
          %add3A_855 = arith.addi %mul3A_853, %add3A_854 : i32
          %get3A_856 = arith.index_cast %add3A_855 : i32 to index
          %get3A_857 = arith.constant 32 : index
          %get3A_858 = tpu.vector_load %arg10[%get3A_856, %get3A_857] {strides = array<i32>} : memref<80x128xf32, #tpu.memory_space<vmem>>, vector<1x16xf32>,
          %get3A_859 = vector.shape_cast %get3A_858 : vector<1x16xf32> to vector<16xf32>
          %mul3A_860 = vector.broadcast %squeeze3A_821 : f32 to vector<16xf32>
          %mul3A_861 = arith.mulf %get3A_859, %mul3A_860 : vector<16xf32>
          %swap3A_862 = arith.index_cast %add3A_855 : i32 to index
          %swap3A_863 = arith.constant 32 : index
          %swap3A_864 = tpu.vector_load %arg10[%swap3A_862, %swap3A_863] {strides = array<i32>} : memref<80x128xf32, #tpu.memory_space<vmem>>, vector<1x16xf32>,
          %swap3A_865 = vector.shape_cast %swap3A_864 : vector<1x16xf32> to vector<16xf32>
          %swap3A_866 = vector.shape_cast %mul3A_861 : vector<16xf32> to vector<1x16xf32>
          tpu.vector_store %arg10[%swap3A_862, %swap3A_863], %swap3A_866 {strides = array<i32>} : memref<80x128xf32, #tpu.memory_space<vmem>>, vector<1x16xf32>,
          %mul3A_867 = arith.constant 16 : i32
          %mul3A_868 = arith.muli %scan3A_84, %mul3A_867 : i32
          %add3A_869 = arith.constant 6 : i32
          %add3A_870 = arith.addi %mul3A_868, %add3A_869 : i32
          %get3A_871 = arith.index_cast %add3A_870 : i32 to index
          %get3A_872 = arith.constant 48 : index
          %get3A_873 = tpu.vector_load %arg10[%get3A_871, %get3A_872] {strides = array<i32>} : memref<80x128xf32, #tpu.memory_space<vmem>>, vector<1x16xf32>,
          %get3A_874 = vector.shape_cast %get3A_873 : vector<1x16xf32> to vector<16xf32>
          %mul3A_875 = vector.broadcast %squeeze3A_821 : f32 to vector<16xf32>
          %mul3A_876 = arith.mulf %get3A_874, %mul3A_875 : vector<16xf32>
          %swap3A_877 = arith.index_cast %add3A_870 : i32 to index
          %swap3A_878 = arith.constant 48 : index
          %swap3A_879 = tpu.vector_load %arg10[%swap3A_877, %swap3A_878] {strides = array<i32>} : memref<80x128xf32, #tpu.memory_space<vmem>>, vector<1x16xf32>,
          %swap3A_880 = vector.shape_cast %swap3A_879 : vector<1x16xf32> to vector<16xf32>
          %swap3A_881 = vector.shape_cast %mul3A_876 : vector<16xf32> to vector<1x16xf32>
          tpu.vector_store %arg10[%swap3A_877, %swap3A_878], %swap3A_881 {strides = array<i32>} : memref<80x128xf32, #tpu.memory_space<vmem>>, vector<1x16xf32>,
          %mul3A_882 = arith.constant 16 : i32
          %mul3A_883 = arith.muli %scan3A_84, %mul3A_882 : i32
          %add3A_884 = arith.constant 6 : i32
          %add3A_885 = arith.addi %mul3A_883, %add3A_884 : i32
          %get3A_886 = arith.index_cast %add3A_885 : i32 to index
          %get3A_887 = arith.constant 64 : index
          %get3A_888 = tpu.vector_load %arg10[%get3A_886, %get3A_887] {strides = array<i32>} : memref<80x128xf32, #tpu.memory_space<vmem>>, vector<1x16xf32>,
          %get3A_889 = vector.shape_cast %get3A_888 : vector<1x16xf32> to vector<16xf32>
          %mul3A_890 = vector.broadcast %squeeze3A_821 : f32 to vector<16xf32>
          %mul3A_891 = arith.mulf %get3A_889, %mul3A_890 : vector<16xf32>
          %swap3A_892 = arith.index_cast %add3A_885 : i32 to index
          %swap3A_893 = arith.constant 64 : index
          %swap3A_894 = tpu.vector_load %arg10[%swap3A_892, %swap3A_893] {strides = array<i32>} : memref<80x128xf32, #tpu.memory_space<vmem>>, vector<1x16xf32>,
          %swap3A_895 = vector.shape_cast %swap3A_894 : vector<1x16xf32> to vector<16xf32>
          %swap3A_896 = vector.shape_cast %mul3A_891 : vector<16xf32> to vector<1x16xf32>
          tpu.vector_store %arg10[%swap3A_892, %swap3A_893], %swap3A_896 {strides = array<i32>} : memref<80x128xf32, #tpu.memory_space<vmem>>, vector<1x16xf32>,
          %mul3A_897 = arith.constant 16 : i32
          %mul3A_898 = arith.muli %scan3A_84, %mul3A_897 : i32
          %add3A_899 = arith.constant 6 : i32
          %add3A_900 = arith.addi %mul3A_898, %add3A_899 : i32
          %get3A_901 = arith.index_cast %add3A_900 : i32 to index
          %get3A_902 = arith.constant 80 : index
          %get3A_903 = tpu.vector_load %arg10[%get3A_901, %get3A_902] {strides = array<i32>} : memref<80x128xf32, #tpu.memory_space<vmem>>, vector<1x16xf32>,
          %get3A_904 = vector.shape_cast %get3A_903 : vector<1x16xf32> to vector<16xf32>
          %mul3A_905 = vector.broadcast %squeeze3A_821 : f32 to vector<16xf32>
          %mul3A_906 = arith.mulf %get3A_904, %mul3A_905 : vector<16xf32>
          %swap3A_907 = arith.index_cast %add3A_900 : i32 to index
          %swap3A_908 = arith.constant 80 : index
          %swap3A_909 = tpu.vector_load %arg10[%swap3A_907, %swap3A_908] {strides = array<i32>} : memref<80x128xf32, #tpu.memory_space<vmem>>, vector<1x16xf32>,
          %swap3A_910 = vector.shape_cast %swap3A_909 : vector<1x16xf32> to vector<16xf32>
          %swap3A_911 = vector.shape_cast %mul3A_906 : vector<16xf32> to vector<1x16xf32>
          tpu.vector_store %arg10[%swap3A_907, %swap3A_908], %swap3A_911 {strides = array<i32>} : memref<80x128xf32, #tpu.memory_space<vmem>>, vector<1x16xf32>,
          %mul3A_912 = arith.constant 16 : i32
          %mul3A_913 = arith.muli %scan3A_84, %mul3A_912 : i32
          %add3A_914 = arith.constant 6 : i32
          %add3A_915 = arith.addi %mul3A_913, %add3A_914 : i32
          %get3A_916 = arith.index_cast %add3A_915 : i32 to index
          %get3A_917 = arith.constant 96 : index
          %get3A_918 = tpu.vector_load %arg10[%get3A_916, %get3A_917] {strides = array<i32>} : memref<80x128xf32, #tpu.memory_space<vmem>>, vector<1x16xf32>,
          %get3A_919 = vector.shape_cast %get3A_918 : vector<1x16xf32> to vector<16xf32>
          %mul3A_920 = vector.broadcast %squeeze3A_821 : f32 to vector<16xf32>
          %mul3A_921 = arith.mulf %get3A_919, %mul3A_920 : vector<16xf32>
          %swap3A_922 = arith.index_cast %add3A_915 : i32 to index
          %swap3A_923 = arith.constant 96 : index
          %swap3A_924 = tpu.vector_load %arg10[%swap3A_922, %swap3A_923] {strides = array<i32>} : memref<80x128xf32, #tpu.memory_space<vmem>>, vector<1x16xf32>,
          %swap3A_925 = vector.shape_cast %swap3A_924 : vector<1x16xf32> to vector<16xf32>
          %swap3A_926 = vector.shape_cast %mul3A_921 : vector<16xf32> to vector<1x16xf32>
          tpu.vector_store %arg10[%swap3A_922, %swap3A_923], %swap3A_926 {strides = array<i32>} : memref<80x128xf32, #tpu.memory_space<vmem>>, vector<1x16xf32>,
          %mul3A_927 = arith.constant 16 : i32
          %mul3A_928 = arith.muli %scan3A_84, %mul3A_927 : i32
          %add3A_929 = arith.constant 6 : i32
          %add3A_930 = arith.addi %mul3A_928, %add3A_929 : i32
          %get3A_931 = arith.index_cast %add3A_930 : i32 to index
          %get3A_932 = arith.constant 112 : index
          %get3A_933 = tpu.vector_load %arg10[%get3A_931, %get3A_932] {strides = array<i32>} : memref<80x128xf32, #tpu.memory_space<vmem>>, vector<1x16xf32>,
          %get3A_934 = vector.shape_cast %get3A_933 : vector<1x16xf32> to vector<16xf32>
          %mul3A_935 = vector.broadcast %squeeze3A_821 : f32 to vector<16xf32>
          %mul3A_936 = arith.mulf %get3A_934, %mul3A_935 : vector<16xf32>
          %swap3A_937 = arith.index_cast %add3A_930 : i32 to index
          %swap3A_938 = arith.constant 112 : index
          %swap3A_939 = tpu.vector_load %arg10[%swap3A_937, %swap3A_938] {strides = array<i32>} : memref<80x128xf32, #tpu.memory_space<vmem>>, vector<1x16xf32>,
          %swap3A_940 = vector.shape_cast %swap3A_939 : vector<1x16xf32> to vector<16xf32>
          %swap3A_941 = vector.shape_cast %mul3A_936 : vector<16xf32> to vector<1x16xf32>
          tpu.vector_store %arg10[%swap3A_937, %swap3A_938], %swap3A_941 {strides = array<i32>} : memref<80x128xf32, #tpu.memory_space<vmem>>, vector<1x16xf32>,
          %slice3A_942 = vector.extract_strided_slice %get3A_90 {offsets = [7], sizes = [1], strides = [1]} : vector<16xf32> to vector<1xf32>
          %squeeze3A_943 = vector.extract %slice3A_942[0] : f32 from vector<1xf32>
          %mul3A_944 = arith.constant 16 : i32
          %mul3A_945 = arith.muli %scan3A_84, %mul3A_944 : i32
          %add3A_946 = arith.constant 7 : i32
          %add3A_947 = arith.addi %mul3A_945, %add3A_946 : i32
          %get3A_948 = arith.index_cast %add3A_947 : i32 to index
          %get3A_949 = arith.constant 0 : index
          %get3A_950 = tpu.vector_load %arg10[%get3A_948, %get3A_949] {strides = array<i32>} : memref<80x128xf32, #tpu.memory_space<vmem>>, vector<1x16xf32>,
          %get3A_951 = vector.shape_cast %get3A_950 : vector<1x16xf32> to vector<16xf32>
          %mul3A_952 = vector.broadcast %squeeze3A_943 : f32 to vector<16xf32>
          %mul3A_953 = arith.mulf %get3A_951, %mul3A_952 : vector<16xf32>
          %swap3A_954 = arith.index_cast %add3A_947 : i32 to index
          %swap3A_955 = arith.constant 0 : index
          %swap3A_956 = tpu.vector_load %arg10[%swap3A_954, %swap3A_955] {strides = array<i32>} : memref<80x128xf32, #tpu.memory_space<vmem>>, vector<1x16xf32>,
          %swap3A_957 = vector.shape_cast %swap3A_956 : vector<1x16xf32> to vector<16xf32>
          %swap3A_958 = vector.shape_cast %mul3A_953 : vector<16xf32> to vector<1x16xf32>
          tpu.vector_store %arg10[%swap3A_954, %swap3A_955], %swap3A_958 {strides = array<i32>} : memref<80x128xf32, #tpu.memory_space<vmem>>, vector<1x16xf32>,
          %mul3A_959 = arith.constant 16 : i32
          %mul3A_960 = arith.muli %scan3A_84, %mul3A_959 : i32
          %add3A_961 = arith.constant 7 : i32
          %add3A_962 = arith.addi %mul3A_960, %add3A_961 : i32
          %get3A_963 = arith.index_cast %add3A_962 : i32 to index
          %get3A_964 = arith.constant 16 : index
          %get3A_965 = tpu.vector_load %arg10[%get3A_963, %get3A_964] {strides = array<i32>} : memref<80x128xf32, #tpu.memory_space<vmem>>, vector<1x16xf32>,
          %get3A_966 = vector.shape_cast %get3A_965 : vector<1x16xf32> to vector<16xf32>
          %mul3A_967 = vector.broadcast %squeeze3A_943 : f32 to vector<16xf32>
          %mul3A_968 = arith.mulf %get3A_966, %mul3A_967 : vector<16xf32>
          %swap3A_969 = arith.index_cast %add3A_962 : i32 to index
          %swap3A_970 = arith.constant 16 : index
          %swap3A_971 = tpu.vector_load %arg10[%swap3A_969, %swap3A_970] {strides = array<i32>} : memref<80x128xf32, #tpu.memory_space<vmem>>, vector<1x16xf32>,
          %swap3A_972 = vector.shape_cast %swap3A_971 : vector<1x16xf32> to vector<16xf32>
          %swap3A_973 = vector.shape_cast %mul3A_968 : vector<16xf32> to vector<1x16xf32>
          tpu.vector_store %arg10[%swap3A_969, %swap3A_970], %swap3A_973 {strides = array<i32>} : memref<80x128xf32, #tpu.memory_space<vmem>>, vector<1x16xf32>,
          %mul3A_974 = arith.constant 16 : i32
          %mul3A_975 = arith.muli %scan3A_84, %mul3A_974 : i32
          %add3A_976 = arith.constant 7 : i32
          %add3A_977 = arith.addi %mul3A_975, %add3A_976 : i32
          %get3A_978 = arith.index_cast %add3A_977 : i32 to index
          %get3A_979 = arith.constant 32 : index
          %get3A_980 = tpu.vector_load %arg10[%get3A_978, %get3A_979] {strides = array<i32>} : memref<80x128xf32, #tpu.memory_space<vmem>>, vector<1x16xf32>,
          %get3A_981 = vector.shape_cast %get3A_980 : vector<1x16xf32> to vector<16xf32>
          %mul3A_982 = vector.broadcast %squeeze3A_943 : f32 to vector<16xf32>
          %mul3A_983 = arith.mulf %get3A_981, %mul3A_982 : vector<16xf32>
          %swap3A_984 = arith.index_cast %add3A_977 : i32 to index
          %swap3A_985 = arith.constant 32 : index
          %swap3A_986 = tpu.vector_load %arg10[%swap3A_984, %swap3A_985] {strides = array<i32>} : memref<80x128xf32, #tpu.memory_space<vmem>>, vector<1x16xf32>,
          %swap3A_987 = vector.shape_cast %swap3A_986 : vector<1x16xf32> to vector<16xf32>
          %swap3A_988 = vector.shape_cast %mul3A_983 : vector<16xf32> to vector<1x16xf32>
          tpu.vector_store %arg10[%swap3A_984, %swap3A_985], %swap3A_988 {strides = array<i32>} : memref<80x128xf32, #tpu.memory_space<vmem>>, vector<1x16xf32>,
          %mul3A_989 = arith.constant 16 : i32
          %mul3A_990 = arith.muli %scan3A_84, %mul3A_989 : i32
          %add3A_991 = arith.constant 7 : i32
          %add3A_992 = arith.addi %mul3A_990, %add3A_991 : i32
          %get3A_993 = arith.index_cast %add3A_992 : i32 to index
          %get3A_994 = arith.constant 48 : index
          %get3A_995 = tpu.vector_load %arg10[%get3A_993, %get3A_994] {strides = array<i32>} : memref<80x128xf32, #tpu.memory_space<vmem>>, vector<1x16xf32>,
          %get3A_996 = vector.shape_cast %get3A_995 : vector<1x16xf32> to vector<16xf32>
          %mul3A_997 = vector.broadcast %squeeze3A_943 : f32 to vector<16xf32>
          %mul3A_998 = arith.mulf %get3A_996, %mul3A_997 : vector<16xf32>
          %swap3A_999 = arith.index_cast %add3A_992 : i32 to index
          %swap3A_1000 = arith.constant 48 : index
          %swap3A_1001 = tpu.vector_load %arg10[%swap3A_999, %swap3A_1000] {strides = array<i32>} : memref<80x128xf32, #tpu.memory_space<vmem>>, vector<1x16xf32>,
          %swap3A_1002 = vector.shape_cast %swap3A_1001 : vector<1x16xf32> to vector<16xf32>
          %swap3A_1003 = vector.shape_cast %mul3A_998 : vector<16xf32> to vector<1x16xf32>
          tpu.vector_store %arg10[%swap3A_999, %swap3A_1000], %swap3A_1003 {strides = array<i32>} : memref<80x128xf32, #tpu.memory_space<vmem>>, vector<1x16xf32>,
          %mul3A_1004 = arith.constant 16 : i32
          %mul3A_1005 = arith.muli %scan3A_84, %mul3A_1004 : i32
          %add3A_1006 = arith.constant 7 : i32
          %add3A_1007 = arith.addi %mul3A_1005, %add3A_1006 : i32
          %get3A_1008 = arith.index_cast %add3A_1007 : i32 to index
          %get3A_1009 = arith.constant 64 : index
          %get3A_1010 = tpu.vector_load %arg10[%get3A_1008, %get3A_1009] {strides = array<i32>} : memref<80x128xf32, #tpu.memory_space<vmem>>, vector<1x16xf32>,
          %get3A_1011 = vector.shape_cast %get3A_1010 : vector<1x16xf32> to vector<16xf32>
          %mul3A_1012 = vector.broadcast %squeeze3A_943 : f32 to vector<16xf32>
          %mul3A_1013 = arith.mulf %get3A_1011, %mul3A_1012 : vector<16xf32>
          %swap3A_1014 = arith.index_cast %add3A_1007 : i32 to index
          %swap3A_1015 = arith.constant 64 : index
          %swap3A_1016 = tpu.vector_load %arg10[%swap3A_1014, %swap3A_1015] {strides = array<i32>} : memref<80x128xf32, #tpu.memory_space<vmem>>, vector<1x16xf32>,
          %swap3A_1017 = vector.shape_cast %swap3A_1016 : vector<1x16xf32> to vector<16xf32>
          %swap3A_1018 = vector.shape_cast %mul3A_1013 : vector<16xf32> to vector<1x16xf32>
          tpu.vector_store %arg10[%swap3A_1014, %swap3A_1015], %swap3A_1018 {strides = array<i32>} : memref<80x128xf32, #tpu.memory_space<vmem>>, vector<1x16xf32>,
          %mul3A_1019 = arith.constant 16 : i32
          %mul3A_1020 = arith.muli %scan3A_84, %mul3A_1019 : i32
          %add3A_1021 = arith.constant 7 : i32
          %add3A_1022 = arith.addi %mul3A_1020, %add3A_1021 : i32
          %get3A_1023 = arith.index_cast %add3A_1022 : i32 to index
          %get3A_1024 = arith.constant 80 : index
          %get3A_1025 = tpu.vector_load %arg10[%get3A_1023, %get3A_1024] {strides = array<i32>} : memref<80x128xf32, #tpu.memory_space<vmem>>, vector<1x16xf32>,
          %get3A_1026 = vector.shape_cast %get3A_1025 : vector<1x16xf32> to vector<16xf32>
          %mul3A_1027 = vector.broadcast %squeeze3A_943 : f32 to vector<16xf32>
          %mul3A_1028 = arith.mulf %get3A_1026, %mul3A_1027 : vector<16xf32>
          %swap3A_1029 = arith.index_cast %add3A_1022 : i32 to index
          %swap3A_1030 = arith.constant 80 : index
          %swap3A_1031 = tpu.vector_load %arg10[%swap3A_1029, %swap3A_1030] {strides = array<i32>} : memref<80x128xf32, #tpu.memory_space<vmem>>, vector<1x16xf32>,
          %swap3A_1032 = vector.shape_cast %swap3A_1031 : vector<1x16xf32> to vector<16xf32>
          %swap3A_1033 = vector.shape_cast %mul3A_1028 : vector<16xf32> to vector<1x16xf32>
          tpu.vector_store %arg10[%swap3A_1029, %swap3A_1030], %swap3A_1033 {strides = array<i32>} : memref<80x128xf32, #tpu.memory_space<vmem>>, vector<1x16xf32>,
          %mul3A_1034 = arith.constant 16 : i32
          %mul3A_1035 = arith.muli %scan3A_84, %mul3A_1034 : i32
          %add3A_1036 = arith.constant 7 : i32
          %add3A_1037 = arith.addi %mul3A_1035, %add3A_1036 : i32
          %get3A_1038 = arith.index_cast %add3A_1037 : i32 to index
          %get3A_1039 = arith.constant 96 : index
          %get3A_1040 = tpu.vector_load %arg10[%get3A_1038, %get3A_1039] {strides = array<i32>} : memref<80x128xf32, #tpu.memory_space<vmem>>, vector<1x16xf32>,
          %get3A_1041 = vector.shape_cast %get3A_1040 : vector<1x16xf32> to vector<16xf32>
          %mul3A_1042 = vector.broadcast %squeeze3A_943 : f32 to vector<16xf32>
          %mul3A_1043 = arith.mulf %get3A_1041, %mul3A_1042 : vector<16xf32>
          %swap3A_1044 = arith.index_cast %add3A_1037 : i32 to index
          %swap3A_1045 = arith.constant 96 : index
          %swap3A_1046 = tpu.vector_load %arg10[%swap3A_1044, %swap3A_1045] {strides = array<i32>} : memref<80x128xf32, #tpu.memory_space<vmem>>, vector<1x16xf32>,
          %swap3A_1047 = vector.shape_cast %swap3A_1046 : vector<1x16xf32> to vector<16xf32>
          %swap3A_1048 = vector.shape_cast %mul3A_1043 : vector<16xf32> to vector<1x16xf32>
          tpu.vector_store %arg10[%swap3A_1044, %swap3A_1045], %swap3A_1048 {strides = array<i32>} : memref<80x128xf32, #tpu.memory_space<vmem>>, vector<1x16xf32>,
          %mul3A_1049 = arith.constant 16 : i32
          %mul3A_1050 = arith.muli %scan3A_84, %mul3A_1049 : i32
          %add3A_1051 = arith.constant 7 : i32
          %add3A_1052 = arith.addi %mul3A_1050, %add3A_1051 : i32
          %get3A_1053 = arith.index_cast %add3A_1052 : i32 to index
          %get3A_1054 = arith.constant 112 : index
          %get3A_1055 = tpu.vector_load %arg10[%get3A_1053, %get3A_1054] {strides = array<i32>} : memref<80x128xf32, #tpu.memory_space<vmem>>, vector<1x16xf32>,
          %get3A_1056 = vector.shape_cast %get3A_1055 : vector<1x16xf32> to vector<16xf32>
          %mul3A_1057 = vector.broadcast %squeeze3A_943 : f32 to vector<16xf32>
          %mul3A_1058 = arith.mulf %get3A_1056, %mul3A_1057 : vector<16xf32>
          %swap3A_1059 = arith.index_cast %add3A_1052 : i32 to index
          %swap3A_1060 = arith.constant 112 : index
          %swap3A_1061 = tpu.vector_load %arg10[%swap3A_1059, %swap3A_1060] {strides = array<i32>} : memref<80x128xf32, #tpu.memory_space<vmem>>, vector<1x16xf32>,
          %swap3A_1062 = vector.shape_cast %swap3A_1061 : vector<1x16xf32> to vector<16xf32>
          %swap3A_1063 = vector.shape_cast %mul3A_1058 : vector<16xf32> to vector<1x16xf32>
          tpu.vector_store %arg10[%swap3A_1059, %swap3A_1060], %swap3A_1063 {strides = array<i32>} : memref<80x128xf32, #tpu.memory_space<vmem>>, vector<1x16xf32>,
          %slice3A_1064 = vector.extract_strided_slice %get3A_90 {offsets = [8], sizes = [1], strides = [1]} : vector<16xf32> to vector<1xf32>
          %squeeze3A_1065 = vector.extract %slice3A_1064[0] : f32 from vector<1xf32>
          %mul3A_1066 = arith.constant 16 : i32
          %mul3A_1067 = arith.muli %scan3A_84, %mul3A_1066 : i32
          %add3A_1068 = arith.constant 8 : i32
          %add3A_1069 = arith.addi %mul3A_1067, %add3A_1068 : i32
          %get3A_1070 = arith.index_cast %add3A_1069 : i32 to index
          %get3A_1071 = arith.constant 0 : index
          %get3A_1072 = tpu.vector_load %arg10[%get3A_1070, %get3A_1071] {strides = array<i32>} : memref<80x128xf32, #tpu.memory_space<vmem>>, vector<1x16xf32>,
          %get3A_1073 = vector.shape_cast %get3A_1072 : vector<1x16xf32> to vector<16xf32>
          %mul3A_1074 = vector.broadcast %squeeze3A_1065 : f32 to vector<16xf32>
          %mul3A_1075 = arith.mulf %get3A_1073, %mul3A_1074 : vector<16xf32>
          %swap3A_1076 = arith.index_cast %add3A_1069 : i32 to index
          %swap3A_1077 = arith.constant 0 : index
          %swap3A_1078 = tpu.vector_load %arg10[%swap3A_1076, %swap3A_1077] {strides = array<i32>} : memref<80x128xf32, #tpu.memory_space<vmem>>, vector<1x16xf32>,
          %swap3A_1079 = vector.shape_cast %swap3A_1078 : vector<1x16xf32> to vector<16xf32>
          %swap3A_1080 = vector.shape_cast %mul3A_1075 : vector<16xf32> to vector<1x16xf32>
          tpu.vector_store %arg10[%swap3A_1076, %swap3A_1077], %swap3A_1080 {strides = array<i32>} : memref<80x128xf32, #tpu.memory_space<vmem>>, vector<1x16xf32>,
          %mul3A_1081 = arith.constant 16 : i32
          %mul3A_1082 = arith.muli %scan3A_84, %mul3A_1081 : i32
          %add3A_1083 = arith.constant 8 : i32
          %add3A_1084 = arith.addi %mul3A_1082, %add3A_1083 : i32
          %get3A_1085 = arith.index_cast %add3A_1084 : i32 to index
          %get3A_1086 = arith.constant 16 : index
          %get3A_1087 = tpu.vector_load %arg10[%get3A_1085, %get3A_1086] {strides = array<i32>} : memref<80x128xf32, #tpu.memory_space<vmem>>, vector<1x16xf32>,
          %get3A_1088 = vector.shape_cast %get3A_1087 : vector<1x16xf32> to vector<16xf32>
          %mul3A_1089 = vector.broadcast %squeeze3A_1065 : f32 to vector<16xf32>
          %mul3A_1090 = arith.mulf %get3A_1088, %mul3A_1089 : vector<16xf32>
          %swap3A_1091 = arith.index_cast %add3A_1084 : i32 to index
          %swap3A_1092 = arith.constant 16 : index
          %swap3A_1093 = tpu.vector_load %arg10[%swap3A_1091, %swap3A_1092] {strides = array<i32>} : memref<80x128xf32, #tpu.memory_space<vmem>>, vector<1x16xf32>,
          %swap3A_1094 = vector.shape_cast %swap3A_1093 : vector<1x16xf32> to vector<16xf32>
          %swap3A_1095 = vector.shape_cast %mul3A_1090 : vector<16xf32> to vector<1x16xf32>
          tpu.vector_store %arg10[%swap3A_1091, %swap3A_1092], %swap3A_1095 {strides = array<i32>} : memref<80x128xf32, #tpu.memory_space<vmem>>, vector<1x16xf32>,
          %mul3A_1096 = arith.constant 16 : i32
          %mul3A_1097 = arith.muli %scan3A_84, %mul3A_1096 : i32
          %add3A_1098 = arith.constant 8 : i32
          %add3A_1099 = arith.addi %mul3A_1097, %add3A_1098 : i32
          %get3A_1100 = arith.index_cast %add3A_1099 : i32 to index
          %get3A_1101 = arith.constant 32 : index
          %get3A_1102 = tpu.vector_load %arg10[%get3A_1100, %get3A_1101] {strides = array<i32>} : memref<80x128xf32, #tpu.memory_space<vmem>>, vector<1x16xf32>,
          %get3A_1103 = vector.shape_cast %get3A_1102 : vector<1x16xf32> to vector<16xf32>
          %mul3A_1104 = vector.broadcast %squeeze3A_1065 : f32 to vector<16xf32>
          %mul3A_1105 = arith.mulf %get3A_1103, %mul3A_1104 : vector<16xf32>
          %swap3A_1106 = arith.index_cast %add3A_1099 : i32 to index
          %swap3A_1107 = arith.constant 32 : index
          %swap3A_1108 = tpu.vector_load %arg10[%swap3A_1106, %swap3A_1107] {strides = array<i32>} : memref<80x128xf32, #tpu.memory_space<vmem>>, vector<1x16xf32>,
          %swap3A_1109 = vector.shape_cast %swap3A_1108 : vector<1x16xf32> to vector<16xf32>
          %swap3A_1110 = vector.shape_cast %mul3A_1105 : vector<16xf32> to vector<1x16xf32>
          tpu.vector_store %arg10[%swap3A_1106, %swap3A_1107], %swap3A_1110 {strides = array<i32>} : memref<80x128xf32, #tpu.memory_space<vmem>>, vector<1x16xf32>,
          %mul3A_1111 = arith.constant 16 : i32
          %mul3A_1112 = arith.muli %scan3A_84, %mul3A_1111 : i32
          %add3A_1113 = arith.constant 8 : i32
          %add3A_1114 = arith.addi %mul3A_1112, %add3A_1113 : i32
          %get3A_1115 = arith.index_cast %add3A_1114 : i32 to index
          %get3A_1116 = arith.constant 48 : index
          %get3A_1117 = tpu.vector_load %arg10[%get3A_1115, %get3A_1116] {strides = array<i32>} : memref<80x128xf32, #tpu.memory_space<vmem>>, vector<1x16xf32>,
          %get3A_1118 = vector.shape_cast %get3A_1117 : vector<1x16xf32> to vector<16xf32>
          %mul3A_1119 = vector.broadcast %squeeze3A_1065 : f32 to vector<16xf32>
          %mul3A_1120 = arith.mulf %get3A_1118, %mul3A_1119 : vector<16xf32>
          %swap3A_1121 = arith.index_cast %add3A_1114 : i32 to index
          %swap3A_1122 = arith.constant 48 : index
          %swap3A_1123 = tpu.vector_load %arg10[%swap3A_1121, %swap3A_1122] {strides = array<i32>} : memref<80x128xf32, #tpu.memory_space<vmem>>, vector<1x16xf32>,
          %swap3A_1124 = vector.shape_cast %swap3A_1123 : vector<1x16xf32> to vector<16xf32>
          %swap3A_1125 = vector.shape_cast %mul3A_1120 : vector<16xf32> to vector<1x16xf32>
          tpu.vector_store %arg10[%swap3A_1121, %swap3A_1122], %swap3A_1125 {strides = array<i32>} : memref<80x128xf32, #tpu.memory_space<vmem>>, vector<1x16xf32>,
          %mul3A_1126 = arith.constant 16 : i32
          %mul3A_1127 = arith.muli %scan3A_84, %mul3A_1126 : i32
          %add3A_1128 = arith.constant 8 : i32
          %add3A_1129 = arith.addi %mul3A_1127, %add3A_1128 : i32
          %get3A_1130 = arith.index_cast %add3A_1129 : i32 to index
          %get3A_1131 = arith.constant 64 : index
          %get3A_1132 = tpu.vector_load %arg10[%get3A_1130, %get3A_1131] {strides = array<i32>} : memref<80x128xf32, #tpu.memory_space<vmem>>, vector<1x16xf32>,
          %get3A_1133 = vector.shape_cast %get3A_1132 : vector<1x16xf32> to vector<16xf32>
          %mul3A_1134 = vector.broadcast %squeeze3A_1065 : f32 to vector<16xf32>
          %mul3A_1135 = arith.mulf %get3A_1133, %mul3A_1134 : vector<16xf32>
          %swap3A_1136 = arith.index_cast %add3A_1129 : i32 to index
          %swap3A_1137 = arith.constant 64 : index
          %swap3A_1138 = tpu.vector_load %arg10[%swap3A_1136, %swap3A_1137] {strides = array<i32>} : memref<80x128xf32, #tpu.memory_space<vmem>>, vector<1x16xf32>,
          %swap3A_1139 = vector.shape_cast %swap3A_1138 : vector<1x16xf32> to vector<16xf32>
          %swap3A_1140 = vector.shape_cast %mul3A_1135 : vector<16xf32> to vector<1x16xf32>
          tpu.vector_store %arg10[%swap3A_1136, %swap3A_1137], %swap3A_1140 {strides = array<i32>} : memref<80x128xf32, #tpu.memory_space<vmem>>, vector<1x16xf32>,
          %mul3A_1141 = arith.constant 16 : i32
          %mul3A_1142 = arith.muli %scan3A_84, %mul3A_1141 : i32
          %add3A_1143 = arith.constant 8 : i32
          %add3A_1144 = arith.addi %mul3A_1142, %add3A_1143 : i32
          %get3A_1145 = arith.index_cast %add3A_1144 : i32 to index
          %get3A_1146 = arith.constant 80 : index
          %get3A_1147 = tpu.vector_load %arg10[%get3A_1145, %get3A_1146] {strides = array<i32>} : memref<80x128xf32, #tpu.memory_space<vmem>>, vector<1x16xf32>,
          %get3A_1148 = vector.shape_cast %get3A_1147 : vector<1x16xf32> to vector<16xf32>
          %mul3A_1149 = vector.broadcast %squeeze3A_1065 : f32 to vector<16xf32>
          %mul3A_1150 = arith.mulf %get3A_1148, %mul3A_1149 : vector<16xf32>
          %swap3A_1151 = arith.index_cast %add3A_1144 : i32 to index
          %swap3A_1152 = arith.constant 80 : index
          %swap3A_1153 = tpu.vector_load %arg10[%swap3A_1151, %swap3A_1152] {strides = array<i32>} : memref<80x128xf32, #tpu.memory_space<vmem>>, vector<1x16xf32>,
          %swap3A_1154 = vector.shape_cast %swap3A_1153 : vector<1x16xf32> to vector<16xf32>
          %swap3A_1155 = vector.shape_cast %mul3A_1150 : vector<16xf32> to vector<1x16xf32>
          tpu.vector_store %arg10[%swap3A_1151, %swap3A_1152], %swap3A_1155 {strides = array<i32>} : memref<80x128xf32, #tpu.memory_space<vmem>>, vector<1x16xf32>,
          %mul3A_1156 = arith.constant 16 : i32
          %mul3A_1157 = arith.muli %scan3A_84, %mul3A_1156 : i32
          %add3A_1158 = arith.constant 8 : i32
          %add3A_1159 = arith.addi %mul3A_1157, %add3A_1158 : i32
          %get3A_1160 = arith.index_cast %add3A_1159 : i32 to index
          %get3A_1161 = arith.constant 96 : index
          %get3A_1162 = tpu.vector_load %arg10[%get3A_1160, %get3A_1161] {strides = array<i32>} : memref<80x128xf32, #tpu.memory_space<vmem>>, vector<1x16xf32>,
          %get3A_1163 = vector.shape_cast %get3A_1162 : vector<1x16xf32> to vector<16xf32>
          %mul3A_1164 = vector.broadcast %squeeze3A_1065 : f32 to vector<16xf32>
          %mul3A_1165 = arith.mulf %get3A_1163, %mul3A_1164 : vector<16xf32>
          %swap3A_1166 = arith.index_cast %add3A_1159 : i32 to index
          %swap3A_1167 = arith.constant 96 : index
          %swap3A_1168 = tpu.vector_load %arg10[%swap3A_1166, %swap3A_1167] {strides = array<i32>} : memref<80x128xf32, #tpu.memory_space<vmem>>, vector<1x16xf32>,
          %swap3A_1169 = vector.shape_cast %swap3A_1168 : vector<1x16xf32> to vector<16xf32>
          %swap3A_1170 = vector.shape_cast %mul3A_1165 : vector<16xf32> to vector<1x16xf32>
          tpu.vector_store %arg10[%swap3A_1166, %swap3A_1167], %swap3A_1170 {strides = array<i32>} : memref<80x128xf32, #tpu.memory_space<vmem>>, vector<1x16xf32>,
          %mul3A_1171 = arith.constant 16 : i32
          %mul3A_1172 = arith.muli %scan3A_84, %mul3A_1171 : i32
          %add3A_1173 = arith.constant 8 : i32
          %add3A_1174 = arith.addi %mul3A_1172, %add3A_1173 : i32
          %get3A_1175 = arith.index_cast %add3A_1174 : i32 to index
          %get3A_1176 = arith.constant 112 : index
          %get3A_1177 = tpu.vector_load %arg10[%get3A_1175, %get3A_1176] {strides = array<i32>} : memref<80x128xf32, #tpu.memory_space<vmem>>, vector<1x16xf32>,
          %get3A_1178 = vector.shape_cast %get3A_1177 : vector<1x16xf32> to vector<16xf32>
          %mul3A_1179 = vector.broadcast %squeeze3A_1065 : f32 to vector<16xf32>
          %mul3A_1180 = arith.mulf %get3A_1178, %mul3A_1179 : vector<16xf32>
          %swap3A_1181 = arith.index_cast %add3A_1174 : i32 to index
          %swap3A_1182 = arith.constant 112 : index
          %swap3A_1183 = tpu.vector_load %arg10[%swap3A_1181, %swap3A_1182] {strides = array<i32>} : memref<80x128xf32, #tpu.memory_space<vmem>>, vector<1x16xf32>,
          %swap3A_1184 = vector.shape_cast %swap3A_1183 : vector<1x16xf32> to vector<16xf32>
          %swap3A_1185 = vector.shape_cast %mul3A_1180 : vector<16xf32> to vector<1x16xf32>
          tpu.vector_store %arg10[%swap3A_1181, %swap3A_1182], %swap3A_1185 {strides = array<i32>} : memref<80x128xf32, #tpu.memory_space<vmem>>, vector<1x16xf32>,
          %slice3A_1186 = vector.extract_strided_slice %get3A_90 {offsets = [9], sizes = [1], strides = [1]} : vector<16xf32> to vector<1xf32>
          %squeeze3A_1187 = vector.extract %slice3A_1186[0] : f32 from vector<1xf32>
          %mul3A_1188 = arith.constant 16 : i32
          %mul3A_1189 = arith.muli %scan3A_84, %mul3A_1188 : i32
          %add3A_1190 = arith.constant 9 : i32
          %add3A_1191 = arith.addi %mul3A_1189, %add3A_1190 : i32
          %get3A_1192 = arith.index_cast %add3A_1191 : i32 to index
          %get3A_1193 = arith.constant 0 : index
          %get3A_1194 = tpu.vector_load %arg10[%get3A_1192, %get3A_1193] {strides = array<i32>} : memref<80x128xf32, #tpu.memory_space<vmem>>, vector<1x16xf32>,
          %get3A_1195 = vector.shape_cast %get3A_1194 : vector<1x16xf32> to vector<16xf32>
          %mul3A_1196 = vector.broadcast %squeeze3A_1187 : f32 to vector<16xf32>
          %mul3A_1197 = arith.mulf %get3A_1195, %mul3A_1196 : vector<16xf32>
          %swap3A_1198 = arith.index_cast %add3A_1191 : i32 to index
          %swap3A_1199 = arith.constant 0 : index
          %swap3A_1200 = tpu.vector_load %arg10[%swap3A_1198, %swap3A_1199] {strides = array<i32>} : memref<80x128xf32, #tpu.memory_space<vmem>>, vector<1x16xf32>,
          %swap3A_1201 = vector.shape_cast %swap3A_1200 : vector<1x16xf32> to vector<16xf32>
          %swap3A_1202 = vector.shape_cast %mul3A_1197 : vector<16xf32> to vector<1x16xf32>
          tpu.vector_store %arg10[%swap3A_1198, %swap3A_1199], %swap3A_1202 {strides = array<i32>} : memref<80x128xf32, #tpu.memory_space<vmem>>, vector<1x16xf32>,
          %mul3A_1203 = arith.constant 16 : i32
          %mul3A_1204 = arith.muli %scan3A_84, %mul3A_1203 : i32
          %add3A_1205 = arith.constant 9 : i32
          %add3A_1206 = arith.addi %mul3A_1204, %add3A_1205 : i32
          %get3A_1207 = arith.index_cast %add3A_1206 : i32 to index
          %get3A_1208 = arith.constant 16 : index
          %get3A_1209 = tpu.vector_load %arg10[%get3A_1207, %get3A_1208] {strides = array<i32>} : memref<80x128xf32, #tpu.memory_space<vmem>>, vector<1x16xf32>,
          %get3A_1210 = vector.shape_cast %get3A_1209 : vector<1x16xf32> to vector<16xf32>
          %mul3A_1211 = vector.broadcast %squeeze3A_1187 : f32 to vector<16xf32>
          %mul3A_1212 = arith.mulf %get3A_1210, %mul3A_1211 : vector<16xf32>
          %swap3A_1213 = arith.index_cast %add3A_1206 : i32 to index
          %swap3A_1214 = arith.constant 16 : index
          %swap3A_1215 = tpu.vector_load %arg10[%swap3A_1213, %swap3A_1214] {strides = array<i32>} : memref<80x128xf32, #tpu.memory_space<vmem>>, vector<1x16xf32>,
          %swap3A_1216 = vector.shape_cast %swap3A_1215 : vector<1x16xf32> to vector<16xf32>
          %swap3A_1217 = vector.shape_cast %mul3A_1212 : vector<16xf32> to vector<1x16xf32>
          tpu.vector_store %arg10[%swap3A_1213, %swap3A_1214], %swap3A_1217 {strides = array<i32>} : memref<80x128xf32, #tpu.memory_space<vmem>>, vector<1x16xf32>,
          %mul3A_1218 = arith.constant 16 : i32
          %mul3A_1219 = arith.muli %scan3A_84, %mul3A_1218 : i32
          %add3A_1220 = arith.constant 9 : i32
          %add3A_1221 = arith.addi %mul3A_1219, %add3A_1220 : i32
          %get3A_1222 = arith.index_cast %add3A_1221 : i32 to index
          %get3A_1223 = arith.constant 32 : index
          %get3A_1224 = tpu.vector_load %arg10[%get3A_1222, %get3A_1223] {strides = array<i32>} : memref<80x128xf32, #tpu.memory_space<vmem>>, vector<1x16xf32>,
          %get3A_1225 = vector.shape_cast %get3A_1224 : vector<1x16xf32> to vector<16xf32>
          %mul3A_1226 = vector.broadcast %squeeze3A_1187 : f32 to vector<16xf32>
          %mul3A_1227 = arith.mulf %get3A_1225, %mul3A_1226 : vector<16xf32>
          %swap3A_1228 = arith.index_cast %add3A_1221 : i32 to index
          %swap3A_1229 = arith.constant 32 : index
          %swap3A_1230 = tpu.vector_load %arg10[%swap3A_1228, %swap3A_1229] {strides = array<i32>} : memref<80x128xf32, #tpu.memory_space<vmem>>, vector<1x16xf32>,
          %swap3A_1231 = vector.shape_cast %swap3A_1230 : vector<1x16xf32> to vector<16xf32>
          %swap3A_1232 = vector.shape_cast %mul3A_1227 : vector<16xf32> to vector<1x16xf32>
          tpu.vector_store %arg10[%swap3A_1228, %swap3A_1229], %swap3A_1232 {strides = array<i32>} : memref<80x128xf32, #tpu.memory_space<vmem>>, vector<1x16xf32>,
          %mul3A_1233 = arith.constant 16 : i32
          %mul3A_1234 = arith.muli %scan3A_84, %mul3A_1233 : i32
          %add3A_1235 = arith.constant 9 : i32
          %add3A_1236 = arith.addi %mul3A_1234, %add3A_1235 : i32
          %get3A_1237 = arith.index_cast %add3A_1236 : i32 to index
          %get3A_1238 = arith.constant 48 : index
          %get3A_1239 = tpu.vector_load %arg10[%get3A_1237, %get3A_1238] {strides = array<i32>} : memref<80x128xf32, #tpu.memory_space<vmem>>, vector<1x16xf32>,
          %get3A_1240 = vector.shape_cast %get3A_1239 : vector<1x16xf32> to vector<16xf32>
          %mul3A_1241 = vector.broadcast %squeeze3A_1187 : f32 to vector<16xf32>
          %mul3A_1242 = arith.mulf %get3A_1240, %mul3A_1241 : vector<16xf32>
          %swap3A_1243 = arith.index_cast %add3A_1236 : i32 to index
          %swap3A_1244 = arith.constant 48 : index
          %swap3A_1245 = tpu.vector_load %arg10[%swap3A_1243, %swap3A_1244] {strides = array<i32>} : memref<80x128xf32, #tpu.memory_space<vmem>>, vector<1x16xf32>,
          %swap3A_1246 = vector.shape_cast %swap3A_1245 : vector<1x16xf32> to vector<16xf32>
          %swap3A_1247 = vector.shape_cast %mul3A_1242 : vector<16xf32> to vector<1x16xf32>
          tpu.vector_store %arg10[%swap3A_1243, %swap3A_1244], %swap3A_1247 {strides = array<i32>} : memref<80x128xf32, #tpu.memory_space<vmem>>, vector<1x16xf32>,
          %mul3A_1248 = arith.constant 16 : i32
          %mul3A_1249 = arith.muli %scan3A_84, %mul3A_1248 : i32
          %add3A_1250 = arith.constant 9 : i32
          %add3A_1251 = arith.addi %mul3A_1249, %add3A_1250 : i32
          %get3A_1252 = arith.index_cast %add3A_1251 : i32 to index
          %get3A_1253 = arith.constant 64 : index
          %get3A_1254 = tpu.vector_load %arg10[%get3A_1252, %get3A_1253] {strides = array<i32>} : memref<80x128xf32, #tpu.memory_space<vmem>>, vector<1x16xf32>,
          %get3A_1255 = vector.shape_cast %get3A_1254 : vector<1x16xf32> to vector<16xf32>
          %mul3A_1256 = vector.broadcast %squeeze3A_1187 : f32 to vector<16xf32>
          %mul3A_1257 = arith.mulf %get3A_1255, %mul3A_1256 : vector<16xf32>
          %swap3A_1258 = arith.index_cast %add3A_1251 : i32 to index
          %swap3A_1259 = arith.constant 64 : index
          %swap3A_1260 = tpu.vector_load %arg10[%swap3A_1258, %swap3A_1259] {strides = array<i32>} : memref<80x128xf32, #tpu.memory_space<vmem>>, vector<1x16xf32>,
          %swap3A_1261 = vector.shape_cast %swap3A_1260 : vector<1x16xf32> to vector<16xf32>
          %swap3A_1262 = vector.shape_cast %mul3A_1257 : vector<16xf32> to vector<1x16xf32>
          tpu.vector_store %arg10[%swap3A_1258, %swap3A_1259], %swap3A_1262 {strides = array<i32>} : memref<80x128xf32, #tpu.memory_space<vmem>>, vector<1x16xf32>,
          %mul3A_1263 = arith.constant 16 : i32
          %mul3A_1264 = arith.muli %scan3A_84, %mul3A_1263 : i32
          %add3A_1265 = arith.constant 9 : i32
          %add3A_1266 = arith.addi %mul3A_1264, %add3A_1265 : i32
          %get3A_1267 = arith.index_cast %add3A_1266 : i32 to index
          %get3A_1268 = arith.constant 80 : index
          %get3A_1269 = tpu.vector_load %arg10[%get3A_1267, %get3A_1268] {strides = array<i32>} : memref<80x128xf32, #tpu.memory_space<vmem>>, vector<1x16xf32>,
          %get3A_1270 = vector.shape_cast %get3A_1269 : vector<1x16xf32> to vector<16xf32>
          %mul3A_1271 = vector.broadcast %squeeze3A_1187 : f32 to vector<16xf32>
          %mul3A_1272 = arith.mulf %get3A_1270, %mul3A_1271 : vector<16xf32>
          %swap3A_1273 = arith.index_cast %add3A_1266 : i32 to index
          %swap3A_1274 = arith.constant 80 : index
          %swap3A_1275 = tpu.vector_load %arg10[%swap3A_1273, %swap3A_1274] {strides = array<i32>} : memref<80x128xf32, #tpu.memory_space<vmem>>, vector<1x16xf32>,
          %swap3A_1276 = vector.shape_cast %swap3A_1275 : vector<1x16xf32> to vector<16xf32>
          %swap3A_1277 = vector.shape_cast %mul3A_1272 : vector<16xf32> to vector<1x16xf32>
          tpu.vector_store %arg10[%swap3A_1273, %swap3A_1274], %swap3A_1277 {strides = array<i32>} : memref<80x128xf32, #tpu.memory_space<vmem>>, vector<1x16xf32>,
          %mul3A_1278 = arith.constant 16 : i32
          %mul3A_1279 = arith.muli %scan3A_84, %mul3A_1278 : i32
          %add3A_1280 = arith.constant 9 : i32
          %add3A_1281 = arith.addi %mul3A_1279, %add3A_1280 : i32
          %get3A_1282 = arith.index_cast %add3A_1281 : i32 to index
          %get3A_1283 = arith.constant 96 : index
          %get3A_1284 = tpu.vector_load %arg10[%get3A_1282, %get3A_1283] {strides = array<i32>} : memref<80x128xf32, #tpu.memory_space<vmem>>, vector<1x16xf32>,
          %get3A_1285 = vector.shape_cast %get3A_1284 : vector<1x16xf32> to vector<16xf32>
          %mul3A_1286 = vector.broadcast %squeeze3A_1187 : f32 to vector<16xf32>
          %mul3A_1287 = arith.mulf %get3A_1285, %mul3A_1286 : vector<16xf32>
          %swap3A_1288 = arith.index_cast %add3A_1281 : i32 to index
          %swap3A_1289 = arith.constant 96 : index
          %swap3A_1290 = tpu.vector_load %arg10[%swap3A_1288, %swap3A_1289] {strides = array<i32>} : memref<80x128xf32, #tpu.memory_space<vmem>>, vector<1x16xf32>,
          %swap3A_1291 = vector.shape_cast %swap3A_1290 : vector<1x16xf32> to vector<16xf32>
          %swap3A_1292 = vector.shape_cast %mul3A_1287 : vector<16xf32> to vector<1x16xf32>
          tpu.vector_store %arg10[%swap3A_1288, %swap3A_1289], %swap3A_1292 {strides = array<i32>} : memref<80x128xf32, #tpu.memory_space<vmem>>, vector<1x16xf32>,
          %mul3A_1293 = arith.constant 16 : i32
          %mul3A_1294 = arith.muli %scan3A_84, %mul3A_1293 : i32
          %add3A_1295 = arith.constant 9 : i32
          %add3A_1296 = arith.addi %mul3A_1294, %add3A_1295 : i32
          %get3A_1297 = arith.index_cast %add3A_1296 : i32 to index
          %get3A_1298 = arith.constant 112 : index
          %get3A_1299 = tpu.vector_load %arg10[%get3A_1297, %get3A_1298] {strides = array<i32>} : memref<80x128xf32, #tpu.memory_space<vmem>>, vector<1x16xf32>,
          %get3A_1300 = vector.shape_cast %get3A_1299 : vector<1x16xf32> to vector<16xf32>
          %mul3A_1301 = vector.broadcast %squeeze3A_1187 : f32 to vector<16xf32>
          %mul3A_1302 = arith.mulf %get3A_1300, %mul3A_1301 : vector<16xf32>
          %swap3A_1303 = arith.index_cast %add3A_1296 : i32 to index
          %swap3A_1304 = arith.constant 112 : index
          %swap3A_1305 = tpu.vector_load %arg10[%swap3A_1303, %swap3A_1304] {strides = array<i32>} : memref<80x128xf32, #tpu.memory_space<vmem>>, vector<1x16xf32>,
          %swap3A_1306 = vector.shape_cast %swap3A_1305 : vector<1x16xf32> to vector<16xf32>
          %swap3A_1307 = vector.shape_cast %mul3A_1302 : vector<16xf32> to vector<1x16xf32>
          tpu.vector_store %arg10[%swap3A_1303, %swap3A_1304], %swap3A_1307 {strides = array<i32>} : memref<80x128xf32, #tpu.memory_space<vmem>>, vector<1x16xf32>,
          %slice3A_1308 = vector.extract_strided_slice %get3A_90 {offsets = [10], sizes = [1], strides = [1]} : vector<16xf32> to vector<1xf32>
          %squeeze3A_1309 = vector.extract %slice3A_1308[0] : f32 from vector<1xf32>
          %mul3A_1310 = arith.constant 16 : i32
          %mul3A_1311 = arith.muli %scan3A_84, %mul3A_1310 : i32
          %add3A_1312 = arith.constant 10 : i32
          %add3A_1313 = arith.addi %mul3A_1311, %add3A_1312 : i32
          %get3A_1314 = arith.index_cast %add3A_1313 : i32 to index
          %get3A_1315 = arith.constant 0 : index
          %get3A_1316 = tpu.vector_load %arg10[%get3A_1314, %get3A_1315] {strides = array<i32>} : memref<80x128xf32, #tpu.memory_space<vmem>>, vector<1x16xf32>,
          %get3A_1317 = vector.shape_cast %get3A_1316 : vector<1x16xf32> to vector<16xf32>
          %mul3A_1318 = vector.broadcast %squeeze3A_1309 : f32 to vector<16xf32>
          %mul3A_1319 = arith.mulf %get3A_1317, %mul3A_1318 : vector<16xf32>
          %swap3A_1320 = arith.index_cast %add3A_1313 : i32 to index
          %swap3A_1321 = arith.constant 0 : index
          %swap3A_1322 = tpu.vector_load %arg10[%swap3A_1320, %swap3A_1321] {strides = array<i32>} : memref<80x128xf32, #tpu.memory_space<vmem>>, vector<1x16xf32>,
          %swap3A_1323 = vector.shape_cast %swap3A_1322 : vector<1x16xf32> to vector<16xf32>
          %swap3A_1324 = vector.shape_cast %mul3A_1319 : vector<16xf32> to vector<1x16xf32>
          tpu.vector_store %arg10[%swap3A_1320, %swap3A_1321], %swap3A_1324 {strides = array<i32>} : memref<80x128xf32, #tpu.memory_space<vmem>>, vector<1x16xf32>,
          %mul3A_1325 = arith.constant 16 : i32
          %mul3A_1326 = arith.muli %scan3A_84, %mul3A_1325 : i32
          %add3A_1327 = arith.constant 10 : i32
          %add3A_1328 = arith.addi %mul3A_1326, %add3A_1327 : i32
          %get3A_1329 = arith.index_cast %add3A_1328 : i32 to index
          %get3A_1330 = arith.constant 16 : index
          %get3A_1331 = tpu.vector_load %arg10[%get3A_1329, %get3A_1330] {strides = array<i32>} : memref<80x128xf32, #tpu.memory_space<vmem>>, vector<1x16xf32>,
          %get3A_1332 = vector.shape_cast %get3A_1331 : vector<1x16xf32> to vector<16xf32>
          %mul3A_1333 = vector.broadcast %squeeze3A_1309 : f32 to vector<16xf32>
          %mul3A_1334 = arith.mulf %get3A_1332, %mul3A_1333 : vector<16xf32>
          %swap3A_1335 = arith.index_cast %add3A_1328 : i32 to index
          %swap3A_1336 = arith.constant 16 : index
          %swap3A_1337 = tpu.vector_load %arg10[%swap3A_1335, %swap3A_1336] {strides = array<i32>} : memref<80x128xf32, #tpu.memory_space<vmem>>, vector<1x16xf32>,
          %swap3A_1338 = vector.shape_cast %swap3A_1337 : vector<1x16xf32> to vector<16xf32>
          %swap3A_1339 = vector.shape_cast %mul3A_1334 : vector<16xf32> to vector<1x16xf32>
          tpu.vector_store %arg10[%swap3A_1335, %swap3A_1336], %swap3A_1339 {strides = array<i32>} : memref<80x128xf32, #tpu.memory_space<vmem>>, vector<1x16xf32>,
          %mul3A_1340 = arith.constant 16 : i32
          %mul3A_1341 = arith.muli %scan3A_84, %mul3A_1340 : i32
          %add3A_1342 = arith.constant 10 : i32
          %add3A_1343 = arith.addi %mul3A_1341, %add3A_1342 : i32
          %get3A_1344 = arith.index_cast %add3A_1343 : i32 to index
          %get3A_1345 = arith.constant 32 : index
          %get3A_1346 = tpu.vector_load %arg10[%get3A_1344, %get3A_1345] {strides = array<i32>} : memref<80x128xf32, #tpu.memory_space<vmem>>, vector<1x16xf32>,
          %get3A_1347 = vector.shape_cast %get3A_1346 : vector<1x16xf32> to vector<16xf32>
          %mul3A_1348 = vector.broadcast %squeeze3A_1309 : f32 to vector<16xf32>
          %mul3A_1349 = arith.mulf %get3A_1347, %mul3A_1348 : vector<16xf32>
          %swap3A_1350 = arith.index_cast %add3A_1343 : i32 to index
          %swap3A_1351 = arith.constant 32 : index
          %swap3A_1352 = tpu.vector_load %arg10[%swap3A_1350, %swap3A_1351] {strides = array<i32>} : memref<80x128xf32, #tpu.memory_space<vmem>>, vector<1x16xf32>,
          %swap3A_1353 = vector.shape_cast %swap3A_1352 : vector<1x16xf32> to vector<16xf32>
          %swap3A_1354 = vector.shape_cast %mul3A_1349 : vector<16xf32> to vector<1x16xf32>
          tpu.vector_store %arg10[%swap3A_1350, %swap3A_1351], %swap3A_1354 {strides = array<i32>} : memref<80x128xf32, #tpu.memory_space<vmem>>, vector<1x16xf32>,
          %mul3A_1355 = arith.constant 16 : i32
          %mul3A_1356 = arith.muli %scan3A_84, %mul3A_1355 : i32
          %add3A_1357 = arith.constant 10 : i32
          %add3A_1358 = arith.addi %mul3A_1356, %add3A_1357 : i32
          %get3A_1359 = arith.index_cast %add3A_1358 : i32 to index
          %get3A_1360 = arith.constant 48 : index
          %get3A_1361 = tpu.vector_load %arg10[%get3A_1359, %get3A_1360] {strides = array<i32>} : memref<80x128xf32, #tpu.memory_space<vmem>>, vector<1x16xf32>,
          %get3A_1362 = vector.shape_cast %get3A_1361 : vector<1x16xf32> to vector<16xf32>
          %mul3A_1363 = vector.broadcast %squeeze3A_1309 : f32 to vector<16xf32>
          %mul3A_1364 = arith.mulf %get3A_1362, %mul3A_1363 : vector<16xf32>
          %swap3A_1365 = arith.index_cast %add3A_1358 : i32 to index
          %swap3A_1366 = arith.constant 48 : index
          %swap3A_1367 = tpu.vector_load %arg10[%swap3A_1365, %swap3A_1366] {strides = array<i32>} : memref<80x128xf32, #tpu.memory_space<vmem>>, vector<1x16xf32>,
          %swap3A_1368 = vector.shape_cast %swap3A_1367 : vector<1x16xf32> to vector<16xf32>
          %swap3A_1369 = vector.shape_cast %mul3A_1364 : vector<16xf32> to vector<1x16xf32>
          tpu.vector_store %arg10[%swap3A_1365, %swap3A_1366], %swap3A_1369 {strides = array<i32>} : memref<80x128xf32, #tpu.memory_space<vmem>>, vector<1x16xf32>,
          %mul3A_1370 = arith.constant 16 : i32
          %mul3A_1371 = arith.muli %scan3A_84, %mul3A_1370 : i32
          %add3A_1372 = arith.constant 10 : i32
          %add3A_1373 = arith.addi %mul3A_1371, %add3A_1372 : i32
          %get3A_1374 = arith.index_cast %add3A_1373 : i32 to index
          %get3A_1375 = arith.constant 64 : index
          %get3A_1376 = tpu.vector_load %arg10[%get3A_1374, %get3A_1375] {strides = array<i32>} : memref<80x128xf32, #tpu.memory_space<vmem>>, vector<1x16xf32>,
          %get3A_1377 = vector.shape_cast %get3A_1376 : vector<1x16xf32> to vector<16xf32>
          %mul3A_1378 = vector.broadcast %squeeze3A_1309 : f32 to vector<16xf32>
          %mul3A_1379 = arith.mulf %get3A_1377, %mul3A_1378 : vector<16xf32>
          %swap3A_1380 = arith.index_cast %add3A_1373 : i32 to index
          %swap3A_1381 = arith.constant 64 : index
          %swap3A_1382 = tpu.vector_load %arg10[%swap3A_1380, %swap3A_1381] {strides = array<i32>} : memref<80x128xf32, #tpu.memory_space<vmem>>, vector<1x16xf32>,
          %swap3A_1383 = vector.shape_cast %swap3A_1382 : vector<1x16xf32> to vector<16xf32>
          %swap3A_1384 = vector.shape_cast %mul3A_1379 : vector<16xf32> to vector<1x16xf32>
          tpu.vector_store %arg10[%swap3A_1380, %swap3A_1381], %swap3A_1384 {strides = array<i32>} : memref<80x128xf32, #tpu.memory_space<vmem>>, vector<1x16xf32>,
          %mul3A_1385 = arith.constant 16 : i32
          %mul3A_1386 = arith.muli %scan3A_84, %mul3A_1385 : i32
          %add3A_1387 = arith.constant 10 : i32
          %add3A_1388 = arith.addi %mul3A_1386, %add3A_1387 : i32
          %get3A_1389 = arith.index_cast %add3A_1388 : i32 to index
          %get3A_1390 = arith.constant 80 : index
          %get3A_1391 = tpu.vector_load %arg10[%get3A_1389, %get3A_1390] {strides = array<i32>} : memref<80x128xf32, #tpu.memory_space<vmem>>, vector<1x16xf32>,
          %get3A_1392 = vector.shape_cast %get3A_1391 : vector<1x16xf32> to vector<16xf32>
          %mul3A_1393 = vector.broadcast %squeeze3A_1309 : f32 to vector<16xf32>
          %mul3A_1394 = arith.mulf %get3A_1392, %mul3A_1393 : vector<16xf32>
          %swap3A_1395 = arith.index_cast %add3A_1388 : i32 to index
          %swap3A_1396 = arith.constant 80 : index
          %swap3A_1397 = tpu.vector_load %arg10[%swap3A_1395, %swap3A_1396] {strides = array<i32>} : memref<80x128xf32, #tpu.memory_space<vmem>>, vector<1x16xf32>,
          %swap3A_1398 = vector.shape_cast %swap3A_1397 : vector<1x16xf32> to vector<16xf32>
          %swap3A_1399 = vector.shape_cast %mul3A_1394 : vector<16xf32> to vector<1x16xf32>
          tpu.vector_store %arg10[%swap3A_1395, %swap3A_1396], %swap3A_1399 {strides = array<i32>} : memref<80x128xf32, #tpu.memory_space<vmem>>, vector<1x16xf32>,
          %mul3A_1400 = arith.constant 16 : i32
          %mul3A_1401 = arith.muli %scan3A_84, %mul3A_1400 : i32
          %add3A_1402 = arith.constant 10 : i32
          %add3A_1403 = arith.addi %mul3A_1401, %add3A_1402 : i32
          %get3A_1404 = arith.index_cast %add3A_1403 : i32 to index
          %get3A_1405 = arith.constant 96 : index
          %get3A_1406 = tpu.vector_load %arg10[%get3A_1404, %get3A_1405] {strides = array<i32>} : memref<80x128xf32, #tpu.memory_space<vmem>>, vector<1x16xf32>,
          %get3A_1407 = vector.shape_cast %get3A_1406 : vector<1x16xf32> to vector<16xf32>
          %mul3A_1408 = vector.broadcast %squeeze3A_1309 : f32 to vector<16xf32>
          %mul3A_1409 = arith.mulf %get3A_1407, %mul3A_1408 : vector<16xf32>
          %swap3A_1410 = arith.index_cast %add3A_1403 : i32 to index
          %swap3A_1411 = arith.constant 96 : index
          %swap3A_1412 = tpu.vector_load %arg10[%swap3A_1410, %swap3A_1411] {strides = array<i32>} : memref<80x128xf32, #tpu.memory_space<vmem>>, vector<1x16xf32>,
          %swap3A_1413 = vector.shape_cast %swap3A_1412 : vector<1x16xf32> to vector<16xf32>
          %swap3A_1414 = vector.shape_cast %mul3A_1409 : vector<16xf32> to vector<1x16xf32>
          tpu.vector_store %arg10[%swap3A_1410, %swap3A_1411], %swap3A_1414 {strides = array<i32>} : memref<80x128xf32, #tpu.memory_space<vmem>>, vector<1x16xf32>,
          %mul3A_1415 = arith.constant 16 : i32
          %mul3A_1416 = arith.muli %scan3A_84, %mul3A_1415 : i32
          %add3A_1417 = arith.constant 10 : i32
          %add3A_1418 = arith.addi %mul3A_1416, %add3A_1417 : i32
          %get3A_1419 = arith.index_cast %add3A_1418 : i32 to index
          %get3A_1420 = arith.constant 112 : index
          %get3A_1421 = tpu.vector_load %arg10[%get3A_1419, %get3A_1420] {strides = array<i32>} : memref<80x128xf32, #tpu.memory_space<vmem>>, vector<1x16xf32>,
          %get3A_1422 = vector.shape_cast %get3A_1421 : vector<1x16xf32> to vector<16xf32>
          %mul3A_1423 = vector.broadcast %squeeze3A_1309 : f32 to vector<16xf32>
          %mul3A_1424 = arith.mulf %get3A_1422, %mul3A_1423 : vector<16xf32>
          %swap3A_1425 = arith.index_cast %add3A_1418 : i32 to index
          %swap3A_1426 = arith.constant 112 : index
          %swap3A_1427 = tpu.vector_load %arg10[%swap3A_1425, %swap3A_1426] {strides = array<i32>} : memref<80x128xf32, #tpu.memory_space<vmem>>, vector<1x16xf32>,
          %swap3A_1428 = vector.shape_cast %swap3A_1427 : vector<1x16xf32> to vector<16xf32>
          %swap3A_1429 = vector.shape_cast %mul3A_1424 : vector<16xf32> to vector<1x16xf32>
          tpu.vector_store %arg10[%swap3A_1425, %swap3A_1426], %swap3A_1429 {strides = array<i32>} : memref<80x128xf32, #tpu.memory_space<vmem>>, vector<1x16xf32>,
          %slice3A_1430 = vector.extract_strided_slice %get3A_90 {offsets = [11], sizes = [1], strides = [1]} : vector<16xf32> to vector<1xf32>
          %squeeze3A_1431 = vector.extract %slice3A_1430[0] : f32 from vector<1xf32>
          %mul3A_1432 = arith.constant 16 : i32
          %mul3A_1433 = arith.muli %scan3A_84, %mul3A_1432 : i32
          %add3A_1434 = arith.constant 11 : i32
          %add3A_1435 = arith.addi %mul3A_1433, %add3A_1434 : i32
          %get3A_1436 = arith.index_cast %add3A_1435 : i32 to index
          %get3A_1437 = arith.constant 0 : index
          %get3A_1438 = tpu.vector_load %arg10[%get3A_1436, %get3A_1437] {strides = array<i32>} : memref<80x128xf32, #tpu.memory_space<vmem>>, vector<1x16xf32>,
          %get3A_1439 = vector.shape_cast %get3A_1438 : vector<1x16xf32> to vector<16xf32>
          %mul3A_1440 = vector.broadcast %squeeze3A_1431 : f32 to vector<16xf32>
          %mul3A_1441 = arith.mulf %get3A_1439, %mul3A_1440 : vector<16xf32>
          %swap3A_1442 = arith.index_cast %add3A_1435 : i32 to index
          %swap3A_1443 = arith.constant 0 : index
          %swap3A_1444 = tpu.vector_load %arg10[%swap3A_1442, %swap3A_1443] {strides = array<i32>} : memref<80x128xf32, #tpu.memory_space<vmem>>, vector<1x16xf32>,
          %swap3A_1445 = vector.shape_cast %swap3A_1444 : vector<1x16xf32> to vector<16xf32>
          %swap3A_1446 = vector.shape_cast %mul3A_1441 : vector<16xf32> to vector<1x16xf32>
          tpu.vector_store %arg10[%swap3A_1442, %swap3A_1443], %swap3A_1446 {strides = array<i32>} : memref<80x128xf32, #tpu.memory_space<vmem>>, vector<1x16xf32>,
          %mul3A_1447 = arith.constant 16 : i32
          %mul3A_1448 = arith.muli %scan3A_84, %mul3A_1447 : i32
          %add3A_1449 = arith.constant 11 : i32
          %add3A_1450 = arith.addi %mul3A_1448, %add3A_1449 : i32
          %get3A_1451 = arith.index_cast %add3A_1450 : i32 to index
          %get3A_1452 = arith.constant 16 : index
          %get3A_1453 = tpu.vector_load %arg10[%get3A_1451, %get3A_1452] {strides = array<i32>} : memref<80x128xf32, #tpu.memory_space<vmem>>, vector<1x16xf32>,
          %get3A_1454 = vector.shape_cast %get3A_1453 : vector<1x16xf32> to vector<16xf32>
          %mul3A_1455 = vector.broadcast %squeeze3A_1431 : f32 to vector<16xf32>
          %mul3A_1456 = arith.mulf %get3A_1454, %mul3A_1455 : vector<16xf32>
          %swap3A_1457 = arith.index_cast %add3A_1450 : i32 to index
          %swap3A_1458 = arith.constant 16 : index
          %swap3A_1459 = tpu.vector_load %arg10[%swap3A_1457, %swap3A_1458] {strides = array<i32>} : memref<80x128xf32, #tpu.memory_space<vmem>>, vector<1x16xf32>,
          %swap3A_1460 = vector.shape_cast %swap3A_1459 : vector<1x16xf32> to vector<16xf32>
          %swap3A_1461 = vector.shape_cast %mul3A_1456 : vector<16xf32> to vector<1x16xf32>
          tpu.vector_store %arg10[%swap3A_1457, %swap3A_1458], %swap3A_1461 {strides = array<i32>} : memref<80x128xf32, #tpu.memory_space<vmem>>, vector<1x16xf32>,
          %mul3A_1462 = arith.constant 16 : i32
          %mul3A_1463 = arith.muli %scan3A_84, %mul3A_1462 : i32
          %add3A_1464 = arith.constant 11 : i32
          %add3A_1465 = arith.addi %mul3A_1463, %add3A_1464 : i32
          %get3A_1466 = arith.index_cast %add3A_1465 : i32 to index
          %get3A_1467 = arith.constant 32 : index
          %get3A_1468 = tpu.vector_load %arg10[%get3A_1466, %get3A_1467] {strides = array<i32>} : memref<80x128xf32, #tpu.memory_space<vmem>>, vector<1x16xf32>,
          %get3A_1469 = vector.shape_cast %get3A_1468 : vector<1x16xf32> to vector<16xf32>
          %mul3A_1470 = vector.broadcast %squeeze3A_1431 : f32 to vector<16xf32>
          %mul3A_1471 = arith.mulf %get3A_1469, %mul3A_1470 : vector<16xf32>
          %swap3A_1472 = arith.index_cast %add3A_1465 : i32 to index
          %swap3A_1473 = arith.constant 32 : index
          %swap3A_1474 = tpu.vector_load %arg10[%swap3A_1472, %swap3A_1473] {strides = array<i32>} : memref<80x128xf32, #tpu.memory_space<vmem>>, vector<1x16xf32>,
          %swap3A_1475 = vector.shape_cast %swap3A_1474 : vector<1x16xf32> to vector<16xf32>
          %swap3A_1476 = vector.shape_cast %mul3A_1471 : vector<16xf32> to vector<1x16xf32>
          tpu.vector_store %arg10[%swap3A_1472, %swap3A_1473], %swap3A_1476 {strides = array<i32>} : memref<80x128xf32, #tpu.memory_space<vmem>>, vector<1x16xf32>,
          %mul3A_1477 = arith.constant 16 : i32
          %mul3A_1478 = arith.muli %scan3A_84, %mul3A_1477 : i32
          %add3A_1479 = arith.constant 11 : i32
          %add3A_1480 = arith.addi %mul3A_1478, %add3A_1479 : i32
          %get3A_1481 = arith.index_cast %add3A_1480 : i32 to index
          %get3A_1482 = arith.constant 48 : index
          %get3A_1483 = tpu.vector_load %arg10[%get3A_1481, %get3A_1482] {strides = array<i32>} : memref<80x128xf32, #tpu.memory_space<vmem>>, vector<1x16xf32>,
          %get3A_1484 = vector.shape_cast %get3A_1483 : vector<1x16xf32> to vector<16xf32>
          %mul3A_1485 = vector.broadcast %squeeze3A_1431 : f32 to vector<16xf32>
          %mul3A_1486 = arith.mulf %get3A_1484, %mul3A_1485 : vector<16xf32>
          %swap3A_1487 = arith.index_cast %add3A_1480 : i32 to index
          %swap3A_1488 = arith.constant 48 : index
          %swap3A_1489 = tpu.vector_load %arg10[%swap3A_1487, %swap3A_1488] {strides = array<i32>} : memref<80x128xf32, #tpu.memory_space<vmem>>, vector<1x16xf32>,
          %swap3A_1490 = vector.shape_cast %swap3A_1489 : vector<1x16xf32> to vector<16xf32>
          %swap3A_1491 = vector.shape_cast %mul3A_1486 : vector<16xf32> to vector<1x16xf32>
          tpu.vector_store %arg10[%swap3A_1487, %swap3A_1488], %swap3A_1491 {strides = array<i32>} : memref<80x128xf32, #tpu.memory_space<vmem>>, vector<1x16xf32>,
          %mul3A_1492 = arith.constant 16 : i32
          %mul3A_1493 = arith.muli %scan3A_84, %mul3A_1492 : i32
          %add3A_1494 = arith.constant 11 : i32
          %add3A_1495 = arith.addi %mul3A_1493, %add3A_1494 : i32
          %get3A_1496 = arith.index_cast %add3A_1495 : i32 to index
          %get3A_1497 = arith.constant 64 : index
          %get3A_1498 = tpu.vector_load %arg10[%get3A_1496, %get3A_1497] {strides = array<i32>} : memref<80x128xf32, #tpu.memory_space<vmem>>, vector<1x16xf32>,
          %get3A_1499 = vector.shape_cast %get3A_1498 : vector<1x16xf32> to vector<16xf32>
          %mul3A_1500 = vector.broadcast %squeeze3A_1431 : f32 to vector<16xf32>
          %mul3A_1501 = arith.mulf %get3A_1499, %mul3A_1500 : vector<16xf32>
          %swap3A_1502 = arith.index_cast %add3A_1495 : i32 to index
          %swap3A_1503 = arith.constant 64 : index
          %swap3A_1504 = tpu.vector_load %arg10[%swap3A_1502, %swap3A_1503] {strides = array<i32>} : memref<80x128xf32, #tpu.memory_space<vmem>>, vector<1x16xf32>,
          %swap3A_1505 = vector.shape_cast %swap3A_1504 : vector<1x16xf32> to vector<16xf32>
          %swap3A_1506 = vector.shape_cast %mul3A_1501 : vector<16xf32> to vector<1x16xf32>
          tpu.vector_store %arg10[%swap3A_1502, %swap3A_1503], %swap3A_1506 {strides = array<i32>} : memref<80x128xf32, #tpu.memory_space<vmem>>, vector<1x16xf32>,
          %mul3A_1507 = arith.constant 16 : i32
          %mul3A_1508 = arith.muli %scan3A_84, %mul3A_1507 : i32
          %add3A_1509 = arith.constant 11 : i32
          %add3A_1510 = arith.addi %mul3A_1508, %add3A_1509 : i32
          %get3A_1511 = arith.index_cast %add3A_1510 : i32 to index
          %get3A_1512 = arith.constant 80 : index
          %get3A_1513 = tpu.vector_load %arg10[%get3A_1511, %get3A_1512] {strides = array<i32>} : memref<80x128xf32, #tpu.memory_space<vmem>>, vector<1x16xf32>,
          %get3A_1514 = vector.shape_cast %get3A_1513 : vector<1x16xf32> to vector<16xf32>
          %mul3A_1515 = vector.broadcast %squeeze3A_1431 : f32 to vector<16xf32>
          %mul3A_1516 = arith.mulf %get3A_1514, %mul3A_1515 : vector<16xf32>
          %swap3A_1517 = arith.index_cast %add3A_1510 : i32 to index
          %swap3A_1518 = arith.constant 80 : index
          %swap3A_1519 = tpu.vector_load %arg10[%swap3A_1517, %swap3A_1518] {strides = array<i32>} : memref<80x128xf32, #tpu.memory_space<vmem>>, vector<1x16xf32>,
          %swap3A_1520 = vector.shape_cast %swap3A_1519 : vector<1x16xf32> to vector<16xf32>
          %swap3A_1521 = vector.shape_cast %mul3A_1516 : vector<16xf32> to vector<1x16xf32>
          tpu.vector_store %arg10[%swap3A_1517, %swap3A_1518], %swap3A_1521 {strides = array<i32>} : memref<80x128xf32, #tpu.memory_space<vmem>>, vector<1x16xf32>,
          %mul3A_1522 = arith.constant 16 : i32
          %mul3A_1523 = arith.muli %scan3A_84, %mul3A_1522 : i32
          %add3A_1524 = arith.constant 11 : i32
          %add3A_1525 = arith.addi %mul3A_1523, %add3A_1524 : i32
          %get3A_1526 = arith.index_cast %add3A_1525 : i32 to index
          %get3A_1527 = arith.constant 96 : index
          %get3A_1528 = tpu.vector_load %arg10[%get3A_1526, %get3A_1527] {strides = array<i32>} : memref<80x128xf32, #tpu.memory_space<vmem>>, vector<1x16xf32>,
          %get3A_1529 = vector.shape_cast %get3A_1528 : vector<1x16xf32> to vector<16xf32>
          %mul3A_1530 = vector.broadcast %squeeze3A_1431 : f32 to vector<16xf32>
          %mul3A_1531 = arith.mulf %get3A_1529, %mul3A_1530 : vector<16xf32>
          %swap3A_1532 = arith.index_cast %add3A_1525 : i32 to index
          %swap3A_1533 = arith.constant 96 : index
          %swap3A_1534 = tpu.vector_load %arg10[%swap3A_1532, %swap3A_1533] {strides = array<i32>} : memref<80x128xf32, #tpu.memory_space<vmem>>, vector<1x16xf32>,
          %swap3A_1535 = vector.shape_cast %swap3A_1534 : vector<1x16xf32> to vector<16xf32>
          %swap3A_1536 = vector.shape_cast %mul3A_1531 : vector<16xf32> to vector<1x16xf32>
          tpu.vector_store %arg10[%swap3A_1532, %swap3A_1533], %swap3A_1536 {strides = array<i32>} : memref<80x128xf32, #tpu.memory_space<vmem>>, vector<1x16xf32>,
          %mul3A_1537 = arith.constant 16 : i32
          %mul3A_1538 = arith.muli %scan3A_84, %mul3A_1537 : i32
          %add3A_1539 = arith.constant 11 : i32
          %add3A_1540 = arith.addi %mul3A_1538, %add3A_1539 : i32
          %get3A_1541 = arith.index_cast %add3A_1540 : i32 to index
          %get3A_1542 = arith.constant 112 : index
          %get3A_1543 = tpu.vector_load %arg10[%get3A_1541, %get3A_1542] {strides = array<i32>} : memref<80x128xf32, #tpu.memory_space<vmem>>, vector<1x16xf32>,
          %get3A_1544 = vector.shape_cast %get3A_1543 : vector<1x16xf32> to vector<16xf32>
          %mul3A_1545 = vector.broadcast %squeeze3A_1431 : f32 to vector<16xf32>
          %mul3A_1546 = arith.mulf %get3A_1544, %mul3A_1545 : vector<16xf32>
          %swap3A_1547 = arith.index_cast %add3A_1540 : i32 to index
          %swap3A_1548 = arith.constant 112 : index
          %swap3A_1549 = tpu.vector_load %arg10[%swap3A_1547, %swap3A_1548] {strides = array<i32>} : memref<80x128xf32, #tpu.memory_space<vmem>>, vector<1x16xf32>,
          %swap3A_1550 = vector.shape_cast %swap3A_1549 : vector<1x16xf32> to vector<16xf32>
          %swap3A_1551 = vector.shape_cast %mul3A_1546 : vector<16xf32> to vector<1x16xf32>
          tpu.vector_store %arg10[%swap3A_1547, %swap3A_1548], %swap3A_1551 {strides = array<i32>} : memref<80x128xf32, #tpu.memory_space<vmem>>, vector<1x16xf32>,
          %slice3A_1552 = vector.extract_strided_slice %get3A_90 {offsets = [12], sizes = [1], strides = [1]} : vector<16xf32> to vector<1xf32>
          %squeeze3A_1553 = vector.extract %slice3A_1552[0] : f32 from vector<1xf32>
          %mul3A_1554 = arith.constant 16 : i32
          %mul3A_1555 = arith.muli %scan3A_84, %mul3A_1554 : i32
          %add3A_1556 = arith.constant 12 : i32
          %add3A_1557 = arith.addi %mul3A_1555, %add3A_1556 : i32
          %get3A_1558 = arith.index_cast %add3A_1557 : i32 to index
          %get3A_1559 = arith.constant 0 : index
          %get3A_1560 = tpu.vector_load %arg10[%get3A_1558, %get3A_1559] {strides = array<i32>} : memref<80x128xf32, #tpu.memory_space<vmem>>, vector<1x16xf32>,
          %get3A_1561 = vector.shape_cast %get3A_1560 : vector<1x16xf32> to vector<16xf32>
          %mul3A_1562 = vector.broadcast %squeeze3A_1553 : f32 to vector<16xf32>
          %mul3A_1563 = arith.mulf %get3A_1561, %mul3A_1562 : vector<16xf32>
          %swap3A_1564 = arith.index_cast %add3A_1557 : i32 to index
          %swap3A_1565 = arith.constant 0 : index
          %swap3A_1566 = tpu.vector_load %arg10[%swap3A_1564, %swap3A_1565] {strides = array<i32>} : memref<80x128xf32, #tpu.memory_space<vmem>>, vector<1x16xf32>,
          %swap3A_1567 = vector.shape_cast %swap3A_1566 : vector<1x16xf32> to vector<16xf32>
          %swap3A_1568 = vector.shape_cast %mul3A_1563 : vector<16xf32> to vector<1x16xf32>
          tpu.vector_store %arg10[%swap3A_1564, %swap3A_1565], %swap3A_1568 {strides = array<i32>} : memref<80x128xf32, #tpu.memory_space<vmem>>, vector<1x16xf32>,
          %mul3A_1569 = arith.constant 16 : i32
          %mul3A_1570 = arith.muli %scan3A_84, %mul3A_1569 : i32
          %add3A_1571 = arith.constant 12 : i32
          %add3A_1572 = arith.addi %mul3A_1570, %add3A_1571 : i32
          %get3A_1573 = arith.index_cast %add3A_1572 : i32 to index
          %get3A_1574 = arith.constant 16 : index
          %get3A_1575 = tpu.vector_load %arg10[%get3A_1573, %get3A_1574] {strides = array<i32>} : memref<80x128xf32, #tpu.memory_space<vmem>>, vector<1x16xf32>,
          %get3A_1576 = vector.shape_cast %get3A_1575 : vector<1x16xf32> to vector<16xf32>
          %mul3A_1577 = vector.broadcast %squeeze3A_1553 : f32 to vector<16xf32>
          %mul3A_1578 = arith.mulf %get3A_1576, %mul3A_1577 : vector<16xf32>
          %swap3A_1579 = arith.index_cast %add3A_1572 : i32 to index
          %swap3A_1580 = arith.constant 16 : index
          %swap3A_1581 = tpu.vector_load %arg10[%swap3A_1579, %swap3A_1580] {strides = array<i32>} : memref<80x128xf32, #tpu.memory_space<vmem>>, vector<1x16xf32>,
          %swap3A_1582 = vector.shape_cast %swap3A_1581 : vector<1x16xf32> to vector<16xf32>
          %swap3A_1583 = vector.shape_cast %mul3A_1578 : vector<16xf32> to vector<1x16xf32>
          tpu.vector_store %arg10[%swap3A_1579, %swap3A_1580], %swap3A_1583 {strides = array<i32>} : memref<80x128xf32, #tpu.memory_space<vmem>>, vector<1x16xf32>,
          %mul3A_1584 = arith.constant 16 : i32
          %mul3A_1585 = arith.muli %scan3A_84, %mul3A_1584 : i32
          %add3A_1586 = arith.constant 12 : i32
          %add3A_1587 = arith.addi %mul3A_1585, %add3A_1586 : i32
          %get3A_1588 = arith.index_cast %add3A_1587 : i32 to index
          %get3A_1589 = arith.constant 32 : index
          %get3A_1590 = tpu.vector_load %arg10[%get3A_1588, %get3A_1589] {strides = array<i32>} : memref<80x128xf32, #tpu.memory_space<vmem>>, vector<1x16xf32>,
          %get3A_1591 = vector.shape_cast %get3A_1590 : vector<1x16xf32> to vector<16xf32>
          %mul3A_1592 = vector.broadcast %squeeze3A_1553 : f32 to vector<16xf32>
          %mul3A_1593 = arith.mulf %get3A_1591, %mul3A_1592 : vector<16xf32>
          %swap3A_1594 = arith.index_cast %add3A_1587 : i32 to index
          %swap3A_1595 = arith.constant 32 : index
          %swap3A_1596 = tpu.vector_load %arg10[%swap3A_1594, %swap3A_1595] {strides = array<i32>} : memref<80x128xf32, #tpu.memory_space<vmem>>, vector<1x16xf32>,
          %swap3A_1597 = vector.shape_cast %swap3A_1596 : vector<1x16xf32> to vector<16xf32>
          %swap3A_1598 = vector.shape_cast %mul3A_1593 : vector<16xf32> to vector<1x16xf32>
          tpu.vector_store %arg10[%swap3A_1594, %swap3A_1595], %swap3A_1598 {strides = array<i32>} : memref<80x128xf32, #tpu.memory_space<vmem>>, vector<1x16xf32>,
          %mul3A_1599 = arith.constant 16 : i32
          %mul3A_1600 = arith.muli %scan3A_84, %mul3A_1599 : i32
          %add3A_1601 = arith.constant 12 : i32
          %add3A_1602 = arith.addi %mul3A_1600, %add3A_1601 : i32
          %get3A_1603 = arith.index_cast %add3A_1602 : i32 to index
          %get3A_1604 = arith.constant 48 : index
          %get3A_1605 = tpu.vector_load %arg10[%get3A_1603, %get3A_1604] {strides = array<i32>} : memref<80x128xf32, #tpu.memory_space<vmem>>, vector<1x16xf32>,
          %get3A_1606 = vector.shape_cast %get3A_1605 : vector<1x16xf32> to vector<16xf32>
          %mul3A_1607 = vector.broadcast %squeeze3A_1553 : f32 to vector<16xf32>
          %mul3A_1608 = arith.mulf %get3A_1606, %mul3A_1607 : vector<16xf32>
          %swap3A_1609 = arith.index_cast %add3A_1602 : i32 to index
          %swap3A_1610 = arith.constant 48 : index
          %swap3A_1611 = tpu.vector_load %arg10[%swap3A_1609, %swap3A_1610] {strides = array<i32>} : memref<80x128xf32, #tpu.memory_space<vmem>>, vector<1x16xf32>,
          %swap3A_1612 = vector.shape_cast %swap3A_1611 : vector<1x16xf32> to vector<16xf32>
          %swap3A_1613 = vector.shape_cast %mul3A_1608 : vector<16xf32> to vector<1x16xf32>
          tpu.vector_store %arg10[%swap3A_1609, %swap3A_1610], %swap3A_1613 {strides = array<i32>} : memref<80x128xf32, #tpu.memory_space<vmem>>, vector<1x16xf32>,
          %mul3A_1614 = arith.constant 16 : i32
          %mul3A_1615 = arith.muli %scan3A_84, %mul3A_1614 : i32
          %add3A_1616 = arith.constant 12 : i32
          %add3A_1617 = arith.addi %mul3A_1615, %add3A_1616 : i32
          %get3A_1618 = arith.index_cast %add3A_1617 : i32 to index
          %get3A_1619 = arith.constant 64 : index
          %get3A_1620 = tpu.vector_load %arg10[%get3A_1618, %get3A_1619] {strides = array<i32>} : memref<80x128xf32, #tpu.memory_space<vmem>>, vector<1x16xf32>,
          %get3A_1621 = vector.shape_cast %get3A_1620 : vector<1x16xf32> to vector<16xf32>
          %mul3A_1622 = vector.broadcast %squeeze3A_1553 : f32 to vector<16xf32>
          %mul3A_1623 = arith.mulf %get3A_1621, %mul3A_1622 : vector<16xf32>
          %swap3A_1624 = arith.index_cast %add3A_1617 : i32 to index
          %swap3A_1625 = arith.constant 64 : index
          %swap3A_1626 = tpu.vector_load %arg10[%swap3A_1624, %swap3A_1625] {strides = array<i32>} : memref<80x128xf32, #tpu.memory_space<vmem>>, vector<1x16xf32>,
          %swap3A_1627 = vector.shape_cast %swap3A_1626 : vector<1x16xf32> to vector<16xf32>
          %swap3A_1628 = vector.shape_cast %mul3A_1623 : vector<16xf32> to vector<1x16xf32>
          tpu.vector_store %arg10[%swap3A_1624, %swap3A_1625], %swap3A_1628 {strides = array<i32>} : memref<80x128xf32, #tpu.memory_space<vmem>>, vector<1x16xf32>,
          %mul3A_1629 = arith.constant 16 : i32
          %mul3A_1630 = arith.muli %scan3A_84, %mul3A_1629 : i32
          %add3A_1631 = arith.constant 12 : i32
          %add3A_1632 = arith.addi %mul3A_1630, %add3A_1631 : i32
          %get3A_1633 = arith.index_cast %add3A_1632 : i32 to index
          %get3A_1634 = arith.constant 80 : index
          %get3A_1635 = tpu.vector_load %arg10[%get3A_1633, %get3A_1634] {strides = array<i32>} : memref<80x128xf32, #tpu.memory_space<vmem>>, vector<1x16xf32>,
          %get3A_1636 = vector.shape_cast %get3A_1635 : vector<1x16xf32> to vector<16xf32>
          %mul3A_1637 = vector.broadcast %squeeze3A_1553 : f32 to vector<16xf32>
          %mul3A_1638 = arith.mulf %get3A_1636, %mul3A_1637 : vector<16xf32>
          %swap3A_1639 = arith.index_cast %add3A_1632 : i32 to index
          %swap3A_1640 = arith.constant 80 : index
          %swap3A_1641 = tpu.vector_load %arg10[%swap3A_1639, %swap3A_1640] {strides = array<i32>} : memref<80x128xf32, #tpu.memory_space<vmem>>, vector<1x16xf32>,
          %swap3A_1642 = vector.shape_cast %swap3A_1641 : vector<1x16xf32> to vector<16xf32>
          %swap3A_1643 = vector.shape_cast %mul3A_1638 : vector<16xf32> to vector<1x16xf32>
          tpu.vector_store %arg10[%swap3A_1639, %swap3A_1640], %swap3A_1643 {strides = array<i32>} : memref<80x128xf32, #tpu.memory_space<vmem>>, vector<1x16xf32>,
          %mul3A_1644 = arith.constant 16 : i32
          %mul3A_1645 = arith.muli %scan3A_84, %mul3A_1644 : i32
          %add3A_1646 = arith.constant 12 : i32
          %add3A_1647 = arith.addi %mul3A_1645, %add3A_1646 : i32
          %get3A_1648 = arith.index_cast %add3A_1647 : i32 to index
          %get3A_1649 = arith.constant 96 : index
          %get3A_1650 = tpu.vector_load %arg10[%get3A_1648, %get3A_1649] {strides = array<i32>} : memref<80x128xf32, #tpu.memory_space<vmem>>, vector<1x16xf32>,
          %get3A_1651 = vector.shape_cast %get3A_1650 : vector<1x16xf32> to vector<16xf32>
          %mul3A_1652 = vector.broadcast %squeeze3A_1553 : f32 to vector<16xf32>
          %mul3A_1653 = arith.mulf %get3A_1651, %mul3A_1652 : vector<16xf32>
          %swap3A_1654 = arith.index_cast %add3A_1647 : i32 to index
          %swap3A_1655 = arith.constant 96 : index
          %swap3A_1656 = tpu.vector_load %arg10[%swap3A_1654, %swap3A_1655] {strides = array<i32>} : memref<80x128xf32, #tpu.memory_space<vmem>>, vector<1x16xf32>,
          %swap3A_1657 = vector.shape_cast %swap3A_1656 : vector<1x16xf32> to vector<16xf32>
          %swap3A_1658 = vector.shape_cast %mul3A_1653 : vector<16xf32> to vector<1x16xf32>
          tpu.vector_store %arg10[%swap3A_1654, %swap3A_1655], %swap3A_1658 {strides = array<i32>} : memref<80x128xf32, #tpu.memory_space<vmem>>, vector<1x16xf32>,
          %mul3A_1659 = arith.constant 16 : i32
          %mul3A_1660 = arith.muli %scan3A_84, %mul3A_1659 : i32
          %add3A_1661 = arith.constant 12 : i32
          %add3A_1662 = arith.addi %mul3A_1660, %add3A_1661 : i32
          %get3A_1663 = arith.index_cast %add3A_1662 : i32 to index
          %get3A_1664 = arith.constant 112 : index
          %get3A_1665 = tpu.vector_load %arg10[%get3A_1663, %get3A_1664] {strides = array<i32>} : memref<80x128xf32, #tpu.memory_space<vmem>>, vector<1x16xf32>,
          %get3A_1666 = vector.shape_cast %get3A_1665 : vector<1x16xf32> to vector<16xf32>
          %mul3A_1667 = vector.broadcast %squeeze3A_1553 : f32 to vector<16xf32>
          %mul3A_1668 = arith.mulf %get3A_1666, %mul3A_1667 : vector<16xf32>
          %swap3A_1669 = arith.index_cast %add3A_1662 : i32 to index
          %swap3A_1670 = arith.constant 112 : index
          %swap3A_1671 = tpu.vector_load %arg10[%swap3A_1669, %swap3A_1670] {strides = array<i32>} : memref<80x128xf32, #tpu.memory_space<vmem>>, vector<1x16xf32>,
          %swap3A_1672 = vector.shape_cast %swap3A_1671 : vector<1x16xf32> to vector<16xf32>
          %swap3A_1673 = vector.shape_cast %mul3A_1668 : vector<16xf32> to vector<1x16xf32>
          tpu.vector_store %arg10[%swap3A_1669, %swap3A_1670], %swap3A_1673 {strides = array<i32>} : memref<80x128xf32, #tpu.memory_space<vmem>>, vector<1x16xf32>,
          %slice3A_1674 = vector.extract_strided_slice %get3A_90 {offsets = [13], sizes = [1], strides = [1]} : vector<16xf32> to vector<1xf32>
          %squeeze3A_1675 = vector.extract %slice3A_1674[0] : f32 from vector<1xf32>
          %mul3A_1676 = arith.constant 16 : i32
          %mul3A_1677 = arith.muli %scan3A_84, %mul3A_1676 : i32
          %add3A_1678 = arith.constant 13 : i32
          %add3A_1679 = arith.addi %mul3A_1677, %add3A_1678 : i32
          %get3A_1680 = arith.index_cast %add3A_1679 : i32 to index
          %get3A_1681 = arith.constant 0 : index
          %get3A_1682 = tpu.vector_load %arg10[%get3A_1680, %get3A_1681] {strides = array<i32>} : memref<80x128xf32, #tpu.memory_space<vmem>>, vector<1x16xf32>,
          %get3A_1683 = vector.shape_cast %get3A_1682 : vector<1x16xf32> to vector<16xf32>
          %mul3A_1684 = vector.broadcast %squeeze3A_1675 : f32 to vector<16xf32>
          %mul3A_1685 = arith.mulf %get3A_1683, %mul3A_1684 : vector<16xf32>
          %swap3A_1686 = arith.index_cast %add3A_1679 : i32 to index
          %swap3A_1687 = arith.constant 0 : index
          %swap3A_1688 = tpu.vector_load %arg10[%swap3A_1686, %swap3A_1687] {strides = array<i32>} : memref<80x128xf32, #tpu.memory_space<vmem>>, vector<1x16xf32>,
          %swap3A_1689 = vector.shape_cast %swap3A_1688 : vector<1x16xf32> to vector<16xf32>
          %swap3A_1690 = vector.shape_cast %mul3A_1685 : vector<16xf32> to vector<1x16xf32>
          tpu.vector_store %arg10[%swap3A_1686, %swap3A_1687], %swap3A_1690 {strides = array<i32>} : memref<80x128xf32, #tpu.memory_space<vmem>>, vector<1x16xf32>,
          %mul3A_1691 = arith.constant 16 : i32
          %mul3A_1692 = arith.muli %scan3A_84, %mul3A_1691 : i32
          %add3A_1693 = arith.constant 13 : i32
          %add3A_1694 = arith.addi %mul3A_1692, %add3A_1693 : i32
          %get3A_1695 = arith.index_cast %add3A_1694 : i32 to index
          %get3A_1696 = arith.constant 16 : index
          %get3A_1697 = tpu.vector_load %arg10[%get3A_1695, %get3A_1696] {strides = array<i32>} : memref<80x128xf32, #tpu.memory_space<vmem>>, vector<1x16xf32>,
          %get3A_1698 = vector.shape_cast %get3A_1697 : vector<1x16xf32> to vector<16xf32>
          %mul3A_1699 = vector.broadcast %squeeze3A_1675 : f32 to vector<16xf32>
          %mul3A_1700 = arith.mulf %get3A_1698, %mul3A_1699 : vector<16xf32>
          %swap3A_1701 = arith.index_cast %add3A_1694 : i32 to index
          %swap3A_1702 = arith.constant 16 : index
          %swap3A_1703 = tpu.vector_load %arg10[%swap3A_1701, %swap3A_1702] {strides = array<i32>} : memref<80x128xf32, #tpu.memory_space<vmem>>, vector<1x16xf32>,
          %swap3A_1704 = vector.shape_cast %swap3A_1703 : vector<1x16xf32> to vector<16xf32>
          %swap3A_1705 = vector.shape_cast %mul3A_1700 : vector<16xf32> to vector<1x16xf32>
          tpu.vector_store %arg10[%swap3A_1701, %swap3A_1702], %swap3A_1705 {strides = array<i32>} : memref<80x128xf32, #tpu.memory_space<vmem>>, vector<1x16xf32>,
          %mul3A_1706 = arith.constant 16 : i32
          %mul3A_1707 = arith.muli %scan3A_84, %mul3A_1706 : i32
          %add3A_1708 = arith.constant 13 : i32
          %add3A_1709 = arith.addi %mul3A_1707, %add3A_1708 : i32
          %get3A_1710 = arith.index_cast %add3A_1709 : i32 to index
          %get3A_1711 = arith.constant 32 : index
          %get3A_1712 = tpu.vector_load %arg10[%get3A_1710, %get3A_1711] {strides = array<i32>} : memref<80x128xf32, #tpu.memory_space<vmem>>, vector<1x16xf32>,
          %get3A_1713 = vector.shape_cast %get3A_1712 : vector<1x16xf32> to vector<16xf32>
          %mul3A_1714 = vector.broadcast %squeeze3A_1675 : f32 to vector<16xf32>
          %mul3A_1715 = arith.mulf %get3A_1713, %mul3A_1714 : vector<16xf32>
          %swap3A_1716 = arith.index_cast %add3A_1709 : i32 to index
          %swap3A_1717 = arith.constant 32 : index
          %swap3A_1718 = tpu.vector_load %arg10[%swap3A_1716, %swap3A_1717] {strides = array<i32>} : memref<80x128xf32, #tpu.memory_space<vmem>>, vector<1x16xf32>,
          %swap3A_1719 = vector.shape_cast %swap3A_1718 : vector<1x16xf32> to vector<16xf32>
          %swap3A_1720 = vector.shape_cast %mul3A_1715 : vector<16xf32> to vector<1x16xf32>
          tpu.vector_store %arg10[%swap3A_1716, %swap3A_1717], %swap3A_1720 {strides = array<i32>} : memref<80x128xf32, #tpu.memory_space<vmem>>, vector<1x16xf32>,
          %mul3A_1721 = arith.constant 16 : i32
          %mul3A_1722 = arith.muli %scan3A_84, %mul3A_1721 : i32
          %add3A_1723 = arith.constant 13 : i32
          %add3A_1724 = arith.addi %mul3A_1722, %add3A_1723 : i32
          %get3A_1725 = arith.index_cast %add3A_1724 : i32 to index
          %get3A_1726 = arith.constant 48 : index
          %get3A_1727 = tpu.vector_load %arg10[%get3A_1725, %get3A_1726] {strides = array<i32>} : memref<80x128xf32, #tpu.memory_space<vmem>>, vector<1x16xf32>,
          %get3A_1728 = vector.shape_cast %get3A_1727 : vector<1x16xf32> to vector<16xf32>
          %mul3A_1729 = vector.broadcast %squeeze3A_1675 : f32 to vector<16xf32>
          %mul3A_1730 = arith.mulf %get3A_1728, %mul3A_1729 : vector<16xf32>
          %swap3A_1731 = arith.index_cast %add3A_1724 : i32 to index
          %swap3A_1732 = arith.constant 48 : index
          %swap3A_1733 = tpu.vector_load %arg10[%swap3A_1731, %swap3A_1732] {strides = array<i32>} : memref<80x128xf32, #tpu.memory_space<vmem>>, vector<1x16xf32>,
          %swap3A_1734 = vector.shape_cast %swap3A_1733 : vector<1x16xf32> to vector<16xf32>
          %swap3A_1735 = vector.shape_cast %mul3A_1730 : vector<16xf32> to vector<1x16xf32>
          tpu.vector_store %arg10[%swap3A_1731, %swap3A_1732], %swap3A_1735 {strides = array<i32>} : memref<80x128xf32, #tpu.memory_space<vmem>>, vector<1x16xf32>,
          %mul3A_1736 = arith.constant 16 : i32
          %mul3A_1737 = arith.muli %scan3A_84, %mul3A_1736 : i32
          %add3A_1738 = arith.constant 13 : i32
          %add3A_1739 = arith.addi %mul3A_1737, %add3A_1738 : i32
          %get3A_1740 = arith.index_cast %add3A_1739 : i32 to index
          %get3A_1741 = arith.constant 64 : index
          %get3A_1742 = tpu.vector_load %arg10[%get3A_1740, %get3A_1741] {strides = array<i32>} : memref<80x128xf32, #tpu.memory_space<vmem>>, vector<1x16xf32>,
          %get3A_1743 = vector.shape_cast %get3A_1742 : vector<1x16xf32> to vector<16xf32>
          %mul3A_1744 = vector.broadcast %squeeze3A_1675 : f32 to vector<16xf32>
          %mul3A_1745 = arith.mulf %get3A_1743, %mul3A_1744 : vector<16xf32>
          %swap3A_1746 = arith.index_cast %add3A_1739 : i32 to index
          %swap3A_1747 = arith.constant 64 : index
          %swap3A_1748 = tpu.vector_load %arg10[%swap3A_1746, %swap3A_1747] {strides = array<i32>} : memref<80x128xf32, #tpu.memory_space<vmem>>, vector<1x16xf32>,
          %swap3A_1749 = vector.shape_cast %swap3A_1748 : vector<1x16xf32> to vector<16xf32>
          %swap3A_1750 = vector.shape_cast %mul3A_1745 : vector<16xf32> to vector<1x16xf32>
          tpu.vector_store %arg10[%swap3A_1746, %swap3A_1747], %swap3A_1750 {strides = array<i32>} : memref<80x128xf32, #tpu.memory_space<vmem>>, vector<1x16xf32>,
          %mul3A_1751 = arith.constant 16 : i32
          %mul3A_1752 = arith.muli %scan3A_84, %mul3A_1751 : i32
          %add3A_1753 = arith.constant 13 : i32
          %add3A_1754 = arith.addi %mul3A_1752, %add3A_1753 : i32
          %get3A_1755 = arith.index_cast %add3A_1754 : i32 to index
          %get3A_1756 = arith.constant 80 : index
          %get3A_1757 = tpu.vector_load %arg10[%get3A_1755, %get3A_1756] {strides = array<i32>} : memref<80x128xf32, #tpu.memory_space<vmem>>, vector<1x16xf32>,
          %get3A_1758 = vector.shape_cast %get3A_1757 : vector<1x16xf32> to vector<16xf32>
          %mul3A_1759 = vector.broadcast %squeeze3A_1675 : f32 to vector<16xf32>
          %mul3A_1760 = arith.mulf %get3A_1758, %mul3A_1759 : vector<16xf32>
          %swap3A_1761 = arith.index_cast %add3A_1754 : i32 to index
          %swap3A_1762 = arith.constant 80 : index
          %swap3A_1763 = tpu.vector_load %arg10[%swap3A_1761, %swap3A_1762] {strides = array<i32>} : memref<80x128xf32, #tpu.memory_space<vmem>>, vector<1x16xf32>,
          %swap3A_1764 = vector.shape_cast %swap3A_1763 : vector<1x16xf32> to vector<16xf32>
          %swap3A_1765 = vector.shape_cast %mul3A_1760 : vector<16xf32> to vector<1x16xf32>
          tpu.vector_store %arg10[%swap3A_1761, %swap3A_1762], %swap3A_1765 {strides = array<i32>} : memref<80x128xf32, #tpu.memory_space<vmem>>, vector<1x16xf32>,
          %mul3A_1766 = arith.constant 16 : i32
          %mul3A_1767 = arith.muli %scan3A_84, %mul3A_1766 : i32
          %add3A_1768 = arith.constant 13 : i32
          %add3A_1769 = arith.addi %mul3A_1767, %add3A_1768 : i32
          %get3A_1770 = arith.index_cast %add3A_1769 : i32 to index
          %get3A_1771 = arith.constant 96 : index
          %get3A_1772 = tpu.vector_load %arg10[%get3A_1770, %get3A_1771] {strides = array<i32>} : memref<80x128xf32, #tpu.memory_space<vmem>>, vector<1x16xf32>,
          %get3A_1773 = vector.shape_cast %get3A_1772 : vector<1x16xf32> to vector<16xf32>
          %mul3A_1774 = vector.broadcast %squeeze3A_1675 : f32 to vector<16xf32>
          %mul3A_1775 = arith.mulf %get3A_1773, %mul3A_1774 : vector<16xf32>
          %swap3A_1776 = arith.index_cast %add3A_1769 : i32 to index
          %swap3A_1777 = arith.constant 96 : index
          %swap3A_1778 = tpu.vector_load %arg10[%swap3A_1776, %swap3A_1777] {strides = array<i32>} : memref<80x128xf32, #tpu.memory_space<vmem>>, vector<1x16xf32>,
          %swap3A_1779 = vector.shape_cast %swap3A_1778 : vector<1x16xf32> to vector<16xf32>
          %swap3A_1780 = vector.shape_cast %mul3A_1775 : vector<16xf32> to vector<1x16xf32>
          tpu.vector_store %arg10[%swap3A_1776, %swap3A_1777], %swap3A_1780 {strides = array<i32>} : memref<80x128xf32, #tpu.memory_space<vmem>>, vector<1x16xf32>,
          %mul3A_1781 = arith.constant 16 : i32
          %mul3A_1782 = arith.muli %scan3A_84, %mul3A_1781 : i32
          %add3A_1783 = arith.constant 13 : i32
          %add3A_1784 = arith.addi %mul3A_1782, %add3A_1783 : i32
          %get3A_1785 = arith.index_cast %add3A_1784 : i32 to index
          %get3A_1786 = arith.constant 112 : index
          %get3A_1787 = tpu.vector_load %arg10[%get3A_1785, %get3A_1786] {strides = array<i32>} : memref<80x128xf32, #tpu.memory_space<vmem>>, vector<1x16xf32>,
          %get3A_1788 = vector.shape_cast %get3A_1787 : vector<1x16xf32> to vector<16xf32>
          %mul3A_1789 = vector.broadcast %squeeze3A_1675 : f32 to vector<16xf32>
          %mul3A_1790 = arith.mulf %get3A_1788, %mul3A_1789 : vector<16xf32>
          %swap3A_1791 = arith.index_cast %add3A_1784 : i32 to index
          %swap3A_1792 = arith.constant 112 : index
          %swap3A_1793 = tpu.vector_load %arg10[%swap3A_1791, %swap3A_1792] {strides = array<i32>} : memref<80x128xf32, #tpu.memory_space<vmem>>, vector<1x16xf32>,
          %swap3A_1794 = vector.shape_cast %swap3A_1793 : vector<1x16xf32> to vector<16xf32>
          %swap3A_1795 = vector.shape_cast %mul3A_1790 : vector<16xf32> to vector<1x16xf32>
          tpu.vector_store %arg10[%swap3A_1791, %swap3A_1792], %swap3A_1795 {strides = array<i32>} : memref<80x128xf32, #tpu.memory_space<vmem>>, vector<1x16xf32>,
          %slice3A_1796 = vector.extract_strided_slice %get3A_90 {offsets = [14], sizes = [1], strides = [1]} : vector<16xf32> to vector<1xf32>
          %squeeze3A_1797 = vector.extract %slice3A_1796[0] : f32 from vector<1xf32>
          %mul3A_1798 = arith.constant 16 : i32
          %mul3A_1799 = arith.muli %scan3A_84, %mul3A_1798 : i32
          %add3A_1800 = arith.constant 14 : i32
          %add3A_1801 = arith.addi %mul3A_1799, %add3A_1800 : i32
          %get3A_1802 = arith.index_cast %add3A_1801 : i32 to index
          %get3A_1803 = arith.constant 0 : index
          %get3A_1804 = tpu.vector_load %arg10[%get3A_1802, %get3A_1803] {strides = array<i32>} : memref<80x128xf32, #tpu.memory_space<vmem>>, vector<1x16xf32>,
          %get3A_1805 = vector.shape_cast %get3A_1804 : vector<1x16xf32> to vector<16xf32>
          %mul3A_1806 = vector.broadcast %squeeze3A_1797 : f32 to vector<16xf32>
          %mul3A_1807 = arith.mulf %get3A_1805, %mul3A_1806 : vector<16xf32>
          %swap3A_1808 = arith.index_cast %add3A_1801 : i32 to index
          %swap3A_1809 = arith.constant 0 : index
          %swap3A_1810 = tpu.vector_load %arg10[%swap3A_1808, %swap3A_1809] {strides = array<i32>} : memref<80x128xf32, #tpu.memory_space<vmem>>, vector<1x16xf32>,
          %swap3A_1811 = vector.shape_cast %swap3A_1810 : vector<1x16xf32> to vector<16xf32>
          %swap3A_1812 = vector.shape_cast %mul3A_1807 : vector<16xf32> to vector<1x16xf32>
          tpu.vector_store %arg10[%swap3A_1808, %swap3A_1809], %swap3A_1812 {strides = array<i32>} : memref<80x128xf32, #tpu.memory_space<vmem>>, vector<1x16xf32>,
          %mul3A_1813 = arith.constant 16 : i32
          %mul3A_1814 = arith.muli %scan3A_84, %mul3A_1813 : i32
          %add3A_1815 = arith.constant 14 : i32
          %add3A_1816 = arith.addi %mul3A_1814, %add3A_1815 : i32
          %get3A_1817 = arith.index_cast %add3A_1816 : i32 to index
          %get3A_1818 = arith.constant 16 : index
          %get3A_1819 = tpu.vector_load %arg10[%get3A_1817, %get3A_1818] {strides = array<i32>} : memref<80x128xf32, #tpu.memory_space<vmem>>, vector<1x16xf32>,
          %get3A_1820 = vector.shape_cast %get3A_1819 : vector<1x16xf32> to vector<16xf32>
          %mul3A_1821 = vector.broadcast %squeeze3A_1797 : f32 to vector<16xf32>
          %mul3A_1822 = arith.mulf %get3A_1820, %mul3A_1821 : vector<16xf32>
          %swap3A_1823 = arith.index_cast %add3A_1816 : i32 to index
          %swap3A_1824 = arith.constant 16 : index
          %swap3A_1825 = tpu.vector_load %arg10[%swap3A_1823, %swap3A_1824] {strides = array<i32>} : memref<80x128xf32, #tpu.memory_space<vmem>>, vector<1x16xf32>,
          %swap3A_1826 = vector.shape_cast %swap3A_1825 : vector<1x16xf32> to vector<16xf32>
          %swap3A_1827 = vector.shape_cast %mul3A_1822 : vector<16xf32> to vector<1x16xf32>
          tpu.vector_store %arg10[%swap3A_1823, %swap3A_1824], %swap3A_1827 {strides = array<i32>} : memref<80x128xf32, #tpu.memory_space<vmem>>, vector<1x16xf32>,
          %mul3A_1828 = arith.constant 16 : i32
          %mul3A_1829 = arith.muli %scan3A_84, %mul3A_1828 : i32
          %add3A_1830 = arith.constant 14 : i32
          %add3A_1831 = arith.addi %mul3A_1829, %add3A_1830 : i32
          %get3A_1832 = arith.index_cast %add3A_1831 : i32 to index
          %get3A_1833 = arith.constant 32 : index
          %get3A_1834 = tpu.vector_load %arg10[%get3A_1832, %get3A_1833] {strides = array<i32>} : memref<80x128xf32, #tpu.memory_space<vmem>>, vector<1x16xf32>,
          %get3A_1835 = vector.shape_cast %get3A_1834 : vector<1x16xf32> to vector<16xf32>
          %mul3A_1836 = vector.broadcast %squeeze3A_1797 : f32 to vector<16xf32>
          %mul3A_1837 = arith.mulf %get3A_1835, %mul3A_1836 : vector<16xf32>
          %swap3A_1838 = arith.index_cast %add3A_1831 : i32 to index
          %swap3A_1839 = arith.constant 32 : index
          %swap3A_1840 = tpu.vector_load %arg10[%swap3A_1838, %swap3A_1839] {strides = array<i32>} : memref<80x128xf32, #tpu.memory_space<vmem>>, vector<1x16xf32>,
          %swap3A_1841 = vector.shape_cast %swap3A_1840 : vector<1x16xf32> to vector<16xf32>
          %swap3A_1842 = vector.shape_cast %mul3A_1837 : vector<16xf32> to vector<1x16xf32>
          tpu.vector_store %arg10[%swap3A_1838, %swap3A_1839], %swap3A_1842 {strides = array<i32>} : memref<80x128xf32, #tpu.memory_space<vmem>>, vector<1x16xf32>,
          %mul3A_1843 = arith.constant 16 : i32
          %mul3A_1844 = arith.muli %scan3A_84, %mul3A_1843 : i32
          %add3A_1845 = arith.constant 14 : i32
          %add3A_1846 = arith.addi %mul3A_1844, %add3A_1845 : i32
          %get3A_1847 = arith.index_cast %add3A_1846 : i32 to index
          %get3A_1848 = arith.constant 48 : index
          %get3A_1849 = tpu.vector_load %arg10[%get3A_1847, %get3A_1848] {strides = array<i32>} : memref<80x128xf32, #tpu.memory_space<vmem>>, vector<1x16xf32>,
          %get3A_1850 = vector.shape_cast %get3A_1849 : vector<1x16xf32> to vector<16xf32>
          %mul3A_1851 = vector.broadcast %squeeze3A_1797 : f32 to vector<16xf32>
          %mul3A_1852 = arith.mulf %get3A_1850, %mul3A_1851 : vector<16xf32>
          %swap3A_1853 = arith.index_cast %add3A_1846 : i32 to index
          %swap3A_1854 = arith.constant 48 : index
          %swap3A_1855 = tpu.vector_load %arg10[%swap3A_1853, %swap3A_1854] {strides = array<i32>} : memref<80x128xf32, #tpu.memory_space<vmem>>, vector<1x16xf32>,
          %swap3A_1856 = vector.shape_cast %swap3A_1855 : vector<1x16xf32> to vector<16xf32>
          %swap3A_1857 = vector.shape_cast %mul3A_1852 : vector<16xf32> to vector<1x16xf32>
          tpu.vector_store %arg10[%swap3A_1853, %swap3A_1854], %swap3A_1857 {strides = array<i32>} : memref<80x128xf32, #tpu.memory_space<vmem>>, vector<1x16xf32>,
          %mul3A_1858 = arith.constant 16 : i32
          %mul3A_1859 = arith.muli %scan3A_84, %mul3A_1858 : i32
          %add3A_1860 = arith.constant 14 : i32
          %add3A_1861 = arith.addi %mul3A_1859, %add3A_1860 : i32
          %get3A_1862 = arith.index_cast %add3A_1861 : i32 to index
          %get3A_1863 = arith.constant 64 : index
          %get3A_1864 = tpu.vector_load %arg10[%get3A_1862, %get3A_1863] {strides = array<i32>} : memref<80x128xf32, #tpu.memory_space<vmem>>, vector<1x16xf32>,
          %get3A_1865 = vector.shape_cast %get3A_1864 : vector<1x16xf32> to vector<16xf32>
          %mul3A_1866 = vector.broadcast %squeeze3A_1797 : f32 to vector<16xf32>
          %mul3A_1867 = arith.mulf %get3A_1865, %mul3A_1866 : vector<16xf32>
          %swap3A_1868 = arith.index_cast %add3A_1861 : i32 to index
          %swap3A_1869 = arith.constant 64 : index
          %swap3A_1870 = tpu.vector_load %arg10[%swap3A_1868, %swap3A_1869] {strides = array<i32>} : memref<80x128xf32, #tpu.memory_space<vmem>>, vector<1x16xf32>,
          %swap3A_1871 = vector.shape_cast %swap3A_1870 : vector<1x16xf32> to vector<16xf32>
          %swap3A_1872 = vector.shape_cast %mul3A_1867 : vector<16xf32> to vector<1x16xf32>
          tpu.vector_store %arg10[%swap3A_1868, %swap3A_1869], %swap3A_1872 {strides = array<i32>} : memref<80x128xf32, #tpu.memory_space<vmem>>, vector<1x16xf32>,
          %mul3A_1873 = arith.constant 16 : i32
          %mul3A_1874 = arith.muli %scan3A_84, %mul3A_1873 : i32
          %add3A_1875 = arith.constant 14 : i32
          %add3A_1876 = arith.addi %mul3A_1874, %add3A_1875 : i32
          %get3A_1877 = arith.index_cast %add3A_1876 : i32 to index
          %get3A_1878 = arith.constant 80 : index
          %get3A_1879 = tpu.vector_load %arg10[%get3A_1877, %get3A_1878] {strides = array<i32>} : memref<80x128xf32, #tpu.memory_space<vmem>>, vector<1x16xf32>,
          %get3A_1880 = vector.shape_cast %get3A_1879 : vector<1x16xf32> to vector<16xf32>
          %mul3A_1881 = vector.broadcast %squeeze3A_1797 : f32 to vector<16xf32>
          %mul3A_1882 = arith.mulf %get3A_1880, %mul3A_1881 : vector<16xf32>
          %swap3A_1883 = arith.index_cast %add3A_1876 : i32 to index
          %swap3A_1884 = arith.constant 80 : index
          %swap3A_1885 = tpu.vector_load %arg10[%swap3A_1883, %swap3A_1884] {strides = array<i32>} : memref<80x128xf32, #tpu.memory_space<vmem>>, vector<1x16xf32>,
          %swap3A_1886 = vector.shape_cast %swap3A_1885 : vector<1x16xf32> to vector<16xf32>
          %swap3A_1887 = vector.shape_cast %mul3A_1882 : vector<16xf32> to vector<1x16xf32>
          tpu.vector_store %arg10[%swap3A_1883, %swap3A_1884], %swap3A_1887 {strides = array<i32>} : memref<80x128xf32, #tpu.memory_space<vmem>>, vector<1x16xf32>,
          %mul3A_1888 = arith.constant 16 : i32
          %mul3A_1889 = arith.muli %scan3A_84, %mul3A_1888 : i32
          %add3A_1890 = arith.constant 14 : i32
          %add3A_1891 = arith.addi %mul3A_1889, %add3A_1890 : i32
          %get3A_1892 = arith.index_cast %add3A_1891 : i32 to index
          %get3A_1893 = arith.constant 96 : index
          %get3A_1894 = tpu.vector_load %arg10[%get3A_1892, %get3A_1893] {strides = array<i32>} : memref<80x128xf32, #tpu.memory_space<vmem>>, vector<1x16xf32>,
          %get3A_1895 = vector.shape_cast %get3A_1894 : vector<1x16xf32> to vector<16xf32>
          %mul3A_1896 = vector.broadcast %squeeze3A_1797 : f32 to vector<16xf32>
          %mul3A_1897 = arith.mulf %get3A_1895, %mul3A_1896 : vector<16xf32>
          %swap3A_1898 = arith.index_cast %add3A_1891 : i32 to index
          %swap3A_1899 = arith.constant 96 : index
          %swap3A_1900 = tpu.vector_load %arg10[%swap3A_1898, %swap3A_1899] {strides = array<i32>} : memref<80x128xf32, #tpu.memory_space<vmem>>, vector<1x16xf32>,
          %swap3A_1901 = vector.shape_cast %swap3A_1900 : vector<1x16xf32> to vector<16xf32>
          %swap3A_1902 = vector.shape_cast %mul3A_1897 : vector<16xf32> to vector<1x16xf32>
          tpu.vector_store %arg10[%swap3A_1898, %swap3A_1899], %swap3A_1902 {strides = array<i32>} : memref<80x128xf32, #tpu.memory_space<vmem>>, vector<1x16xf32>,
          %mul3A_1903 = arith.constant 16 : i32
          %mul3A_1904 = arith.muli %scan3A_84, %mul3A_1903 : i32
          %add3A_1905 = arith.constant 14 : i32
          %add3A_1906 = arith.addi %mul3A_1904, %add3A_1905 : i32
          %get3A_1907 = arith.index_cast %add3A_1906 : i32 to index
          %get3A_1908 = arith.constant 112 : index
          %get3A_1909 = tpu.vector_load %arg10[%get3A_1907, %get3A_1908] {strides = array<i32>} : memref<80x128xf32, #tpu.memory_space<vmem>>, vector<1x16xf32>,
          %get3A_1910 = vector.shape_cast %get3A_1909 : vector<1x16xf32> to vector<16xf32>
          %mul3A_1911 = vector.broadcast %squeeze3A_1797 : f32 to vector<16xf32>
          %mul3A_1912 = arith.mulf %get3A_1910, %mul3A_1911 : vector<16xf32>
          %swap3A_1913 = arith.index_cast %add3A_1906 : i32 to index
          %swap3A_1914 = arith.constant 112 : index
          %swap3A_1915 = tpu.vector_load %arg10[%swap3A_1913, %swap3A_1914] {strides = array<i32>} : memref<80x128xf32, #tpu.memory_space<vmem>>, vector<1x16xf32>,
          %swap3A_1916 = vector.shape_cast %swap3A_1915 : vector<1x16xf32> to vector<16xf32>
          %swap3A_1917 = vector.shape_cast %mul3A_1912 : vector<16xf32> to vector<1x16xf32>
          tpu.vector_store %arg10[%swap3A_1913, %swap3A_1914], %swap3A_1917 {strides = array<i32>} : memref<80x128xf32, #tpu.memory_space<vmem>>, vector<1x16xf32>,
          %slice3A_1918 = vector.extract_strided_slice %get3A_90 {offsets = [15], sizes = [1], strides = [1]} : vector<16xf32> to vector<1xf32>
          %squeeze3A_1919 = vector.extract %slice3A_1918[0] : f32 from vector<1xf32>
          %mul3A_1920 = arith.constant 16 : i32
          %mul3A_1921 = arith.muli %scan3A_84, %mul3A_1920 : i32
          %add3A_1922 = arith.constant 15 : i32
          %add3A_1923 = arith.addi %mul3A_1921, %add3A_1922 : i32
          %get3A_1924 = arith.index_cast %add3A_1923 : i32 to index
          %get3A_1925 = arith.constant 0 : index
          %get3A_1926 = tpu.vector_load %arg10[%get3A_1924, %get3A_1925] {strides = array<i32>} : memref<80x128xf32, #tpu.memory_space<vmem>>, vector<1x16xf32>,
          %get3A_1927 = vector.shape_cast %get3A_1926 : vector<1x16xf32> to vector<16xf32>
          %mul3A_1928 = vector.broadcast %squeeze3A_1919 : f32 to vector<16xf32>
          %mul3A_1929 = arith.mulf %get3A_1927, %mul3A_1928 : vector<16xf32>
          %swap3A_1930 = arith.index_cast %add3A_1923 : i32 to index
          %swap3A_1931 = arith.constant 0 : index
          %swap3A_1932 = tpu.vector_load %arg10[%swap3A_1930, %swap3A_1931] {strides = array<i32>} : memref<80x128xf32, #tpu.memory_space<vmem>>, vector<1x16xf32>,
          %swap3A_1933 = vector.shape_cast %swap3A_1932 : vector<1x16xf32> to vector<16xf32>
          %swap3A_1934 = vector.shape_cast %mul3A_1929 : vector<16xf32> to vector<1x16xf32>
          tpu.vector_store %arg10[%swap3A_1930, %swap3A_1931], %swap3A_1934 {strides = array<i32>} : memref<80x128xf32, #tpu.memory_space<vmem>>, vector<1x16xf32>,
          %mul3A_1935 = arith.constant 16 : i32
          %mul3A_1936 = arith.muli %scan3A_84, %mul3A_1935 : i32
          %add3A_1937 = arith.constant 15 : i32
          %add3A_1938 = arith.addi %mul3A_1936, %add3A_1937 : i32
          %get3A_1939 = arith.index_cast %add3A_1938 : i32 to index
          %get3A_1940 = arith.constant 16 : index
          %get3A_1941 = tpu.vector_load %arg10[%get3A_1939, %get3A_1940] {strides = array<i32>} : memref<80x128xf32, #tpu.memory_space<vmem>>, vector<1x16xf32>,
          %get3A_1942 = vector.shape_cast %get3A_1941 : vector<1x16xf32> to vector<16xf32>
          %mul3A_1943 = vector.broadcast %squeeze3A_1919 : f32 to vector<16xf32>
          %mul3A_1944 = arith.mulf %get3A_1942, %mul3A_1943 : vector<16xf32>
          %swap3A_1945 = arith.index_cast %add3A_1938 : i32 to index
          %swap3A_1946 = arith.constant 16 : index
          %swap3A_1947 = tpu.vector_load %arg10[%swap3A_1945, %swap3A_1946] {strides = array<i32>} : memref<80x128xf32, #tpu.memory_space<vmem>>, vector<1x16xf32>,
          %swap3A_1948 = vector.shape_cast %swap3A_1947 : vector<1x16xf32> to vector<16xf32>
          %swap3A_1949 = vector.shape_cast %mul3A_1944 : vector<16xf32> to vector<1x16xf32>
          tpu.vector_store %arg10[%swap3A_1945, %swap3A_1946], %swap3A_1949 {strides = array<i32>} : memref<80x128xf32, #tpu.memory_space<vmem>>, vector<1x16xf32>,
          %mul3A_1950 = arith.constant 16 : i32
          %mul3A_1951 = arith.muli %scan3A_84, %mul3A_1950 : i32
          %add3A_1952 = arith.constant 15 : i32
          %add3A_1953 = arith.addi %mul3A_1951, %add3A_1952 : i32
          %get3A_1954 = arith.index_cast %add3A_1953 : i32 to index
          %get3A_1955 = arith.constant 32 : index
          %get3A_1956 = tpu.vector_load %arg10[%get3A_1954, %get3A_1955] {strides = array<i32>} : memref<80x128xf32, #tpu.memory_space<vmem>>, vector<1x16xf32>,
          %get3A_1957 = vector.shape_cast %get3A_1956 : vector<1x16xf32> to vector<16xf32>
          %mul3A_1958 = vector.broadcast %squeeze3A_1919 : f32 to vector<16xf32>
          %mul3A_1959 = arith.mulf %get3A_1957, %mul3A_1958 : vector<16xf32>
          %swap3A_1960 = arith.index_cast %add3A_1953 : i32 to index
          %swap3A_1961 = arith.constant 32 : index
          %swap3A_1962 = tpu.vector_load %arg10[%swap3A_1960, %swap3A_1961] {strides = array<i32>} : memref<80x128xf32, #tpu.memory_space<vmem>>, vector<1x16xf32>,
          %swap3A_1963 = vector.shape_cast %swap3A_1962 : vector<1x16xf32> to vector<16xf32>
          %swap3A_1964 = vector.shape_cast %mul3A_1959 : vector<16xf32> to vector<1x16xf32>
          tpu.vector_store %arg10[%swap3A_1960, %swap3A_1961], %swap3A_1964 {strides = array<i32>} : memref<80x128xf32, #tpu.memory_space<vmem>>, vector<1x16xf32>,
          %mul3A_1965 = arith.constant 16 : i32
          %mul3A_1966 = arith.muli %scan3A_84, %mul3A_1965 : i32
          %add3A_1967 = arith.constant 15 : i32
          %add3A_1968 = arith.addi %mul3A_1966, %add3A_1967 : i32
          %get3A_1969 = arith.index_cast %add3A_1968 : i32 to index
          %get3A_1970 = arith.constant 48 : index
          %get3A_1971 = tpu.vector_load %arg10[%get3A_1969, %get3A_1970] {strides = array<i32>} : memref<80x128xf32, #tpu.memory_space<vmem>>, vector<1x16xf32>,
          %get3A_1972 = vector.shape_cast %get3A_1971 : vector<1x16xf32> to vector<16xf32>
          %mul3A_1973 = vector.broadcast %squeeze3A_1919 : f32 to vector<16xf32>
          %mul3A_1974 = arith.mulf %get3A_1972, %mul3A_1973 : vector<16xf32>
          %swap3A_1975 = arith.index_cast %add3A_1968 : i32 to index
          %swap3A_1976 = arith.constant 48 : index
          %swap3A_1977 = tpu.vector_load %arg10[%swap3A_1975, %swap3A_1976] {strides = array<i32>} : memref<80x128xf32, #tpu.memory_space<vmem>>, vector<1x16xf32>,
          %swap3A_1978 = vector.shape_cast %swap3A_1977 : vector<1x16xf32> to vector<16xf32>
          %swap3A_1979 = vector.shape_cast %mul3A_1974 : vector<16xf32> to vector<1x16xf32>
          tpu.vector_store %arg10[%swap3A_1975, %swap3A_1976], %swap3A_1979 {strides = array<i32>} : memref<80x128xf32, #tpu.memory_space<vmem>>, vector<1x16xf32>,
          %mul3A_1980 = arith.constant 16 : i32
          %mul3A_1981 = arith.muli %scan3A_84, %mul3A_1980 : i32
          %add3A_1982 = arith.constant 15 : i32
          %add3A_1983 = arith.addi %mul3A_1981, %add3A_1982 : i32
          %get3A_1984 = arith.index_cast %add3A_1983 : i32 to index
          %get3A_1985 = arith.constant 64 : index
          %get3A_1986 = tpu.vector_load %arg10[%get3A_1984, %get3A_1985] {strides = array<i32>} : memref<80x128xf32, #tpu.memory_space<vmem>>, vector<1x16xf32>,
          %get3A_1987 = vector.shape_cast %get3A_1986 : vector<1x16xf32> to vector<16xf32>
          %mul3A_1988 = vector.broadcast %squeeze3A_1919 : f32 to vector<16xf32>
          %mul3A_1989 = arith.mulf %get3A_1987, %mul3A_1988 : vector<16xf32>
          %swap3A_1990 = arith.index_cast %add3A_1983 : i32 to index
          %swap3A_1991 = arith.constant 64 : index
          %swap3A_1992 = tpu.vector_load %arg10[%swap3A_1990, %swap3A_1991] {strides = array<i32>} : memref<80x128xf32, #tpu.memory_space<vmem>>, vector<1x16xf32>,
          %swap3A_1993 = vector.shape_cast %swap3A_1992 : vector<1x16xf32> to vector<16xf32>
          %swap3A_1994 = vector.shape_cast %mul3A_1989 : vector<16xf32> to vector<1x16xf32>
          tpu.vector_store %arg10[%swap3A_1990, %swap3A_1991], %swap3A_1994 {strides = array<i32>} : memref<80x128xf32, #tpu.memory_space<vmem>>, vector<1x16xf32>,
          %mul3A_1995 = arith.constant 16 : i32
          %mul3A_1996 = arith.muli %scan3A_84, %mul3A_1995 : i32
          %add3A_1997 = arith.constant 15 : i32
          %add3A_1998 = arith.addi %mul3A_1996, %add3A_1997 : i32
          %get3A_1999 = arith.index_cast %add3A_1998 : i32 to index
          %get3A_2000 = arith.constant 80 : index
          %get3A_2001 = tpu.vector_load %arg10[%get3A_1999, %get3A_2000] {strides = array<i32>} : memref<80x128xf32, #tpu.memory_space<vmem>>, vector<1x16xf32>,
          %get3A_2002 = vector.shape_cast %get3A_2001 : vector<1x16xf32> to vector<16xf32>
          %mul3A_2003 = vector.broadcast %squeeze3A_1919 : f32 to vector<16xf32>
          %mul3A_2004 = arith.mulf %get3A_2002, %mul3A_2003 : vector<16xf32>
          %swap3A_2005 = arith.index_cast %add3A_1998 : i32 to index
          %swap3A_2006 = arith.constant 80 : index
          %swap3A_2007 = tpu.vector_load %arg10[%swap3A_2005, %swap3A_2006] {strides = array<i32>} : memref<80x128xf32, #tpu.memory_space<vmem>>, vector<1x16xf32>,
          %swap3A_2008 = vector.shape_cast %swap3A_2007 : vector<1x16xf32> to vector<16xf32>
          %swap3A_2009 = vector.shape_cast %mul3A_2004 : vector<16xf32> to vector<1x16xf32>
          tpu.vector_store %arg10[%swap3A_2005, %swap3A_2006], %swap3A_2009 {strides = array<i32>} : memref<80x128xf32, #tpu.memory_space<vmem>>, vector<1x16xf32>,
          %mul3A_2010 = arith.constant 16 : i32
          %mul3A_2011 = arith.muli %scan3A_84, %mul3A_2010 : i32
          %add3A_2012 = arith.constant 15 : i32
          %add3A_2013 = arith.addi %mul3A_2011, %add3A_2012 : i32
          %get3A_2014 = arith.index_cast %add3A_2013 : i32 to index
          %get3A_2015 = arith.constant 96 : index
          %get3A_2016 = tpu.vector_load %arg10[%get3A_2014, %get3A_2015] {strides = array<i32>} : memref<80x128xf32, #tpu.memory_space<vmem>>, vector<1x16xf32>,
          %get3A_2017 = vector.shape_cast %get3A_2016 : vector<1x16xf32> to vector<16xf32>
          %mul3A_2018 = vector.broadcast %squeeze3A_1919 : f32 to vector<16xf32>
          %mul3A_2019 = arith.mulf %get3A_2017, %mul3A_2018 : vector<16xf32>
          %swap3A_2020 = arith.index_cast %add3A_2013 : i32 to index
          %swap3A_2021 = arith.constant 96 : index
          %swap3A_2022 = tpu.vector_load %arg10[%swap3A_2020, %swap3A_2021] {strides = array<i32>} : memref<80x128xf32, #tpu.memory_space<vmem>>, vector<1x16xf32>,
          %swap3A_2023 = vector.shape_cast %swap3A_2022 : vector<1x16xf32> to vector<16xf32>
          %swap3A_2024 = vector.shape_cast %mul3A_2019 : vector<16xf32> to vector<1x16xf32>
          tpu.vector_store %arg10[%swap3A_2020, %swap3A_2021], %swap3A_2024 {strides = array<i32>} : memref<80x128xf32, #tpu.memory_space<vmem>>, vector<1x16xf32>,
          %mul3A_2025 = arith.constant 16 : i32
          %mul3A_2026 = arith.muli %scan3A_84, %mul3A_2025 : i32
          %add3A_2027 = arith.constant 15 : i32
          %add3A_2028 = arith.addi %mul3A_2026, %add3A_2027 : i32
          %get3A_2029 = arith.index_cast %add3A_2028 : i32 to index
          %get3A_2030 = arith.constant 112 : index
          %get3A_2031 = tpu.vector_load %arg10[%get3A_2029, %get3A_2030] {strides = array<i32>} : memref<80x128xf32, #tpu.memory_space<vmem>>, vector<1x16xf32>,
          %get3A_2032 = vector.shape_cast %get3A_2031 : vector<1x16xf32> to vector<16xf32>
          %mul3A_2033 = vector.broadcast %squeeze3A_1919 : f32 to vector<16xf32>
          %mul3A_2034 = arith.mulf %get3A_2032, %mul3A_2033 : vector<16xf32>
          %swap3A_2035 = arith.index_cast %add3A_2028 : i32 to index
          %swap3A_2036 = arith.constant 112 : index
          %swap3A_2037 = tpu.vector_load %arg10[%swap3A_2035, %swap3A_2036] {strides = array<i32>} : memref<80x128xf32, #tpu.memory_space<vmem>>, vector<1x16xf32>,
          %swap3A_2038 = vector.shape_cast %swap3A_2037 : vector<1x16xf32> to vector<16xf32>
          %swap3A_2039 = vector.shape_cast %mul3A_2034 : vector<16xf32> to vector<1x16xf32>
          tpu.vector_store %arg10[%swap3A_2035, %swap3A_2036], %swap3A_2039 {strides = array<i32>} : memref<80x128xf32, #tpu.memory_space<vmem>>, vector<1x16xf32>,
          %scan3A_2040 = arith.constant 0 : i32
          scf.yield %scan3A_2040 : i32
        }
        %scan3A_82 = arith.constant 5 : i32
        "tpu.region"() ({
          %run_scoped3A = tpu.sem_alloc : memref<!tpu.dma_semaphore, #tpu.memory_space<semaphore_mem>>
          %dma_start3A_84 = arith.constant 0 : i32
          %dma_start3A_85 = tpu.memref_slice %arg8[%scan3A_64, %dma_start3A_84] : memref<25x80xi32, #tpu.memory_space<vmem>> -> memref<1x80xi32, #tpu.memory_space<vmem>>
          %dma_start3A_86 = tpu.memref_squeeze %dma_start3A_85 : memref<1x80xi32, #tpu.memory_space<vmem>> -> memref<80xi32, #tpu.memory_space<vmem>>
          %dma_start3A_87 = arith.constant 0 : i32
          %dma_start3A_88 = arith.constant 0 : i32
          %dma_start3A_89 = tpu.memref_slice %arg11[%dma_start3A_87, %dma_start3A_88] : memref<10000x128xf32, #tpu.memory_space<vmem_shared>> -> memref<10000x128xf32, #tpu.memory_space<vmem_shared>>
          tpu.enqueue_indirect_dma source(%arg10 : memref<80x128xf32, #tpu.memory_space<vmem>>) target(%dma_start3A_89 : memref<10000x128xf32, #tpu.memory_space<vmem_shared>>) offsets(%dma_start3A_86 : memref<80xi32, #tpu.memory_space<vmem>>) semaphore(%run_scoped3A : memref<!tpu.dma_semaphore, #tpu.memory_space<semaphore_mem>>) {add = true}
          %dma_wait3A_90 = arith.constant 0 : i32
          %dma_wait3A_91 = tpu.memref_slice %arg8[%scan3A_64, %dma_wait3A_90] : memref<25x80xi32, #tpu.memory_space<vmem>> -> memref<1x80xi32, #tpu.memory_space<vmem>>
          %dma_wait3A_92 = tpu.memref_squeeze %dma_wait3A_91 : memref<1x80xi32, #tpu.memory_space<vmem>> -> memref<80xi32, #tpu.memory_space<vmem>>
          %dma_wait3A_93 = arith.constant 0 : i32
          %dma_wait3A_94 = arith.constant 0 : i32
          %dma_wait3A_95 = tpu.memref_slice %arg11[%dma_wait3A_93, %dma_wait3A_94] : memref<10000x128xf32, #tpu.memory_space<vmem_shared>> -> memref<10000x128xf32, #tpu.memory_space<vmem_shared>>
          tpu.wait_indirect_dma semaphore(%run_scoped3A : memref<!tpu.dma_semaphore, #tpu.memory_space<semaphore_mem>>) src(%arg10 : memref<80x128xf32, #tpu.memory_space<vmem>>) dst(%dma_wait3A_95 : memref<10000x128xf32, #tpu.memory_space<vmem_shared>>)
          tpu.yield
        }) : () -> ()
        %scan3A_83 = arith.constant 0 : i32
        scf.yield %scan3A_83 : i32
      }
      %scan3A_62 = arith.constant 25 : i32
      %scan3A_63 = arith.constant 0 : i32
      scf.yield %scan3A_63 : i32
    }
    %scan3A_46 = arith.constant 5 : i32
    %barrier3A_47 = arith.constant 0 : index
    tpu.barrier barrier_id(%barrier3A_47)
    %mul3A_48 = arith.constant 624 : i32
    %mul3A_49 = arith.muli %arg1, %mul3A_48 : i32
    %mul3A_50 = arith.constant 624 : i32
    %mul3A_51 = arith.muli %arg1, %mul3A_50 : i32
    "tpu.region"() ({
      %run_scoped3A = tpu.sem_alloc : memref<!tpu.dma_semaphore, #tpu.memory_space<semaphore_mem>>
      %dma_start3A = arith.constant 0 : i32
      %dma_start3A_54 = tpu.memref_slice %arg6[%arg0, %mul3A_51, %dma_start3A] : memref<2x10000x128xf32, #tpu.memory_space<hbm>> -> memref<1x624x128xf32, #tpu.memory_space<hbm>>
      %dma_start3A_55 = tpu.memref_squeeze %dma_start3A_54 : memref<1x624x128xf32, #tpu.memory_space<hbm>> -> memref<624x128xf32, #tpu.memory_space<hbm>>
      %dma_start3A_56 = arith.constant 0 : i32
      %dma_start3A_57 = tpu.memref_slice %arg11[%mul3A_49, %dma_start3A_56] : memref<10000x128xf32, #tpu.memory_space<vmem_shared>> -> memref<624x128xf32, #tpu.memory_space<vmem_shared>>
      tpu.enqueue_dma source(%dma_start3A_57 : memref<624x128xf32, #tpu.memory_space<vmem_shared>>) target(%dma_start3A_55 : memref<624x128xf32, #tpu.memory_space<hbm>>) target_semaphore(%run_scoped3A : memref<!tpu.dma_semaphore, #tpu.memory_space<semaphore_mem>>)
      %dma_wait3A = arith.constant 0 : i32
      %dma_wait3A_58 = tpu.memref_slice %arg6[%arg0, %mul3A_51, %dma_wait3A] : memref<2x10000x128xf32, #tpu.memory_space<hbm>> -> memref<1x624x128xf32, #tpu.memory_space<hbm>>
      %dma_wait3A_59 = tpu.memref_squeeze %dma_wait3A_58 : memref<1x624x128xf32, #tpu.memory_space<hbm>> -> memref<624x128xf32, #tpu.memory_space<hbm>>
      %dma_wait3A_60 = arith.constant 0 : i32
      %dma_wait3A_61 = tpu.memref_slice %arg11[%mul3A_49, %dma_wait3A_60] : memref<10000x128xf32, #tpu.memory_space<vmem_shared>> -> memref<624x128xf32, #tpu.memory_space<vmem_shared>>
      tpu.wait_dma2 semaphore(%run_scoped3A : memref<!tpu.dma_semaphore, #tpu.memory_space<semaphore_mem>>) src(%dma_wait3A_61 : memref<624x128xf32, #tpu.memory_space<vmem_shared>>) dst(%dma_wait3A_59 : memref<624x128xf32, #tpu.memory_space<hbm>>)
      tpu.yield
    }) : () -> ()
    %eq3A = arith.constant 15 : i32
    %eq3A_52 = arith.cmpi eq, %arg1, %eq3A : i32
    %convert_element_type3A = arith.extui %eq3A_52 : i1 to i32
    %cond3A = arith.constant 0 : i32
    %cond3A_53 = arith.cmpi ne, %convert_element_type3A, %cond3A : i32
    scf.if %cond3A_53 {
      "tpu.region"() ({
        %run_scoped3A = tpu.sem_alloc : memref<!tpu.dma_semaphore, #tpu.memory_space<semaphore_mem>>
        %dma_start3A = arith.constant 9984 : i32
        %dma_start3A_54 = arith.constant 0 : i32
        %dma_start3A_55 = tpu.memref_slice %arg6[%arg0, %dma_start3A, %dma_start3A_54] : memref<2x10000x128xf32, #tpu.memory_space<hbm>> -> memref<1x16x128xf32, #tpu.memory_space<hbm>>
        %dma_start3A_56 = tpu.memref_squeeze %dma_start3A_55 : memref<1x16x128xf32, #tpu.memory_space<hbm>> -> memref<16x128xf32, #tpu.memory_space<hbm>>
        %dma_start3A_57 = arith.constant 9984 : i32
        %dma_start3A_58 = arith.constant 0 : i32
        %dma_start3A_59 = tpu.memref_slice %arg11[%dma_start3A_57, %dma_start3A_58] : memref<10000x128xf32, #tpu.memory_space<vmem_shared>> -> memref<16x128xf32, #tpu.memory_space<vmem_shared>>
        tpu.enqueue_dma source(%dma_start3A_59 : memref<16x128xf32, #tpu.memory_space<vmem_shared>>) target(%dma_start3A_56 : memref<16x128xf32, #tpu.memory_space<hbm>>) target_semaphore(%run_scoped3A : memref<!tpu.dma_semaphore, #tpu.memory_space<semaphore_mem>>)
        %dma_wait3A = arith.constant 9984 : i32
        %dma_wait3A_60 = arith.constant 0 : i32
        %dma_wait3A_61 = tpu.memref_slice %arg6[%arg0, %dma_wait3A, %dma_wait3A_60] : memref<2x10000x128xf32, #tpu.memory_space<hbm>> -> memref<1x16x128xf32, #tpu.memory_space<hbm>>
        %dma_wait3A_62 = tpu.memref_squeeze %dma_wait3A_61 : memref<1x16x128xf32, #tpu.memory_space<hbm>> -> memref<16x128xf32, #tpu.memory_space<hbm>>
        %dma_wait3A_63 = arith.constant 9984 : i32
        %dma_wait3A_64 = arith.constant 0 : i32
        %dma_wait3A_65 = tpu.memref_slice %arg11[%dma_wait3A_63, %dma_wait3A_64] : memref<10000x128xf32, #tpu.memory_space<vmem_shared>> -> memref<16x128xf32, #tpu.memory_space<vmem_shared>>
        tpu.wait_dma2 semaphore(%run_scoped3A : memref<!tpu.dma_semaphore, #tpu.memory_space<semaphore_mem>>) src(%dma_wait3A_65 : memref<16x128xf32, #tpu.memory_space<vmem_shared>>) dst(%dma_wait3A_62 : memref<16x128xf32, #tpu.memory_space<hbm>>)
        tpu.yield
      }) : () -> ()
    } else {
    }
    return
  }
}

module attributes {stable_mosaic.version = 14 : i64} {
  func.func @_mm_body(%arg0: i32, %arg1: memref<1000x128xf32, #tpu.memory_space<vmem>>, %arg2: memref<128x128xf32, #tpu.memory_space<vmem>>, %arg3: memref<1000x128xf32, #tpu.memory_space<vmem>>) attributes {dimension_semantics = [#tpu.dimension_semantics<arbitrary>], iteration_bounds = array<i64: 10>, scalar_prefetch = 0 : i64, scratch_operands = 0 : i64, tpu.core_type = #tpu.core_type<tc>, window_params = [{transform_indices = @transform_0, window_bounds = array<i64: 1000, 128>}, {pipeline_mode = #tpu.pipeline_mode<synchronous>, transform_indices = @transform_1, window_bounds = array<i64: 128, 128>}, {transform_indices = @transform_2, window_bounds = array<i64: 1000, 128>}]} {
    %get3A = arith.constant 0 : index
    %get3A_0 = arith.constant 0 : index
    %get3A_1 = vector.load %arg1[%get3A, %get3A_0] : memref<1000x128xf32, #tpu.memory_space<vmem>>, vector<1000x128xf32>
    %get3A_2 = arith.constant 0 : index
    %get3A_3 = arith.constant 0 : index
    %get3A_4 = vector.load %arg2[%get3A_2, %get3A_3] : memref<128x128xf32, #tpu.memory_space<vmem>>, vector<128x128xf32>
    %dot_general3A = arith.constant dense<0.000000e+00> : vector<1000x128xf32>
    %dot_general3A_5 = tpu.matmul %get3A_1, %get3A_4, %dot_general3A {dimension_numbers = #tpu.dot_dimension_numbers<[1], [0], [0], [1], [0, 0, 1, 1], [], []>, transpose_lhs_hint = false} : vector<1000x128xf32>, vector<128x128xf32>, vector<1000x128xf32> -> vector<1000x128xf32>
    %swap3A = arith.constant 0 : index
    %swap3A_6 = arith.constant 0 : index
    %swap3A_7 = vector.load %arg3[%swap3A, %swap3A_6] : memref<1000x128xf32, #tpu.memory_space<vmem>>, vector<1000x128xf32>
    tpu.vector_store %arg3[%swap3A, %swap3A_6], %dot_general3A_5 {strides = array<i32>} : memref<1000x128xf32, #tpu.memory_space<vmem>>, vector<1000x128xf32>,
    return
  }
  func.func @transform_0(%arg0: i32) -> (i32, i32) {
    %c0_i32 = arith.constant 0 : i32
    %c0_i32_0 = arith.constant 0 : i32
    return %arg0, %c0_i32 : i32, i32
  }
  func.func @transform_1(%arg0: i32) -> (i32, i32) {
    %c0_i32 = arith.constant 0 : i32
    %c0_i32_0 = arith.constant 0 : i32
    %c0_i32_1 = arith.constant 0 : i32
    return %c0_i32, %c0_i32_0 : i32, i32
  }
  func.func @transform_2(%arg0: i32) -> (i32, i32) {
    %c0_i32 = arith.constant 0 : i32
    %c0_i32_0 = arith.constant 0 : i32
    return %arg0, %c0_i32 : i32, i32
  }
}

module attributes {stable_mosaic.version = 14 : i64} {
  func.func @_comb_body(%arg0: i32, %arg1: memref<1000x128xf32, #tpu.memory_space<vmem>>, %arg2: memref<1000x128xf32, #tpu.memory_space<vmem>>, %arg3: memref<1000x128xf32, #tpu.memory_space<vmem>>) attributes {dimension_semantics = [#tpu.dimension_semantics<arbitrary>], iteration_bounds = array<i64: 10>, scalar_prefetch = 0 : i64, scratch_operands = 0 : i64, tpu.core_type = #tpu.core_type<tc>, window_params = [{transform_indices = @transform_0, window_bounds = array<i64: 1000, 128>}, {transform_indices = @transform_1, window_bounds = array<i64: 1000, 128>}, {transform_indices = @transform_2, window_bounds = array<i64: 1000, 128>}]} {
    %get3A = arith.constant 0 : index
    %get3A_0 = arith.constant 0 : index
    %get3A_1 = vector.load %arg1[%get3A, %get3A_0] : memref<1000x128xf32, #tpu.memory_space<vmem>>, vector<1000x128xf32>
    %get3A_2 = arith.constant 0 : index
    %get3A_3 = arith.constant 0 : index
    %get3A_4 = vector.load %arg2[%get3A_2, %get3A_3] : memref<1000x128xf32, #tpu.memory_space<vmem>>, vector<1000x128xf32>
    %add3A = arith.addf %get3A_1, %get3A_4 : vector<1000x128xf32>
    %max3A = arith.constant 0.000000e+00 : f32
    %max3A_5 = vector.broadcast %max3A : f32 to vector<1000x128xf32>
    %max3A_6 = arith.maximumf %add3A, %max3A_5 : vector<1000x128xf32>
    %swap3A = arith.constant 0 : index
    %swap3A_7 = arith.constant 0 : index
    %swap3A_8 = vector.load %arg3[%swap3A, %swap3A_7] : memref<1000x128xf32, #tpu.memory_space<vmem>>, vector<1000x128xf32>
    tpu.vector_store %arg3[%swap3A, %swap3A_7], %max3A_6 {strides = array<i32>} : memref<1000x128xf32, #tpu.memory_space<vmem>>, vector<1000x128xf32>,
    return
  }
  func.func @transform_0(%arg0: i32) -> (i32, i32) {
    %c0_i32 = arith.constant 0 : i32
    %c0_i32_0 = arith.constant 0 : i32
    return %arg0, %c0_i32 : i32, i32
  }
  func.func @transform_1(%arg0: i32) -> (i32, i32) {
    %c0_i32 = arith.constant 0 : i32
    %c0_i32_0 = arith.constant 0 : i32
    return %arg0, %c0_i32 : i32, i32
  }
  func.func @transform_2(%arg0: i32) -> (i32, i32) {
    %c0_i32 = arith.constant 0 : i32
    %c0_i32_0 = arith.constant 0 : i32
    return %arg0, %c0_i32 : i32, i32
  }
}

</mosaic_0001>

<sc_bundles>
// kernel: kernel.5.cloned.1.call-start
scs
__scs_entry_jumppad:
0x0: {  	(pc) =	sbr.rel $0x88, $3  }
0x1: {  	(tag) =	ssettag $0x0;
	lr =	simm.s32 $0x1  }
0x2: {  	[smem:$0x3F9D] =	sst lr;
	_ =	strace $0xD0000000  }
0x3: {  	_ = 	snop  }
0x4: {  	_ = 	snop  }
0x5: {  	_ = 	snop  }
0x6: {  	_ = 	snop  }
0x7: {  	_ = 	snop  }
__scs_overlays_trampoline_lowered:
0x8: {  	[smem:$0x3FAC] =	sst s0  }
0x9: {  	[smem:$0x3FAD] =	sst s1  }
0xa: {  	[smem:$0x3FAE] =	sst s2  }
0xb: {  	[smem:$0x3FAF] =	sst s3  }
0xc: {  	[smem:$0x3FB0] =	sst s4  }
0xd: {  	[smem:$0x3FB1] =	sst s5  }
0xe: {  	[smem:$0x3FB2] =	sst s6  }
0xf: {  	[smem:$0x3FB3] =	sst s7  }
0x10: {  	[smem:$0x3FB4] =	sst s8  }
0x11: {  	[smem:$0x3FB5] =	sst s9;
	s0 =	simm.s32 @!p0 $0x0  }
0x12: {  	s1 =	sld [smem:$0x3F9B];
	s0 =	simm.s32 @p0 $0x1  }
0x13: {  	[smem:$0x3FB6] =	sst s0;
	s0 =	simm.s32 @!p1 $0x0  }
0x14: {  	s2 =	sld [smem:$0x3F9A];
	s0 =	simm.s32 @p1 $0x1  }
0x15: {  	[smem:$0x3FB7] =	sst s0;
	s0 =	simm.s32 @!p2 $0x0  }
0x16: {  	s3 =	sld [smem:$0x3FDB];
	s0 =	simm.s32 @p2 $0x1  }
0x17: {  	s4 =	simm.s32 $0x1BF5;
	[smem:$0x3FB9] =	sst s0  }
0x18: {  	s0 =	sld [smem:$0x3F9C];
	_ =	swait.ge [sflag:s4], $0x0  }
0x19: {  	s7 =	sld [smem:$0x3F9D]  }
0x1a: {  	s8 =	sadd.s32 $0xFFFFE003, lr  }
0x1b: {  	s9 =	sadd.s32 $0xFFFFFEF7, lr;
	s5 =	simm.s32 $0xFFFFFFFF;
	p2 =	slt.u32 s8, $0xFFFFF086  }
0x1c: {  	p1 =	slt.u32 s9, $0xF7A;
	s5 =	simm.s32 @!p2 $0x0  }
0x1d: {  	s5 =	simm.s32 @p1 $0x1;
	p0 =	seq.s32 s7, s2  }
0x1e: {  	s7 =	smul.u32 @!p0 $0xF7A, s2;
	p2 =	seq.s32 @!p0 s5, $0x0  }
0x1f: {  	s9 =	smul.u32 $0xF7A, s1;
	s8 =	simm.s32 @!p0 $0x1BF5;
	p2 =	por !p2, p0  }
0x20: {  	[sflag:s8] =	ssyncset.s32 @!p0 $0xFFFFF086;
	s6 =	sadd.s32 @!p0 s3, s7;
	s7 =	simm.s32 @!p0 $0x108  }
0x21: {  	s3 =	sadd.s32 s3, s9;
	s6 =	sadd.s32 @!p0 $0x88, s6;
	s7 =	simm.s32 @p2 $0x1082  }
0x22: {  	[simem:s7], [sflag:s8] =	dma.local @!p0 [hbm:s6], $0xF7A  }
0x23: {  	s9 =	sor.u32 $0xD0000000, s2;
	s6 =	simm.s32 $0x108;
	_ =	swait.ge @!p0 [sflag:s8], $0x0  }
0x24: {  	s3 =	sadd.s32 $0x88, s3;
	s6 =	simm.s32 @!p1 $0x1082;
	[sflag:s4] =	ssyncset.s32 $0xFFFFF086  }
0x25: {  	[simem:s6], [sflag:s4] =	dma.local [hbm:s3], $0xF7A  }
0x26: {  	[smem:$0x3F9D] =	sst s1;
	(tag) =	ssettag s2;
	_ =	strace s9  }
0x27: {  	s1 =	sld [smem:$0x3FAD]  }
0x28: {  	s2 =	sld [smem:$0x3FAE]  }
0x29: {  	s4 =	sld [smem:$0x3FB0]  }
0x2a: {  	p0 =	seq.s32 s5, $0x0;
	s5 =	sld [smem:$0x3FB1]  }
0x2b: {  	s6 =	sld [smem:$0x3FB2]  }
0x2c: {  	s7 =	sld [smem:$0x3FB3]  }
0x2d: {  	s3 =	simm.s32 $0x108;
	s8 =	sld [smem:$0x3FB4]  }
0x2e: {  	s3 =	simm.s32 @!p0 $0x1082;
	s9 =	sld [smem:$0x3FB5]  }
0x2f: {  	lr =	sadd.s32 s0, s3;
	s0 =	sld [smem:$0x3FAC]  }
0x30: {  	s3 =	sld [smem:$0x3FAF]  }
0x31: {  	[smem:$0x3FB8] =	sst s10  }
0x32: {  	s10 =	sld [smem:$0x3FB6];
	_ =	sdelay $0x3  }
0x33: {  	p0 =	seq.s32 s10, $0x1;
	s10 =	sld [smem:$0x3FB8];
	_ =	sdelay $0x3  }
0x34: {  	[smem:$0x3FB8] =	sst s10  }
0x35: {  	s10 =	sld [smem:$0x3FB7];
	_ =	sdelay $0x3  }
0x36: {  	p1 =	seq.s32 s10, $0x1;
	s10 =	sld [smem:$0x3FB8];
	_ =	sdelay $0x3  }
0x37: {  	[smem:$0x3FB8] =	sst s10  }
0x38: {  	s10 =	sld [smem:$0x3FB9]  }
0x39: {  	_ = 	snop;
	(pc) =	sbr.ind lr, $3  }
0x3a: {  	_ = 	snop  }
0x3b: {  	_ = 	snop  }
0x3c: {  	p2 =	seq.s32 s10, $0x1;
	s10 =	sld [smem:$0x3FB8]  }
0x3d: {  	_ =	shalt  }
0x3e: {  	_ =	shalt  }
0x3f: {  	_ =	shalt  }
0x40: {  	_ =	shalt  }
0x41: {  	_ =	shalt  }
0x42: {  	_ =	shalt  }
0x43: {  	_ =	shalt  }
0x44: {  	_ =	shalt  }
0x45: {  	_ =	shalt  }
0x46: {  	_ =	shalt  }
0x47: {  	_ =	shalt  }
0x48: {  	_ =	shalt  }
0x49: {  	_ =	shalt  }
0x4a: {  	_ =	shalt  }
0x4b: {  	_ =	shalt  }
0x4c: {  	_ =	shalt  }
0x4d: {  	_ =	shalt  }
0x4e: {  	_ =	shalt  }
0x4f: {  	_ =	shalt  }
0x50: {  	_ =	shalt  }
0x51: {  	_ =	shalt  }
0x52: {  	_ =	shalt  }
0x53: {  	_ =	shalt  }
0x54: {  	_ =	shalt  }
0x55: {  	_ =	shalt  }
0x56: {  	_ =	shalt  }
0x57: {  	_ =	shalt  }
0x58: {  	_ =	shalt  }
0x59: {  	_ =	shalt  }
0x5a: {  	_ =	shalt  }
0x5b: {  	_ =	shalt  }
0x5c: {  	_ =	shalt  }
0x5d: {  	_ =	shalt  }
0x5e: {  	_ =	shalt  }
0x5f: {  	_ =	shalt  }
0x60: {  	_ =	shalt  }
0x61: {  	_ =	shalt  }
0x62: {  	_ =	shalt  }
0x63: {  	_ =	shalt  }
0x64: {  	_ =	shalt  }
0x65: {  	_ =	shalt  }
0x66: {  	_ =	shalt  }
0x67: {  	_ =	shalt  }
0x68: {  	_ =	shalt  }
0x69: {  	_ =	shalt  }
0x6a: {  	_ =	shalt  }
0x6b: {  	_ =	shalt  }
0x6c: {  	_ =	shalt  }
0x6d: {  	_ =	shalt  }
0x6e: {  	_ =	shalt  }
0x6f: {  	_ =	shalt  }
0x70: {  	_ =	shalt  }
0x71: {  	_ =	shalt  }
0x72: {  	_ =	shalt  }
0x73: {  	_ =	shalt  }
0x74: {  	_ =	shalt  }
0x75: {  	_ =	shalt  }
0x76: {  	_ =	shalt  }
0x77: {  	_ =	shalt  }
0x78: {  	_ =	shalt  }
0x79: {  	_ =	shalt  }
0x7a: {  	_ =	shalt  }
0x7b: {  	_ =	shalt  }
0x7c: {  	_ =	shalt  }
0x7d: {  	_ =	shalt  }
0x7e: {  	_ =	shalt  }
0x7f: {  	_ =	shalt  }
0x80: {  	_ =	shalt  }
0x81: {  	_ =	shalt  }
0x82: {  	_ =	shalt  }
0x83: {  	_ =	shalt  }
0x84: {  	_ =	shalt  }
0x85: {  	_ =	shalt  }
0x86: {  	_ =	shalt  }
0x87: {  	_ =	shalt  }
.Lfunc_end0:
.L_simem_size_0:
called_computation_lowered:
.L_overlay_start_0:
0x88: {  	s2 =	sld [smem:$0x3FD9]  }
0x89: {  	s3 =	sld [smem:$0x3FFE];
	_ =	sdelay $0x1  }
0x8a: {  	s1 =	srdreg.scid  }
0x8b: {  	s0 =	sand.u32 $0x1, s1  }
0x8c: {  	s17 =	sshll.u32 s0, $0xA;
	s2 =	sadd.s32 s3, s2  }
0x8d: {  	s2 =	sadd.s32 s2, s17  }
0x8e: {  	[smem:$0x3FC4] =	sst s2  }
0x8f: {  	_ = 	snop  }
0x90: {  	s2 =	sld [smem:$0x3FD0];
	(tm) =	ssettm $0x1  }
0x91: {  	s18 =	sld [smem:$0x3FFB];
	_ =	sdelay $0x3  }
0x92: {  	_ =	strace s18  }
0x93: {  	s3 =	sld [smem:$0x3FFC];
	_ =	sdelay $0x3  }
0x94: {  	_ =	strace s3  }
0x95: {  	s3 =	sld [smem:$0x3FFD];
	_ =	sdelay $0x3  }
0x96: {  	_ =	strace s3  }
0x97: {  	_ =	strace $0x8FFFFFFF  }
0x98: {  	s19 =	sld [smem:$0x3FDB];
	_ =	sdelay $0x1  }
0x99: {  	s4 =	simm.s32 $_scs_section_size  }
0x9a: {  	s5 =	simm.s32 $_size__tile_overlayer_lowered;
	s6 =	simm.s32 $_tile_overlayer_lowered  }
0x9b: {  	s22 =	simm.s32 $0x1BFF;
	s21 =	sshll.u32 s6, $0x1;
	s3 =	sadd.s32 s4, s19  }
0x9c: {  	s7 =	simm.s32 $0x0;
	s20 =	sshll.u32 s5, $0x1;
	s5 =	sadd.s32 s21, s3  }
0x9d: {  	[timem:s7], [sflag:s22] =	dma.local [hbm:s5], s20  }
0x9e: {  	_ =	swait.ge [sflag:s22], s20  }
0x9f: {  	s4 =	ssub.s32 $0x0, s20;
	[sflag:s22] =	ssyncset.done $0x0  }
0xa0: {  	[sflag:s22] =	ssyncadd.s32 s4;
	_ =	sdelay $0x1  }
0xa1: {  	s23 =	simm.s32 $0x1B8B  }
0xa2: {  	_ =	swait.ge [sflag:s23], $0x1  }
0xa3: {  	[sflag:s23] =	ssyncset.done $0x0  }
0xa4: {  	s25 =	simm.s32 $0x1B8E;
	s24 =	sld [smem:$0x3FFE];
	[sflag:s23] =	ssyncadd.s32 $0xFFFFFFFF  }
0xa5: {  	s26 =	simm.s32 $execute0_lowered;
	[smem:$0x3FD2] =	sst s25  }
0xa6: {  	s5 =	sshll.u32 s26, $0x1;
	_ =	strace $0x80000046;
	[dreg:$0x1] =	wrdreg $0xFFFFFFFF  }
0xa7: {  	s28 =	simm.s32 $_size_execute0_lowered;
	s3 =	sadd.s32 s3, s5;
	[dreg:$0x0] =	wrdreg $0x0  }
0xa8: {  	s5 =	sshll.u32 s28, $0x1;
	[dreg:$0x2] =	wrdreg s3  }
0xa9: {  	[dreg:$0x3] =	wrdreg s5  }
0xaa: {  	[dreg:$0x4] =	wrdreg $0xC0  }
0xab: {  	_ =	task [dreg:s7], $0x5FFFF  }
0xac: {  	[dreg:$0x1] =	wrdreg $0xFFFFFFFF  }
0xad: {  	[dreg:$0x0] =	wrdreg $0x60  }
0xae: {  	[dreg:$0x2] =	wrdreg s2  }
0xaf: {  	[dreg:$0x3] =	wrdreg s24  }
0xb0: {  	[dreg:$0x4] =	wrdreg $0x58000  }
0xb1: {  	[dreg:$0x5] =	wrdreg $0x9  }
0xb2: {  	_ =	task.clear_ibuf [dreg:s7], $0x6FFFF;
	_ =	strace $0x90000046  }
0xb3: {  	s29 =	simm.s32 $0x9;
	_ =	strace $0x80000048  }
0xb4: {  	_ =	swait.ge [sflag:s29], $0x1  }
0xb5: {  	[sflag:s29] =	ssyncadd.s32 $0xFFFFFFFF  }
0xb6: {  	_ =	strace $0x90000048  }
0xb7: {  	_ =	sfence  }
0xb8: {  	s30 =	sld [smem:$0x0];
	_ =	sdelay $0x2  }
0xb9: {  	s31 =	sshll.u32 s1, $0xD;
	s1 =	sshrl.u32 s1, $0x2  }
0xba: {  	s3 =	sand.u32 $0x4000, s31;
	s1 =	sadd.s32 s1, s30  }
0xbb: {  	s0 =	sor.u32 s3, s0;
	s1 =	sshll.u32 s1, $0x11  }
0xbc: {  	s0 =	sor.u32 s1, s0  }
0xbd: {  	s0 =	sadd.s32 $0x8F2B, s0  }
0xbe: {  	[sflag:s0] =	ssyncadd.remote.s32 $0x1  }
0xbf: {  	_ =	sfence.sel $0xFFFF  }
0xc0: {  	[dreg:$0x0] =	wrdreg $0xFFFFFFFF;
	(pc) =	sbr.abs _section_cstart, $3  }
0xc1: {  	[dreg:$0x1] =	wrdreg $0xFFFFFFFF  }
0xc2: {  	_ =	task.clear_ibuf [dreg:s7], $0x2FFFF;
	_ =	strace $0x9FFFFFFF  }
0xc3: {  	(tm) =	ssettm $0x7FFFFFFF  }
tec
execute0_lowered:
.L_overlay_start_1:
0x0: {  	(tag) =	ssettag $0x1  }
0x1: {  	s1 =	rddreg [dreg:$0x0]  }
0x2: {  	s0 =	rddreg [dreg:$0x1]  }
0x3: {  	s2 =	rddreg [dreg:$0x2];
	s3 =	simm.s32 $0x0  }
0x4: {  	s29 =	srdreg.scid;
	s25 =	stileid.u32;
	s20 =	simm.s32 $0x3000  }
0x5: {  	s21 =	simm.s32 $0x2;
	s22 =	simm.s32 $0x1000;
	s23 =	simm.s32 $0x2000  }
0x6: {  	s24 =	simm.s32 $0x50;
	s26 =	simm.s32 $0x1;
	s28 =	simm.s32 $0x0  }
0x7: {  	[smem:$0x7FF] =	sst s3;
	s3 =	sand.u32 $0x1, s29;
	s5 =	sadd.s32 $0x14C00, s0  }
0x8: {  	s8 =	smul.u32 $0x4E000, s25;
	s6 =	sadd.s32 $0xC00, s0;
	s7 =	sadd.s32 $0x28C00, s0  }
0x9: {  	s0 =	sadd.s32 $0x3CC00, s0;
	s15 =	smul.u32 $0x13800, s25;
	p0 =	sne.s32 s25, $0xF  }
0xa: {  	_ =	strace $0x80000047;
	s4 =	ssub.s32 $0x2, s3;
	s30 =	sshll.u32 s3, $0x4  }
0xb: {  	s3 =	smul.u32 $0x138800, s3;
	s9 =	sshrl.u32 s4, $0x1;
	s8 =	sshrl.u32 s8, $0x2  }
0xc: {  	s16 =	sor.u32 s25, s30;
	s4 =	ssub.s32 s4, s9;
	s8 =	sadd.s32 s8, s2  }
0xd: {  	s17 =	sadd.s32 s15, s3;
	s3 =	sshrl.u32 s3, $0x3;
	s16 =	smul.u32 $0x5000, s16  }
0xe: {  	s31 =	sadd.s32 $0x2800, s8;
	s10 =	sadd.s32 $0x5000, s8;
	s11 =	sadd.s32 $0x7800, s8  }
0xf: {  	s12 =	sadd.s32 $0xA000, s8;
	s13 =	sadd.s32 $0xC800, s8;
	s17 =	sshrl.u32 s17, $0x3  }
0x10: {  	s14 =	sadd.s32 $0xF000, s8;
	s17 =	sadd.s32 s0, s17;
	s0 =	sadd.s32 s0, s3  }
0x11: {  	s15 =	sadd.s32 $0x11800, s8;
	s18 =	sadd.s32 $0x27000, s0;
	s0 =	sadd.s32 $0x138000, s2  }
0x12: {  	v0 =	vimm.f32 $0.0e+00;
	s19 =	smax.u32 s4, $0x1;
	[dreg:$0x4] =	wrdreg s31;
	s25 =	sshrl.u32 @!p0 s0, $0x3  }
.LBB2_1:
0x13: {  	s3 =	simm.s32 $0x0  }
0x14: {  	s0 =	sand.u32 $0xFE00, s3  }
0x15: {  	s3 =	sand.u32 $0x70, s3;
	s4 =	sshrl.u32 s0, $0x2  }
0x16: {  	s0 =	simm.s32 $0x40;
	s4 =	sor.u32 s3, s4;
	s3 =	simm.s32 $0x0  }
.LBB2_2:
0x17: {  	p1 =	sne.s32 s0, $0x9FC0  }
0x18: {  	[tilespmem:s4+$0x3000] =	vst v0;
	s3 =	sadd.s32 $0x10, s3;
	s4 =	smov.u32 s0;
	s0 =	sadd.s32 $0x40, s0  }
.Ltmp0:
0x19: {  	(pc) =	sbr.rel @p1 .LBB2_2-.Ltmp0, $4  }
0x1a: {  	_ = 	snop  }
0x1b: {  	s4 =	sand.u32 $0xFE00, s4  }
0x1c: {  	s29 =	sand.u32 $0x70, s3;
	s4 =	sshrl.u32 s4, $0x2  }
0x1d: {  	s4 =	sor.u32 s29, s4  }
0x1e: {  	[tilespmem:s4+$0x3000] =	vst v0  }
0x1f: {  	[spmem:s8] =	stream.linear.scatter [tilespmem:s20], [sflag:$0x2], $0x2800, $0x38;
	[tilespmem:$0x19080] =	vst v63  }
0x20: {  	_ =	swait.ge [sflag:s21], $0x2800  }
0x21: {  	[sflag:s21] =	ssyncset.done $0x0  }
0x22: {  	s0 =	rddreg [dreg:$0x4];
	[sflag:s21] =	ssyncadd.s32 $0xFFFFD800  }
0x23: {  	[spmem:s0] =	stream.linear.scatter [tilespmem:s20], [sflag:$0x2], $0x2800, $0x38;
	[tilespmem:$0x19080] =	vst v63  }
0x24: {  	_ =	swait.ge [sflag:s21], $0x2800  }
0x25: {  	[sflag:s21] =	ssyncset.done $0x0  }
0x26: {  	[sflag:s21] =	ssyncadd.s32 $0xFFFFD800  }
0x27: {  	[spmem:s10] =	stream.linear.scatter [tilespmem:s20], [sflag:$0x2], $0x2800, $0x38;
	[tilespmem:$0x19080] =	vst v63  }
0x28: {  	_ =	swait.ge [sflag:s21], $0x2800  }
0x29: {  	[sflag:s21] =	ssyncset.done $0x0  }
0x2a: {  	[sflag:s21] =	ssyncadd.s32 $0xFFFFD800  }
0x2b: {  	[spmem:s11] =	stream.linear.scatter [tilespmem:s20], [sflag:$0x2], $0x2800, $0x38;
	[tilespmem:$0x19080] =	vst v63  }
0x2c: {  	_ =	swait.ge [sflag:s21], $0x2800  }
0x2d: {  	[sflag:s21] =	ssyncset.done $0x0  }
0x2e: {  	[sflag:s21] =	ssyncadd.s32 $0xFFFFD800  }
0x2f: {  	[spmem:s12] =	stream.linear.scatter [tilespmem:s20], [sflag:$0x2], $0x2800, $0x38;
	[tilespmem:$0x19080] =	vst v63  }
0x30: {  	_ =	swait.ge [sflag:s21], $0x2800  }
0x31: {  	[sflag:s21] =	ssyncset.done $0x0  }
0x32: {  	[sflag:s21] =	ssyncadd.s32 $0xFFFFD800  }
0x33: {  	[spmem:s13] =	stream.linear.scatter [tilespmem:s20], [sflag:$0x2], $0x2800, $0x38;
	[tilespmem:$0x19080] =	vst v63  }
0x34: {  	_ =	swait.ge [sflag:s21], $0x2800  }
0x35: {  	[sflag:s21] =	ssyncset.done $0x0  }
0x36: {  	[sflag:s21] =	ssyncadd.s32 $0xFFFFD800  }
0x37: {  	[spmem:s14] =	stream.linear.scatter [tilespmem:s20], [sflag:$0x2], $0x2800, $0x38;
	[tilespmem:$0x19080] =	vst v63  }
0x38: {  	_ =	swait.ge [sflag:s21], $0x2800  }
0x39: {  	[sflag:s21] =	ssyncset.done $0x0  }
0x3a: {  	[sflag:s21] =	ssyncadd.s32 $0xFFFFD800  }
0x3b: {  	[spmem:s15] =	stream.linear.scatter [tilespmem:s20], [sflag:$0x2], $0x2800, $0x38;
	[tilespmem:$0x19080] =	vst v63  }
0x3c: {  	_ =	swait.ge [sflag:s21], $0x2800  }
0x3d: {  	[sflag:s21] =	ssyncset.done $0x0  }
0x3e: {  	[sflag:s21] =	ssyncadd.s32 $0xFFFFD800  }
0x3f: {  	s29 =	simm.s32 $0x0;
	s30 =	simm.s32 $0x0;
	[bflag:$0x0] =	sbarrier.arrive $0xFFFF  }
.LBB2_4:
0x40: {  	s0 =	sshll.u32 s30, $0xC  }
0x41: {  	s0 =	sadd.s32 s16, s0  }
0x42: {  	s0 =	sshrl.u32 s0, $0x3  }
0x43: {  	s3 =	sadd.s32 s5, s0  }
0x44: {  	[tilespmem:s29], [sflag:$0x2] =	stream.linear.gather [hbm4b:s3+s29], $0xC80, $0x38;
	[tilespmem:$0x19080] =	vst v63  }
0x45: {  	_ =	swait.ge [sflag:s21], $0xC80  }
0x46: {  	[sflag:s21] =	ssyncset.done $0x0  }
0x47: {  	s9 =	sadd.s32 s6, s0;
	[sflag:s21] =	ssyncadd.s32 $0xFFFFF380  }
0x48: {  	[tilespmem:s22], [sflag:$0x2] =	stream.linear.gather [hbm4b:s9+s29], $0xC80, $0x38;
	[tilespmem:$0x19080] =	vst v63  }
0x49: {  	_ =	swait.ge [sflag:s21], $0xC80  }
0x4a: {  	[sflag:s21] =	ssyncset.done $0x0  }
0x4b: {  	s0 =	sadd.s32 s7, s0;
	[sflag:s21] =	ssyncadd.s32 $0xFFFFF380  }
0x4c: {  	[tilespmem:s23], [sflag:$0x2] =	stream.linear.gather [hbm4b:s0+s29], $0xC80, $0x38;
	[tilespmem:$0x19080] =	vst v63  }
0x4d: {  	_ =	swait.ge [sflag:s21], $0xC80  }
0x4e: {  	[sflag:s21] =	ssyncset.done $0x0  }
0x4f: {  	s31 =	simm.s32 $0x0;
	[sflag:s21] =	ssyncadd.s32 $0xFFFFF380  }
.LBB2_5:
0x50: {  	s0 =	sshll.u32 s31, $0x7  }
0x51: {  	s3 =	sadd.s32 $0x2000, s0  }
0x52: {  	v1 =	vmov s3  }
0x53: {  	[tilespmem:s20], [sflag:$0x1] =	stream.indirect.gather [hbm4b:s1+s24], $0x80, s0, s24, $0xb8;
	[tilespmem:$0x19080] =	vst v63  }
0x54: {  	_ =	swait.ge [sflag:s26], $0x2800  }
0x55: {  	s9 =	simm.s32 $0x0;
	[sflag:s26] =	ssyncset.done $0x0  }
0x56: {  	s4 =	simm.s32 $0x0;
	s3 =	sand.u32 $0x3FFFFFF0, s9;
	[sflag:s26] =	ssyncadd.s32 $0xFFFFD800  }
0x57: {  	v2 =	vld.idx.msk [tilespmem:v1+s3+$0x0 ss:$0x1], $0xffff;
	s3 =	sand.u32 $0x3FFFF800, s4  }
0x58: {  	v8 =	vld [tilespmem:s3+$0x30C0]  }
0x59: {  	v4 =	vld [tilespmem:s3+$0x3020]  }
0x5a: {  	v5 =	vld [tilespmem:s3+$0x3030]  }
0x5b: {  	v11 =	vld [tilespmem:s3+$0x3060]  }
0x5c: {  	v12 =	vld [tilespmem:s3+$0x3070];
	v3 =	vbroadcast v2, $0x0  }
0x5d: {  	v13 =	vld [tilespmem:s3+$0x3080]  }
0x5e: {  	v14 =	vld [tilespmem:s3+$0x3090];
	v4 =	vmul.f32 v4, v3  }
0x5f: {  	v15 =	vld [tilespmem:s3+$0x30A0];
	v5 =	vmul.f32 v5, v3  }
0x60: {  	v10 =	vld [tilespmem:s3+$0x30B0];
	v21 =	vbroadcast v2, $0x1;
	v20 =	vmul.f32 v11, v3;
	[tilespmem:s3+$0x3020] =	vst v4  }
0x61: {  	v9 =	vld [tilespmem:s3+$0x30D0];
	v12 =	vmul.f32 v12, v3;
	[tilespmem:s3+$0x3030] =	vst v5  }
0x62: {  	v7 =	vld [tilespmem:s3+$0x3570];
	v13 =	vmul.f32 v13, v21;
	[tilespmem:s3+$0x3060] =	vst v20  }
0x63: {  	v23 =	vld [tilespmem:s3+$0x30F0];
	v14 =	vmul.f32 v14, v21;
	[tilespmem:s3+$0x3070] =	vst v12  }
0x64: {  	v24 =	vld [tilespmem:s3+$0x3100];
	v15 =	vmul.f32 v15, v21;
	[tilespmem:s3+$0x3080] =	vst v13  }
0x65: {  	v25 =	vld [tilespmem:s3+$0x3110];
	v10 =	vmul.f32 v10, v21;
	[tilespmem:s3+$0x3090] =	vst v14  }
0x66: {  	v22 =	vld [tilespmem:s3+$0x30E0];
	v8 =	vmul.f32 v8, v21;
	[tilespmem:s3+$0x30A0] =	vst v15  }
0x67: {  	v26 =	vld [tilespmem:s3+$0x3120];
	v16 =	vbroadcast v2, $0x2;
	v9 =	vmul.f32 v9, v21;
	[tilespmem:s3+$0x30B0] =	vst v10  }
0x68: {  	v27 =	vld [tilespmem:s3+$0x3130];
	v11 =	vmul.f32 v23, v21;
	[tilespmem:s3+$0x30C0] =	vst v8  }
0x69: {  	v28 =	vld [tilespmem:s3+$0x3140];
	v6 =	vbroadcast v2, $0xA;
	v30 =	vmul.f32 v24, v16;
	[tilespmem:s3+$0x30D0] =	vst v9  }
0x6a: {  	v29 =	vld [tilespmem:s3+$0x3150];
	v32 =	vmul.f32 v25, v16;
	[tilespmem:s3+$0x30F0] =	vst v11  }
0x6b: {  	v31 =	vld [tilespmem:s3+$0x3160];
	v4 =	vmul.f32 v7, v6;
	[tilespmem:s3+$0x3100] =	vst v30  }
0x6c: {  	v33 =	vld [tilespmem:s3+$0x3170];
	v12 =	vmul.f32 v22, v21;
	[tilespmem:s3+$0x3110] =	vst v32  }
0x6d: {  	v34 =	vld [tilespmem:s3+$0x3180];
	v10 =	vmul.f32 v26, v16;
	[tilespmem:s3+$0x3570] =	vst v4  }
0x6e: {  	v35 =	vld [tilespmem:s3+$0x3190];
	v8 =	vmul.f32 v27, v16;
	[tilespmem:s3+$0x30E0] =	vst v12  }
0x6f: {  	v36 =	vld [tilespmem:s3+$0x31A0];
	v9 =	vmul.f32 v28, v16;
	[tilespmem:s3+$0x3120] =	vst v10  }
0x70: {  	v37 =	vld [tilespmem:s3+$0x31B0];
	v39 =	vbroadcast v2, $0x3;
	v11 =	vmul.f32 v31, v16;
	[tilespmem:s3+$0x3130] =	vst v8  }
0x71: {  	v38 =	vld [tilespmem:s3+$0x31C0];
	v13 =	vmul.f32 v33, v16;
	[tilespmem:s3+$0x3140] =	vst v9  }
0x72: {  	v40 =	vld [tilespmem:s3+$0x31D0];
	v14 =	vmul.f32 v34, v39;
	[tilespmem:s3+$0x3160] =	vst v11  }
0x73: {  	v41 =	vld [tilespmem:s3+$0x31E0];
	v12 =	vmul.f32 v29, v16;
	[tilespmem:s3+$0x3170] =	vst v13  }
0x74: {  	v42 =	vld [tilespmem:s3+$0x31F0];
	v10 =	vmul.f32 v35, v39;
	[tilespmem:s3+$0x3180] =	vst v14  }
0x75: {  	v43 =	vld [tilespmem:s3+$0x3200];
	v8 =	vmul.f32 v36, v39;
	[tilespmem:s3+$0x3150] =	vst v12  }
0x76: {  	v44 =	vld [tilespmem:s3+$0x3210];
	v9 =	vmul.f32 v37, v39;
	[tilespmem:s3+$0x3190] =	vst v10  }
0x77: {  	v45 =	vld [tilespmem:s3+$0x3220];
	v11 =	vmul.f32 v40, v39;
	[tilespmem:s3+$0x31A0] =	vst v8  }
0x78: {  	v46 =	vld [tilespmem:s3+$0x3230];
	v13 =	vmul.f32 v41, v39;
	[tilespmem:s3+$0x31B0] =	vst v9  }
0x79: {  	v47 =	vld [tilespmem:s3+$0x3240];
	v48 =	vbroadcast v2, $0x4;
	v14 =	vmul.f32 v42, v39;
	[tilespmem:s3+$0x31D0] =	vst v11  }
0x7a: {  	v49 =	vld [tilespmem:s3+$0x3250];
	v12 =	vmul.f32 v38, v39;
	[tilespmem:s3+$0x31E0] =	vst v13  }
0x7b: {  	v50 =	vld [tilespmem:s3+$0x3260];
	v10 =	vmul.f32 v43, v48;
	[tilespmem:s3+$0x31F0] =	vst v14  }
0x7c: {  	v51 =	vld [tilespmem:s3+$0x3270];
	v8 =	vmul.f32 v44, v48;
	[tilespmem:s3+$0x31C0] =	vst v12  }
0x7d: {  	v52 =	vld [tilespmem:s3+$0x3280];
	v9 =	vmul.f32 v45, v48;
	[tilespmem:s3+$0x3200] =	vst v10  }
0x7e: {  	v53 =	vld [tilespmem:s3+$0x3290];
	v11 =	vmul.f32 v47, v48;
	[tilespmem:s3+$0x3210] =	vst v8  }
0x7f: {  	v54 =	vld [tilespmem:s3+$0x32A0];
	v13 =	vmul.f32 v49, v48;
	[tilespmem:s3+$0x3220] =	vst v9  }
0x80: {  	v55 =	vld [tilespmem:s3+$0x32B0];
	v14 =	vmul.f32 v50, v48;
	[tilespmem:s3+$0x3240] =	vst v11  }
0x81: {  	v56 =	vld [tilespmem:s3+$0x32C0];
	v57 =	vbroadcast v2, $0x5;
	v12 =	vmul.f32 v46, v48;
	[tilespmem:s3+$0x3250] =	vst v13  }
0x82: {  	v58 =	vld [tilespmem:s3+$0x32D0];
	v10 =	vmul.f32 v51, v48;
	[tilespmem:s3+$0x3260] =	vst v14  }
0x83: {  	v59 =	vld [tilespmem:s3+$0x32E0];
	v8 =	vmul.f32 v52, v57;
	[tilespmem:s3+$0x3230] =	vst v12  }
0x84: {  	v60 =	vld [tilespmem:s3+$0x32F0];
	v9 =	vmul.f32 v53, v57;
	[tilespmem:s3+$0x3270] =	vst v10  }
0x85: {  	v61 =	vld [tilespmem:s3+$0x3300];
	v11 =	vmul.f32 v55, v57;
	[tilespmem:s3+$0x3280] =	vst v8  }
0x86: {  	v62 =	vld [tilespmem:s3+$0x3310];
	v13 =	vmul.f32 v56, v57;
	[tilespmem:s3+$0x3290] =	vst v9  }
0x87: {  	v63 =	vld [tilespmem:s3+$0x3320];
	v14 =	vmul.f32 v58, v57;
	[tilespmem:s3+$0x32B0] =	vst v11  }
0x88: {  	v20 =	vld [tilespmem:s3+$0x3330];
	v12 =	vmul.f32 v54, v57;
	[tilespmem:s3+$0x32C0] =	vst v13  }
0x89: {  	v21 =	vld [tilespmem:s3+$0x3340];
	v22 =	vbroadcast v2, $0x6;
	v10 =	vmul.f32 v59, v57;
	[tilespmem:s3+$0x32D0] =	vst v14  }
0x8a: {  	v23 =	vld [tilespmem:s3+$0x3350];
	v8 =	vmul.f32 v60, v57;
	[tilespmem:s3+$0x32A0] =	vst v12  }
0x8b: {  	v24 =	vld [tilespmem:s3+$0x3360];
	v9 =	vmul.f32 v61, v22;
	[tilespmem:s3+$0x32E0] =	vst v10  }
0x8c: {  	v25 =	vld [tilespmem:s3+$0x3370];
	v11 =	vmul.f32 v63, v22;
	[tilespmem:s3+$0x32F0] =	vst v8  }
0x8d: {  	v5 =	vld [tilespmem:s3+$0x3580];
	v13 =	vmul.f32 v20, v22;
	[tilespmem:s3+$0x3300] =	vst v9  }
0x8e: {  	v27 =	vld [tilespmem:s3+$0x3390];
	v14 =	vmul.f32 v21, v22;
	[tilespmem:s3+$0x3320] =	vst v11  }
0x8f: {  	v28 =	vld [tilespmem:s3+$0x33A0];
	v12 =	vmul.f32 v62, v22;
	[tilespmem:s3+$0x3330] =	vst v13  }
0x90: {  	v29 =	vld [tilespmem:s3+$0x33B0];
	v10 =	vmul.f32 v23, v22;
	[tilespmem:s3+$0x3340] =	vst v14  }
0x91: {  	v31 =	vbroadcast v2, $0x7;
	v53 =	vld [tilespmem:s3+$0x3500];
	v8 =	vmul.f32 v24, v22;
	[tilespmem:s3+$0x3310] =	vst v12  }
0x92: {  	v58 =	vld [tilespmem:s3+$0x3550];
	v9 =	vmul.f32 v25, v22;
	[tilespmem:s3+$0x3350] =	vst v10  }
0x93: {  	v26 =	vld [tilespmem:s3+$0x3380];
	v11 =	vmul.f32 v27, v31;
	[tilespmem:s3+$0x3360] =	vst v8  }
0x94: {  	v30 =	vld [tilespmem:s3+$0x33C0];
	v13 =	vmul.f32 v28, v31;
	[tilespmem:s3+$0x3370] =	vst v9  }
0x95: {  	v32 =	vld [tilespmem:s3+$0x33D0];
	v14 =	vmul.f32 v29, v31;
	[tilespmem:s3+$0x3390] =	vst v11  }
0x96: {  	v33 =	vld [tilespmem:s3+$0x33E0];
	v59 =	vmul.f32 v53, v6;
	[tilespmem:s3+$0x33A0] =	vst v13  }
0x97: {  	v35 =	vld [tilespmem:s3+$0x3400];
	v21 =	vmul.f32 v58, v6;
	[tilespmem:s3+$0x33B0] =	vst v14  }
0x98: {  	v36 =	vld [tilespmem:s3+$0x3410];
	v12 =	vmul.f32 v26, v31;
	[tilespmem:s3+$0x3500] =	vst v59  }
0x99: {  	v37 =	vld [tilespmem:s3+$0x3420];
	v10 =	vmul.f32 v30, v31;
	[tilespmem:s3+$0x3550] =	vst v21  }
0x9a: {  	v7 =	vld [tilespmem:s3+$0x3590];
	v40 =	vbroadcast v2, $0x8;
	v8 =	vmul.f32 v32, v31;
	[tilespmem:s3+$0x3380] =	vst v12  }
0x9b: {  	v34 =	vld [tilespmem:s3+$0x33F0];
	v9 =	vmul.f32 v33, v31;
	[tilespmem:s3+$0x33C0] =	vst v10  }
0x9c: {  	v57 =	vld [tilespmem:s3+$0x3540];
	v11 =	vmul.f32 v35, v40;
	[tilespmem:s3+$0x33D0] =	vst v8  }
0x9d: {  	v61 =	vld [tilespmem:s3+$0x3000];
	v24 =	vbroadcast v2, $0xB;
	v13 =	vmul.f32 v36, v40;
	[tilespmem:s3+$0x33E0] =	vst v9  }
0x9e: {  	v4 =	vld [tilespmem:s3+$0x37D0];
	v14 =	vmul.f32 v37, v40;
	[tilespmem:s3+$0x3400] =	vst v11  }
0x9f: {  	v38 =	vld [tilespmem:s3+$0x3430];
	v5 =	vmul.f32 v5, v24;
	[tilespmem:s3+$0x3410] =	vst v13  }
0xa0: {  	v39 =	vld [tilespmem:s3+$0x3440];
	v7 =	vmul.f32 v7, v24;
	[tilespmem:s3+$0x3420] =	vst v14  }
0xa1: {  	v41 =	vld [tilespmem:s3+$0x3450];
	v19 =	vmul.f32 v57, v6;
	[tilespmem:s3+$0x3580] =	vst v5  }
0xa2: {  	v43 =	vld [tilespmem:s3+$0x3470];
	v25 =	vmul.f32 v3, v61;
	[tilespmem:s3+$0x3590] =	vst v7  }
0xa3: {  	v44 =	vld [tilespmem:s3+$0x3480];
	v12 =	vmul.f32 v34, v31;
	[tilespmem:s3+$0x3540] =	vst v19  }
0xa4: {  	v45 =	vld [tilespmem:s3+$0x3490];
	v10 =	vmul.f32 v38, v40;
	[tilespmem:s3+$0x3000] =	vst v25  }
0xa5: {  	v27 =	vld [tilespmem:s3+$0x35D0];
	v8 =	vmul.f32 v39, v40;
	[tilespmem:s3+$0x33F0] =	vst v12  }
0xa6: {  	v49 =	vbroadcast v2, $0x9;
	v29 =	vld [tilespmem:s3+$0x35F0];
	v9 =	vmul.f32 v41, v40;
	[tilespmem:s3+$0x3430] =	vst v10  }
0xa7: {  	v42 =	vld [tilespmem:s3+$0x3460];
	v11 =	vmul.f32 v43, v40;
	[tilespmem:s3+$0x3440] =	vst v8  }
0xa8: {  	v46 =	vld [tilespmem:s3+$0x34A0];
	v13 =	vmul.f32 v44, v49;
	[tilespmem:s3+$0x3450] =	vst v9  }
0xa9: {  	v47 =	vld [tilespmem:s3+$0x34B0];
	v14 =	vmul.f32 v45, v49;
	[tilespmem:s3+$0x3470] =	vst v11  }
0xaa: {  	v48 =	vld [tilespmem:s3+$0x34C0];
	v32 =	vmul.f32 v27, v24;
	[tilespmem:s3+$0x3480] =	vst v13  }
0xab: {  	v51 =	vld [tilespmem:s3+$0x34E0];
	v7 =	vmul.f32 v29, v24;
	[tilespmem:s3+$0x3490] =	vst v14  }
0xac: {  	v52 =	vld [tilespmem:s3+$0x34F0];
	v12 =	vmul.f32 v42, v40;
	[tilespmem:s3+$0x35D0] =	vst v32  }
0xad: {  	v10 =	vmul.f32 v46, v49;
	[tilespmem:s3+$0x35F0] =	vst v7  }
0xae: {  	v28 =	vld [tilespmem:s3+$0x35E0];
	v8 =	vmul.f32 v47, v49;
	[tilespmem:s3+$0x3460] =	vst v12  }
0xaf: {  	v30 =	vld [tilespmem:s3+$0x3600];
	v9 =	vmul.f32 v48, v49;
	[tilespmem:s3+$0x34A0] =	vst v10  }
0xb0: {  	v50 =	vld [tilespmem:s3+$0x34D0];
	v5 =	vbroadcast v2, $0xF;
	v11 =	vmul.f32 v51, v49;
	[tilespmem:s3+$0x34B0] =	vst v8  }
0xb1: {  	v54 =	vld [tilespmem:s3+$0x3510];
	v13 =	vmul.f32 v52, v49;
	[tilespmem:s3+$0x34C0] =	vst v9  }
0xb2: {  	v55 =	vld [tilespmem:s3+$0x3520];
	v35 =	vbroadcast v2, $0xC;
	v4 =	vmul.f32 v4, v5;
	[tilespmem:s3+$0x34E0] =	vst v11  }
0xb3: {  	v56 =	vld [tilespmem:s3+$0x3530];
	v40 =	vmul.f32 v28, v24;
	[tilespmem:s3+$0x34F0] =	vst v13  }
0xb4: {  	v60 =	vld [tilespmem:s3+$0x3560];
	v16 =	vmul.f32 v30, v35;
	[tilespmem:s3+$0x37D0] =	vst v4  }
0xb5: {  	v62 =	vld [tilespmem:s3+$0x3010];
	v12 =	vmul.f32 v50, v49;
	[tilespmem:s3+$0x35E0] =	vst v40  }
0xb6: {  	v63 =	vld [tilespmem:s3+$0x3040];
	v10 =	vmul.f32 v54, v6;
	[tilespmem:s3+$0x3600] =	vst v16  }
0xb7: {  	v20 =	vld [tilespmem:s3+$0x3050];
	v8 =	vmul.f32 v55, v6;
	[tilespmem:s3+$0x34D0] =	vst v12  }
0xb8: {  	v33 =	vld [tilespmem:s3+$0x3630];
	v9 =	vmul.f32 v56, v6;
	[tilespmem:s3+$0x3510] =	vst v10  }
0xb9: {  	v61 =	vld [tilespmem:s3+$0x37F0];
	v6 =	vmul.f32 v60, v6;
	[tilespmem:s3+$0x3520] =	vst v8  }
0xba: {  	v38 =	vld [tilespmem:s3+$0x3670];
	v13 =	vmul.f32 v62, v3;
	[tilespmem:s3+$0x3530] =	vst v9  }
0xbb: {  	v22 =	vld [tilespmem:s3+$0x35A0];
	v4 =	vmul.f32 v63, v3;
	[tilespmem:s3+$0x3560] =	vst v6  }
0xbc: {  	v23 =	vld [tilespmem:s3+$0x35B0];
	v3 =	vmul.f32 v20, v3;
	[tilespmem:s3+$0x3010] =	vst v13  }
0xbd: {  	v26 =	vld [tilespmem:s3+$0x35C0];
	v62 =	vmul.f32 v33, v35;
	[tilespmem:s3+$0x3040] =	vst v4  }
0xbe: {  	v31 =	vld [tilespmem:s3+$0x3610];
	v63 =	vmul.f32 v61, v5;
	[tilespmem:s3+$0x3050] =	vst v3  }
0xbf: {  	v34 =	vld [tilespmem:s3+$0x3640];
	v16 =	vmul.f32 v38, v35;
	[tilespmem:s3+$0x3630] =	vst v62  }
0xc0: {  	v41 =	vld [tilespmem:s3+$0x36A0];
	v8 =	vmul.f32 v22, v24;
	[tilespmem:s3+$0x37F0] =	vst v63  }
0xc1: {  	v46 =	vld [tilespmem:s3+$0x36E0];
	v9 =	vmul.f32 v23, v24;
	[tilespmem:s3+$0x3670] =	vst v16  }
0xc2: {  	v6 =	vmul.f32 v26, v24;
	v3 =	vld [tilespmem:s3+$0x3690];
	[tilespmem:s3+$0x35A0] =	vst v8  }
0xc3: {  	v36 =	vld [tilespmem:s3+$0x3650];
	v44 =	vbroadcast v2, $0xD;
	v10 =	vmul.f32 v31, v35;
	[tilespmem:s3+$0x35B0] =	vst v9  }
0xc4: {  	v37 =	vld [tilespmem:s3+$0x3660];
	v13 =	vmul.f32 v34, v35;
	[tilespmem:s3+$0x35C0] =	vst v6  }
0xc5: {  	v39 =	vld [tilespmem:s3+$0x3680];
	v12 =	vmul.f32 v41, v44;
	[tilespmem:s3+$0x3610] =	vst v10  }
0xc6: {  	v42 =	vld [tilespmem:s3+$0x36B0];
	v51 =	vmul.f32 v46, v44;
	[tilespmem:s3+$0x3640] =	vst v13  }
0xc7: {  	v48 =	vld [tilespmem:s3+$0x3710];
	[tilespmem:s3+$0x36A0] =	vst v12;
	v3 =	vmul.f32 v3, v44  }
0xc8: {  	v49 =	vld [tilespmem:s3+$0x3720];
	v9 =	vmul.f32 v36, v35;
	[tilespmem:s3+$0x36E0] =	vst v51  }
0xc9: {  	v6 =	vmul.f32 v37, v35;
	[tilespmem:s3+$0x3690] =	vst v3;
	v3 =	vld [tilespmem:s3+$0x3700]  }
0xca: {  	v2 =	vbroadcast v2, $0xE;
	v50 =	vld [tilespmem:s3+$0x3730];
	v10 =	vmul.f32 v39, v44;
	[tilespmem:s3+$0x3650] =	vst v9  }
0xcb: {  	v45 =	vld [tilespmem:s3+$0x36D0];
	v13 =	vmul.f32 v42, v44;
	[tilespmem:s3+$0x3660] =	vst v6  }
0xcc: {  	v47 =	vld [tilespmem:s3+$0x36F0];
	v12 =	vmul.f32 v48, v2;
	[tilespmem:s3+$0x3680] =	vst v10  }
0xcd: {  	v43 =	vld [tilespmem:s3+$0x36C0];
	v11 =	vmul.f32 v49, v2;
	[tilespmem:s3+$0x36B0] =	vst v13  }
0xce: {  	v55 =	vld [tilespmem:s3+$0x3780];
	[tilespmem:s3+$0x3710] =	vst v12;
	v3 =	vmul.f32 v3, v2  }
0xcf: {  	v57 =	vld [tilespmem:s3+$0x37A0];
	v7 =	vmul.f32 v50, v2;
	[tilespmem:s3+$0x3720] =	vst v11  }
0xd0: {  	v6 =	vmul.f32 v45, v44;
	[tilespmem:s3+$0x3700] =	vst v3;
	v3 =	vld [tilespmem:s3+$0x3770]  }
0xd1: {  	v52 =	vld [tilespmem:s3+$0x3740];
	v10 =	vmul.f32 v47, v44;
	[tilespmem:s3+$0x3730] =	vst v7  }
0xd2: {  	v56 =	vld [tilespmem:s3+$0x3790];
	v9 =	vmul.f32 v43, v44;
	[tilespmem:s3+$0x36D0] =	vst v6  }
0xd3: {  	v54 =	vld [tilespmem:s3+$0x3760];
	v12 =	vmul.f32 v55, v5;
	[tilespmem:s3+$0x36F0] =	vst v10  }
0xd4: {  	v58 =	vld [tilespmem:s3+$0x37B0];
	v7 =	vmul.f32 v57, v5;
	[tilespmem:s3+$0x36C0] =	vst v9  }
0xd5: {  	v53 =	vld [tilespmem:s3+$0x3750];
	[tilespmem:s3+$0x3780] =	vst v12;
	v3 =	vmul.f32 v3, v2  }
0xd6: {  	v59 =	vld [tilespmem:s3+$0x37C0];
	v6 =	vmul.f32 v52, v2;
	[tilespmem:s3+$0x37A0] =	vst v7  }
0xd7: {  	v60 =	vld [tilespmem:s3+$0x37E0];
	[tilespmem:s3+$0x3770] =	vst v3;
	v3 =	vmul.f32 v56, v5  }
0xd8: {  	v10 =	vmul.f32 v54, v2;
	[tilespmem:s3+$0x3740] =	vst v6  }
0xd9: {  	v4 =	vld [tilespmem:s3+$0x3620];
	[tilespmem:s3+$0x3790] =	vst v3;
	v3 =	vmul.f32 v58, v5  }
0xda: {  	[tilespmem:s3+$0x3760] =	vst v10;
	v2 =	vmul.f32 v53, v2  }
0xdb: {  	[tilespmem:s3+$0x37B0] =	vst v3;
	v3 =	vmul.f32 v59, v5  }
0xdc: {  	[tilespmem:s3+$0x3750] =	vst v2;
	v5 =	vmul.f32 v60, v5  }
0xdd: {  	[tilespmem:s3+$0x37C0] =	vst v3  }
0xde: {  	s4 =	simm.s32 $0x1;
	v3 =	vmul.f32 v4, v35;
	[tilespmem:s3+$0x37E0] =	vst v5  }
.LBB2_6:
0xdf: {  	s9 =	sshll.u32 s4, $0x4  }
0xe0: {  	p1 =	sne.s32 s4, $0x4;
	[tilespmem:s3+$0x3620] =	vst v3;
	s3 =	smov.u32 s4;
	s4 =	sadd.s32 $0x1, s4  }
0xe1: {  	s9 =	sand.u32 $0x3FFFFFF0, s9  }
0xe2: {  	v2 =	vld.idx.msk [tilespmem:v1+s9+$0x0 ss:$0x1], $0xffff  }
0xe3: {  	s3 =	sshll.u32 s3, $0xB  }
0xe4: {  	s3 =	sand.u32 $0x3FFFF800, s3  }
0xe5: {  	v9 =	vld [tilespmem:s3+$0x30C0]  }
0xe6: {  	v10 =	vld [tilespmem:s3+$0x30D0]  }
0xe7: {  	v11 =	vld [tilespmem:s3+$0x30B0]  }
0xe8: {  	v3 =	vbroadcast v2, $0x0;
	v8 =	vbroadcast v2, $0x4;
	v4 =	vld [tilespmem:s3+$0x3020]  }
0xe9: {  	v6 =	vld [tilespmem:s3+$0x3030]  }
0xea: {  	v7 =	vld [tilespmem:s3+$0x3570]  }
0xeb: {  	v12 =	vld [tilespmem:s3+$0x3060]  }
0xec: {  	v13 =	vld [tilespmem:s3+$0x3070]  }
0xed: {  	v5 =	vbroadcast v2, $0xA;
	v4 =	vmul.f32 v4, v3;
	v14 =	vld [tilespmem:s3+$0x3080]  }
0xee: {  	v6 =	vmul.f32 v6, v3;
	v15 =	vld [tilespmem:s3+$0x3090]  }
0xef: {  	[tilespmem:s3+$0x3020] =	vst v4;
	v16 =	vld [tilespmem:s3+$0x30A0];
	v4 =	vmul.f32 v7, v5  }
0xf0: {  	[tilespmem:s3+$0x3030] =	vst v6;
	v7 =	vmul.f32 v12, v3;
	v12 =	vbroadcast v2, $0x1;
	v6 =	vld [tilespmem:s3+$0x3580]  }
0xf1: {  	v13 =	vmul.f32 v13, v3;
	[tilespmem:s3+$0x3570] =	vst v4;
	v4 =	vld [tilespmem:s3+$0x37D0]  }
0xf2: {  	[tilespmem:s3+$0x3060] =	vst v7;
	v14 =	vmul.f32 v14, v12;
	v7 =	vld [tilespmem:s3+$0x3590]  }
0xf3: {  	[tilespmem:s3+$0x3070] =	vst v13;
	v13 =	vmul.f32 v15, v12;
	v15 =	vld [tilespmem:s3+$0x30E0]  }
0xf4: {  	[tilespmem:s3+$0x3080] =	vst v14;
	v14 =	vmul.f32 v16, v12;
	v16 =	vld [tilespmem:s3+$0x30F0]  }
0xf5: {  	v11 =	vmul.f32 v11, v12;
	[tilespmem:s3+$0x3090] =	vst v13;
	v13 =	vld [tilespmem:s3+$0x3100]  }
0xf6: {  	v9 =	vmul.f32 v9, v12;
	[tilespmem:s3+$0x30A0] =	vst v14;
	v14 =	vld [tilespmem:s3+$0x3110]  }
0xf7: {  	v10 =	vmul.f32 v10, v12;
	[tilespmem:s3+$0x30B0] =	vst v11;
	v11 =	vld [tilespmem:s3+$0x3120]  }
0xf8: {  	[tilespmem:s3+$0x30C0] =	vst v9;
	v9 =	vmul.f32 v15, v12;
	v15 =	vbroadcast v2, $0x2;
	v17 =	vld [tilespmem:s3+$0x3130]  }
0xf9: {  	[tilespmem:s3+$0x30D0] =	vst v10;
	v10 =	vmul.f32 v16, v12;
	v12 =	vld [tilespmem:s3+$0x3140]  }
0xfa: {  	[tilespmem:s3+$0x30E0] =	vst v9;
	v9 =	vmul.f32 v13, v15;
	v13 =	vld [tilespmem:s3+$0x3150]  }
0xfb: {  	[tilespmem:s3+$0x30F0] =	vst v10;
	v10 =	vmul.f32 v14, v15;
	v14 =	vld [tilespmem:s3+$0x3160]  }
0xfc: {  	[tilespmem:s3+$0x3100] =	vst v9;
	v9 =	vmul.f32 v11, v15;
	v11 =	vld [tilespmem:s3+$0x3170]  }
0xfd: {  	[tilespmem:s3+$0x3110] =	vst v10;
	v10 =	vmul.f32 v17, v15;
	v16 =	vld [tilespmem:s3+$0x3180]  }
0xfe: {  	[tilespmem:s3+$0x3120] =	vst v9;
	v9 =	vmul.f32 v12, v15;
	v12 =	vld [tilespmem:s3+$0x3190]  }
0xff: {  	[tilespmem:s3+$0x3130] =	vst v10;
	v10 =	vmul.f32 v13, v15;
	v13 =	vld [tilespmem:s3+$0x31A0]  }
0x100: {  	[tilespmem:s3+$0x3140] =	vst v9;
	v9 =	vmul.f32 v14, v15;
	v14 =	vbroadcast v2, $0x3;
	v17 =	vld [tilespmem:s3+$0x31B0]  }
0x101: {  	[tilespmem:s3+$0x3150] =	vst v10;
	v10 =	vmul.f32 v11, v15;
	v11 =	vld [tilespmem:s3+$0x31C0]  }
0x102: {  	[tilespmem:s3+$0x3160] =	vst v9;
	v9 =	vmul.f32 v16, v14;
	v15 =	vld [tilespmem:s3+$0x31D0]  }
0x103: {  	[tilespmem:s3+$0x3170] =	vst v10;
	v10 =	vmul.f32 v12, v14;
	v12 =	vld [tilespmem:s3+$0x31E0]  }
0x104: {  	[tilespmem:s3+$0x3180] =	vst v9;
	v9 =	vmul.f32 v13, v14;
	v13 =	vld [tilespmem:s3+$0x31F0]  }
0x105: {  	[tilespmem:s3+$0x3190] =	vst v10;
	v10 =	vmul.f32 v17, v14;
	v16 =	vld [tilespmem:s3+$0x3200]  }
0x106: {  	[tilespmem:s3+$0x31A0] =	vst v9;
	v9 =	vmul.f32 v11, v14;
	v11 =	vld [tilespmem:s3+$0x3210]  }
0x107: {  	[tilespmem:s3+$0x31B0] =	vst v10;
	v10 =	vmul.f32 v15, v14;
	v15 =	vld [tilespmem:s3+$0x3220]  }
0x108: {  	[tilespmem:s3+$0x31C0] =	vst v9;
	v9 =	vmul.f32 v12, v14;
	v12 =	vld [tilespmem:s3+$0x3230]  }
0x109: {  	[tilespmem:s3+$0x31D0] =	vst v10;
	v10 =	vmul.f32 v13, v14;
	v13 =	vld [tilespmem:s3+$0x3240]  }
0x10a: {  	[tilespmem:s3+$0x31E0] =	vst v9;
	v9 =	vmul.f32 v16, v8;
	v14 =	vld [tilespmem:s3+$0x3250]  }
0x10b: {  	[tilespmem:s3+$0x31F0] =	vst v10;
	v10 =	vmul.f32 v11, v8;
	v11 =	vld [tilespmem:s3+$0x3260]  }
0x10c: {  	[tilespmem:s3+$0x3200] =	vst v9;
	v9 =	vmul.f32 v15, v8;
	v15 =	vld [tilespmem:s3+$0x3270]  }
0x10d: {  	[tilespmem:s3+$0x3210] =	vst v10;
	v10 =	vmul.f32 v12, v8;
	v12 =	vld [tilespmem:s3+$0x3280]  }
0x10e: {  	[tilespmem:s3+$0x3220] =	vst v9;
	v9 =	vmul.f32 v13, v8;
	v13 =	vld [tilespmem:s3+$0x3290]  }
0x10f: {  	[tilespmem:s3+$0x3230] =	vst v10;
	v10 =	vmul.f32 v14, v8;
	v14 =	vld [tilespmem:s3+$0x32A0]  }
0x110: {  	[tilespmem:s3+$0x3240] =	vst v9;
	v9 =	vmul.f32 v11, v8;
	v11 =	vbroadcast v2, $0x5;
	v16 =	vld [tilespmem:s3+$0x32B0]  }
0x111: {  	[tilespmem:s3+$0x3250] =	vst v10;
	v8 =	vmul.f32 v15, v8;
	v10 =	vld [tilespmem:s3+$0x32C0]  }
0x112: {  	[tilespmem:s3+$0x3260] =	vst v9;
	v9 =	vmul.f32 v12, v11;
	v12 =	vld [tilespmem:s3+$0x32D0]  }
0x113: {  	[tilespmem:s3+$0x3270] =	vst v8;
	v8 =	vmul.f32 v13, v11;
	v13 =	vld [tilespmem:s3+$0x32E0]  }
0x114: {  	[tilespmem:s3+$0x3280] =	vst v9;
	v9 =	vmul.f32 v14, v11;
	v14 =	vld [tilespmem:s3+$0x32F0]  }
0x115: {  	[tilespmem:s3+$0x3290] =	vst v8;
	v8 =	vmul.f32 v16, v11;
	v15 =	vld [tilespmem:s3+$0x3300]  }
0x116: {  	[tilespmem:s3+$0x32A0] =	vst v9;
	v9 =	vmul.f32 v10, v11;
	v10 =	vld [tilespmem:s3+$0x3310]  }
0x117: {  	[tilespmem:s3+$0x32B0] =	vst v8;
	v8 =	vmul.f32 v12, v11;
	v12 =	vld [tilespmem:s3+$0x3320]  }
0x118: {  	[tilespmem:s3+$0x32C0] =	vst v9;
	v9 =	vmul.f32 v13, v11;
	v13 =	vbroadcast v2, $0x6;
	v16 =	vld [tilespmem:s3+$0x3330]  }
0x119: {  	[tilespmem:s3+$0x32D0] =	vst v8;
	v8 =	vmul.f32 v14, v11;
	v11 =	vld [tilespmem:s3+$0x3340]  }
0x11a: {  	[tilespmem:s3+$0x32E0] =	vst v9;
	v9 =	vmul.f32 v15, v13;
	v14 =	vld [tilespmem:s3+$0x3350]  }
0x11b: {  	[tilespmem:s3+$0x32F0] =	vst v8;
	v8 =	vmul.f32 v10, v13;
	v10 =	vld [tilespmem:s3+$0x3360]  }
0x11c: {  	[tilespmem:s3+$0x3300] =	vst v9;
	v9 =	vmul.f32 v12, v13;
	v12 =	vld [tilespmem:s3+$0x3370]  }
0x11d: {  	[tilespmem:s3+$0x3310] =	vst v8;
	v8 =	vmul.f32 v16, v13;
	v15 =	vld [tilespmem:s3+$0x3380]  }
0x11e: {  	[tilespmem:s3+$0x3320] =	vst v9;
	v9 =	vmul.f32 v11, v13;
	v11 =	vld [tilespmem:s3+$0x3390]  }
0x11f: {  	[tilespmem:s3+$0x3330] =	vst v8;
	v8 =	vmul.f32 v14, v13;
	v14 =	vld [tilespmem:s3+$0x33A0]  }
0x120: {  	[tilespmem:s3+$0x3340] =	vst v9;
	v9 =	vmul.f32 v10, v13;
	v10 =	vbroadcast v2, $0x7;
	v16 =	vld [tilespmem:s3+$0x33B0]  }
0x121: {  	[tilespmem:s3+$0x3350] =	vst v8;
	v8 =	vmul.f32 v12, v13;
	v12 =	vld [tilespmem:s3+$0x33C0]  }
0x122: {  	[tilespmem:s3+$0x3360] =	vst v9;
	v9 =	vmul.f32 v15, v10;
	v13 =	vld [tilespmem:s3+$0x33D0]  }
0x123: {  	[tilespmem:s3+$0x3370] =	vst v8;
	v8 =	vmul.f32 v11, v10;
	v11 =	vld [tilespmem:s3+$0x33E0]  }
0x124: {  	[tilespmem:s3+$0x3380] =	vst v9;
	v9 =	vmul.f32 v14, v10;
	v14 =	vld [tilespmem:s3+$0x33F0]  }
0x125: {  	[tilespmem:s3+$0x3390] =	vst v8;
	v8 =	vmul.f32 v16, v10;
	v15 =	vld [tilespmem:s3+$0x3400]  }
0x126: {  	[tilespmem:s3+$0x33A0] =	vst v9;
	v9 =	vmul.f32 v12, v10;
	v12 =	vld [tilespmem:s3+$0x3410]  }
0x127: {  	[tilespmem:s3+$0x33B0] =	vst v8;
	v8 =	vmul.f32 v13, v10;
	v13 =	vld [tilespmem:s3+$0x3420]  }
0x128: {  	[tilespmem:s3+$0x33C0] =	vst v9;
	v9 =	vmul.f32 v11, v10;
	v11 =	vbroadcast v2, $0x8;
	v16 =	vld [tilespmem:s3+$0x3430]  }
0x129: {  	[tilespmem:s3+$0x33D0] =	vst v8;
	v8 =	vmul.f32 v14, v10;
	v10 =	vld [tilespmem:s3+$0x3440]  }
0x12a: {  	[tilespmem:s3+$0x33E0] =	vst v9;
	v9 =	vmul.f32 v15, v11;
	v14 =	vld [tilespmem:s3+$0x3450]  }
0x12b: {  	[tilespmem:s3+$0x33F0] =	vst v8;
	v8 =	vmul.f32 v12, v11;
	v12 =	vld [tilespmem:s3+$0x3460]  }
0x12c: {  	[tilespmem:s3+$0x3400] =	vst v9;
	v9 =	vmul.f32 v13, v11;
	v13 =	vld [tilespmem:s3+$0x3470]  }
0x12d: {  	[tilespmem:s3+$0x3410] =	vst v8;
	v8 =	vmul.f32 v16, v11;
	v15 =	vld [tilespmem:s3+$0x3480]  }
0x12e: {  	[tilespmem:s3+$0x3420] =	vst v9;
	v9 =	vmul.f32 v10, v11;
	v10 =	vld [tilespmem:s3+$0x3490]  }
0x12f: {  	[tilespmem:s3+$0x3430] =	vst v8;
	v8 =	vmul.f32 v14, v11;
	v14 =	vld [tilespmem:s3+$0x34A0]  }
0x130: {  	[tilespmem:s3+$0x3440] =	vst v9;
	v9 =	vmul.f32 v12, v11;
	v12 =	vbroadcast v2, $0x9;
	v16 =	vld [tilespmem:s3+$0x34B0]  }
0x131: {  	[tilespmem:s3+$0x3450] =	vst v8;
	v8 =	vmul.f32 v13, v11;
	v11 =	vld [tilespmem:s3+$0x34C0]  }
0x132: {  	[tilespmem:s3+$0x3460] =	vst v9;
	v9 =	vmul.f32 v15, v12;
	v13 =	vld [tilespmem:s3+$0x34D0]  }
0x133: {  	[tilespmem:s3+$0x3470] =	vst v8;
	v8 =	vmul.f32 v10, v12;
	v10 =	vld [tilespmem:s3+$0x34E0]  }
0x134: {  	[tilespmem:s3+$0x3480] =	vst v9;
	v9 =	vmul.f32 v14, v12;
	v14 =	vld [tilespmem:s3+$0x34F0]  }
0x135: {  	[tilespmem:s3+$0x3490] =	vst v8;
	v8 =	vmul.f32 v16, v12;
	v15 =	vld [tilespmem:s3+$0x3500]  }
0x136: {  	[tilespmem:s3+$0x34A0] =	vst v9;
	v9 =	vmul.f32 v11, v12;
	v11 =	vld [tilespmem:s3+$0x3510]  }
0x137: {  	[tilespmem:s3+$0x34B0] =	vst v8;
	v8 =	vmul.f32 v13, v12;
	v13 =	vld [tilespmem:s3+$0x3520]  }
0x138: {  	[tilespmem:s3+$0x34C0] =	vst v9;
	v9 =	vmul.f32 v10, v12;
	v10 =	vld [tilespmem:s3+$0x3530]  }
0x139: {  	[tilespmem:s3+$0x34D0] =	vst v8;
	v8 =	vmul.f32 v14, v12;
	v12 =	vld [tilespmem:s3+$0x3540]  }
0x13a: {  	[tilespmem:s3+$0x34E0] =	vst v9;
	v9 =	vmul.f32 v15, v5;
	v14 =	vld [tilespmem:s3+$0x3550]  }
0x13b: {  	[tilespmem:s3+$0x34F0] =	vst v8;
	v8 =	vmul.f32 v11, v5;
	v11 =	vld [tilespmem:s3+$0x3560]  }
0x13c: {  	v15 =	vld [tilespmem:s3+$0x3000];
	[tilespmem:s3+$0x3500] =	vst v9;
	v9 =	vmul.f32 v13, v5  }
0x13d: {  	v13 =	vld [tilespmem:s3+$0x3010];
	[tilespmem:s3+$0x3510] =	vst v8;
	v8 =	vmul.f32 v10, v5  }
0x13e: {  	v10 =	vld [tilespmem:s3+$0x3040];
	[tilespmem:s3+$0x3520] =	vst v9;
	v9 =	vmul.f32 v12, v5  }
0x13f: {  	v12 =	vld [tilespmem:s3+$0x3050];
	[tilespmem:s3+$0x3530] =	vst v8;
	v8 =	vmul.f32 v14, v5  }
0x140: {  	[tilespmem:s3+$0x3540] =	vst v9;
	v9 =	vmul.f32 v11, v5;
	v11 =	vbroadcast v2, $0xB;
	v14 =	vld [tilespmem:s3+$0x35A0]  }
0x141: {  	v5 =	vbroadcast v2, $0xF;
	v15 =	vmul.f32 v3, v15;
	[tilespmem:s3+$0x3550] =	vst v8;
	v8 =	vld [tilespmem:s3+$0x35B0]  }
0x142: {  	v13 =	vmul.f32 v13, v3;
	[tilespmem:s3+$0x3560] =	vst v9;
	v6 =	vmul.f32 v6, v11;
	v9 =	vld [tilespmem:s3+$0x35C0]  }
0x143: {  	v7 =	vmul.f32 v7, v11;
	[tilespmem:s3+$0x3000] =	vst v15;
	v10 =	vmul.f32 v10, v3;
	v15 =	vld [tilespmem:s3+$0x35D0]  }
0x144: {  	v4 =	vmul.f32 v4, v5;
	v12 =	vmul.f32 v12, v3;
	[tilespmem:s3+$0x3580] =	vst v6;
	v3 =	vld [tilespmem:s3+$0x35E0]  }
0x145: {  	[tilespmem:s3+$0x3590] =	vst v7;
	v6 =	vmul.f32 v14, v11;
	v7 =	vld [tilespmem:s3+$0x35F0]  }
0x146: {  	v8 =	vmul.f32 v8, v11;
	v14 =	vld [tilespmem:s3+$0x3600];
	[tilespmem:s3+$0x37D0] =	vst v4  }
0x147: {  	[tilespmem:s3+$0x3010] =	vst v13;
	v4 =	vmul.f32 v9, v11;
	v9 =	vld [tilespmem:s3+$0x3610]  }
0x148: {  	[tilespmem:s3+$0x3040] =	vst v10;
	v10 =	vmul.f32 v15, v11;
	v13 =	vld [tilespmem:s3+$0x3620]  }
0x149: {  	v15 =	vbroadcast v2, $0xC;
	[tilespmem:s3+$0x35A0] =	vst v6;
	v6 =	vmul.f32 v3, v11;
	v16 =	vld [tilespmem:s3+$0x3630]  }
0x14a: {  	[tilespmem:s3+$0x35D0] =	vst v10;
	v7 =	vmul.f32 v7, v11;
	v10 =	vld [tilespmem:s3+$0x3640]  }
0x14b: {  	[tilespmem:s3+$0x35B0] =	vst v8;
	v3 =	vmul.f32 v14, v15;
	v8 =	vld [tilespmem:s3+$0x3650]  }
0x14c: {  	[tilespmem:s3+$0x35C0] =	vst v4;
	v4 =	vmul.f32 v9, v15;
	v9 =	vld [tilespmem:s3+$0x3660]  }
0x14d: {  	[tilespmem:s3+$0x3600] =	vst v3;
	v3 =	vmul.f32 v13, v15;
	v11 =	vld [tilespmem:s3+$0x3670]  }
0x14e: {  	[tilespmem:s3+$0x3610] =	vst v4;
	v4 =	vld [tilespmem:s3+$0x3680]  }
0x14f: {  	[tilespmem:s3+$0x3050] =	vst v12;
	v10 =	vmul.f32 v10, v15;
	v12 =	vld [tilespmem:s3+$0x3690]  }
0x150: {  	[tilespmem:s3+$0x35E0] =	vst v6;
	v6 =	vmul.f32 v8, v15;
	v8 =	vld [tilespmem:s3+$0x36A0]  }
0x151: {  	[tilespmem:s3+$0x3640] =	vst v10;
	v9 =	vmul.f32 v9, v15;
	v10 =	vbroadcast v2, $0xD;
	v13 =	vld [tilespmem:s3+$0x36B0]  }
0x152: {  	[tilespmem:s3+$0x3650] =	vst v6;
	v6 =	vmul.f32 v11, v15;
	v11 =	vld [tilespmem:s3+$0x36C0]  }
0x153: {  	[tilespmem:s3+$0x3660] =	vst v9;
	v4 =	vmul.f32 v4, v10;
	v9 =	vld [tilespmem:s3+$0x36D0]  }
0x154: {  	[tilespmem:s3+$0x3670] =	vst v6;
	v6 =	vmul.f32 v12, v10;
	v12 =	vld [tilespmem:s3+$0x36E0]  }
0x155: {  	[tilespmem:s3+$0x3680] =	vst v4;
	v4 =	vmul.f32 v8, v10;
	v8 =	vld [tilespmem:s3+$0x36F0]  }
0x156: {  	[tilespmem:s3+$0x3690] =	vst v6;
	v6 =	vmul.f32 v13, v10;
	v13 =	vld [tilespmem:s3+$0x3700]  }
0x157: {  	[tilespmem:s3+$0x36A0] =	vst v4;
	v4 =	vmul.f32 v11, v10;
	v11 =	vld [tilespmem:s3+$0x3710]  }
0x158: {  	[tilespmem:s3+$0x36B0] =	vst v6;
	v6 =	vmul.f32 v9, v10;
	v9 =	vld [tilespmem:s3+$0x3720]  }
0x159: {  	v2 =	vbroadcast v2, $0xE;
	[tilespmem:s3+$0x35F0] =	vst v7;
	v7 =	vmul.f32 v12, v10;
	v12 =	vld [tilespmem:s3+$0x3730]  }
0x15a: {  	[tilespmem:s3+$0x36D0] =	vst v6;
	v6 =	vmul.f32 v8, v10;
	v8 =	vld [tilespmem:s3+$0x3740]  }
0x15b: {  	[tilespmem:s3+$0x36E0] =	vst v7;
	v7 =	vmul.f32 v13, v2;
	v10 =	vld [tilespmem:s3+$0x3750]  }
0x15c: {  	[tilespmem:s3+$0x36F0] =	vst v6;
	v6 =	vmul.f32 v11, v2;
	v11 =	vld [tilespmem:s3+$0x3760]  }
0x15d: {  	[tilespmem:s3+$0x3700] =	vst v7;
	v7 =	vmul.f32 v9, v2;
	v9 =	vld [tilespmem:s3+$0x3770]  }
0x15e: {  	[tilespmem:s3+$0x3710] =	vst v6;
	v6 =	vmul.f32 v12, v2;
	v12 =	vld [tilespmem:s3+$0x3780]  }
0x15f: {  	[tilespmem:s3+$0x3720] =	vst v7;
	v7 =	vmul.f32 v8, v2;
	v8 =	vld [tilespmem:s3+$0x3790]  }
0x160: {  	[tilespmem:s3+$0x3730] =	vst v6;
	v6 =	vmul.f32 v10, v2;
	v10 =	vld [tilespmem:s3+$0x37A0]  }
0x161: {  	[tilespmem:s3+$0x3740] =	vst v7;
	v7 =	vmul.f32 v11, v2;
	v11 =	vld [tilespmem:s3+$0x37B0]  }
0x162: {  	[tilespmem:s3+$0x36C0] =	vst v4;
	v2 =	vmul.f32 v9, v2;
	v4 =	vld [tilespmem:s3+$0x37C0]  }
0x163: {  	[tilespmem:s3+$0x3760] =	vst v7;
	v7 =	vmul.f32 v12, v5;
	v9 =	vld [tilespmem:s3+$0x37E0]  }
0x164: {  	[tilespmem:s3+$0x3770] =	vst v2;
	v2 =	vmul.f32 v8, v5;
	v8 =	vld [tilespmem:s3+$0x37F0]  }
0x165: {  	[tilespmem:s3+$0x3780] =	vst v7;
	v7 =	vmul.f32 v10, v5  }
0x166: {  	[tilespmem:s3+$0x3790] =	vst v2;
	v2 =	vmul.f32 v11, v5  }
0x167: {  	v10 =	vmul.f32 v16, v15;
	[tilespmem:s3+$0x37A0] =	vst v7  }
0x168: {  	[tilespmem:s3+$0x37B0] =	vst v2;
	v2 =	vmul.f32 v4, v5  }
.Ltmp1:
0x169: {  	[tilespmem:s3+$0x3630] =	vst v10;
	v4 =	vmul.f32 v8, v5;
	(pc) =	sbr.rel @p1 .LBB2_6-.Ltmp1, $4  }
0x16a: {  	[tilespmem:s3+$0x37C0] =	vst v2  }
0x16b: {  	v2 =	vmul.f32 v9, v5;
	[tilespmem:s3+$0x37F0] =	vst v4  }
0x16c: {  	[tilespmem:s3+$0x3750] =	vst v6  }
0x16d: {  	[tilespmem:s3+$0x37E0] =	vst v2  }
0x16e: {  	s31 =	sadd.s32 $0x1, s31  }
0x16f: {  	p1 =	sne.s32 s31, $0x19  }
.Ltmp2:
0x170: {  	[tilespmem:s3+$0x3620] =	vst v3;
	s0 =	sadd.s32 $0x1000, s0;
	(pc) =	sbr.rel @p1 .LBB2_5-.Ltmp2, $4  }
0x171: {  	[spmem:s2] =	stream.indirect.scatter.add.f32 [tilespmem:s20], [sflag:$0x2], $0x80, s0, s24, $0xb8;
	[tilespmem:$0x19080] =	vst v63  }
0x172: {  	_ =	swait.ge [sflag:s21], $0x2800  }
0x173: {  	[sflag:s21] =	ssyncset.done $0x0  }
0x174: {  	[sflag:s21] =	ssyncadd.s32 $0xFFFFD800  }
0x175: {  	s30 =	sadd.s32 $0x1, s30  }
0x176: {  	p1 =	sne.s32 s30, $0x5  }
.Ltmp3:
0x177: {  	_ = 	snop;
	(pc) =	sbr.rel @p1 .LBB2_4-.Ltmp3, $1  }
0x178: {  	_ =	sdelay $0x3  }
0x179: {  	s0 =	stileid.u32  }
0x17a: {  	s0 =	sshll.u32 s0, $0x6  }
0x17b: {  	[bflag:$0x0] =	sbarrier.arrive $0xFFFF;
	s3 =	sshrl.u32 s8, $0x3;
	s0 =	sor.u32 $0x1C02, s0  }
0x17c: {  	[hbm:s17], [sflag:s0] =	dma.local [spmem:s3], $0x2700  }
0x17d: {  	_ =	swait.ge [sflag:s21], $0x2700  }
0x17e: {  	s28 =	sadd.s32 $0x1, s28;
	[sflag:s21] =	ssyncset.done $0x0  }
0x17f: {  	p1 =	sne.s32 s28, s19;
	[sflag:s21] =	ssyncadd.s32 $0xFFFFD900  }
0x180: {  	[hbm:s18], [sflag:s0] =	dma.local @!p0 [spmem:s25], $0x100  }
.Ltmp4:
0x181: {  	_ = 	snop;
	(pc) =	sbr.rel @p1 .LBB2_1-.Ltmp4, $4  }
0x182: {  	s0 =	simm.s32 @!p0 $0x2  }
0x183: {  	_ =	swait.ge @!p0 [sflag:s0], $0x100  }
0x184: {  	[sflag:s0] =	ssyncset.done @!p0 $0x0  }
0x185: {  	[sflag:s0] =	ssyncadd.s32 @!p0 $0xFFFFFF00  }
0x186: {  	_ =	sfence.sel $0x180000  }
0x187: {  	[bflag:$0x0] =	sbarrier.arrive $0xFFFF  }
0x188: {  	_ =	strace $0x90000047  }
0x189: {  	s0 =	stileid.u32;
	[bflag:$0x2] =	sbarrier.arrive $0xFFFF  }
0x18a: {  	p0 =	sne.s32 s0, $0x0;
	s0 =	rddreg [dreg:$0x3]  }
0x18b: {  	s0 =	sadd.s32 @!p0 $0x100000, s0  }
0x18c: {  	[sflag:s0] =	ssyncadd.tile.s32 @!p0 $0x1;
	_ =	shalt  }
.Lfunc_end2:
_tile_overlayer_lowered:
.L_overlay_start_2:
0x18d: {  	(tag) =	ssettag $0x2  }
0x18e: {  	s0 =	rddreg [dreg:$0x0];
	s2 =	stileid.u32  }
0x18f: {  	s1 =	rddreg [dreg:$0x1];
	p0 =	sne.s32 s2, $0x0  }
0x190: {  	s3 =	rddreg [dreg:$0x2];
	[bflag:$0x3] =	sbarrier.arrive $0xFFFF;
	s2 =	simm.s32 @!p0 $0x1C02  }
0x191: {  	[timem:s3], [sflag:s2] =	dma.local @!p0 [hbm:s0], s1  }
0x192: {  	s0 =	simm.s32 @!p0 $0x2  }
0x193: {  	_ =	swait.ge @!p0 [sflag:s0], s1  }
0x194: {  	s1 =	ssub.s32 @!p0 $0x0, s1;
	[sflag:s0] =	ssyncset.done @!p0 $0x0  }
0x195: {  	[sflag:s0] =	ssyncadd.s32 @!p0 s1  }
0x196: {  	[bflag:$0x3] =	sbarrier.arrive $0xFFFF  }
0x197: {  	_ =	shalt  }

</sc_bundles>
